<compile_context>
chip_gen: v7x
topology: tpu7x:2x2x1
jax: 0.10.2.dev20260603
libtpu: 0.0.44.dev20260713+nightly
codegen_flags: <defaults>
</compile_context>

<pallas_src>
import functools

import jax
import jax.numpy as jnp
from jax import lax
from jax.experimental import pallas as pl
from jax.experimental.pallas import tpu as pltpu
from jax.experimental.pallas import tpu_sc as plsc

USR_SIZE = 100000
USR_DIM = 128
PRD_SIZE = 1000000
PRD_DIM = 64
B = 4096

_info = plsc.get_sparse_core_info()
_NC, _NS = _info.num_cores, _info.num_subcores
_NW = _NC * _NS
_BPW = B // _NW
_WAVE = 8

_mesh = plsc.VectorSubcoreMesh(core_axis_name="c", subcore_axis_name="s")


@functools.partial(
    pl.kernel,
    mesh=_mesh,
    out_type=(
        jax.ShapeDtypeStruct((B, USR_DIM), jnp.float32),
        jax.ShapeDtypeStruct((PRD_DIM, B), jnp.float32),
    ),
    scratch_types=[
        pltpu.VMEM((_BPW,), jnp.int32),
        pltpu.VMEM((_BPW, USR_DIM), jnp.float32),
        pltpu.VMEM((_BPW,), jnp.int32),
        pltpu.VMEM((PRD_DIM, _WAVE * 128), jnp.float32),
        pltpu.VMEM((PRD_DIM, _BPW), jnp.float32),
        pltpu.SemaphoreType.DMA,
        pltpu.SemaphoreType.DMA,
    ],
    compiler_params=pltpu.CompilerParams(needs_layout_passes=False),
)
def _lookup(uids_hbm, iids_hbm, utab_hbm, itabT_hbm, out_u, out_iT,
            uidx_v, urows_v, iidx_v, colbuf_v, outT_v, sem_u, sem_i):
    wid = lax.axis_index("s") * _NC + lax.axis_index("c")
    base = wid * _BPW

    pltpu.sync_copy(uids_hbm.at[pl.ds(base, _BPW)], uidx_v)
    cu = pltpu.async_copy(utab_hbm.at[uidx_v], urows_v, sem_u)

    pltpu.sync_copy(iids_hbm.at[pl.ds(base, _BPW)], iidx_v)

    iota16 = lax.iota(jnp.int32, 16)

    def wave(w, carry):
        ivec = iidx_v[pl.ds(w * 16, 16)]
        for sub in range(2):
            copies = []
            for j in range(_WAVE):
                cid = ivec[sub * _WAVE + j]
                start = pl.multiple_of((cid // 128) * 128, 128)
                copies.append(pltpu.async_copy(
                    itabT_hbm.at[:, pl.ds(start, 128)],
                    colbuf_v.at[:, pl.ds(j * 128, 128)], sem_i))
            for c in copies:
                c.wait()
            for j in range(_WAVE):
                cid = ivec[sub * _WAVE + j]
                m = jnp.full((16,), j * 128 + cid % 128, jnp.int32)
                pos = jnp.full((16,), w * 16 + sub * _WAVE + j, jnp.int32)
                for g in range(PRD_DIM // 16):
                    dvec = iota16 + g * 16
                    vals = plsc.load_gather(colbuf_v, [dvec, m])
                    plsc.store_scatter(outT_v, [dvec, pos], vals)
        return carry

    lax.fori_loop(0, _BPW // 16, wave, 0)

    pltpu.sync_copy(outT_v, out_iT.at[:, pl.ds(base, _BPW)])

    cu.wait()
    pltpu.sync_copy(urows_v, out_u.at[pl.ds(base, _BPW)])


def kernel(user_ids, item_ids, user_table, item_table):
    user_emb, item_embT = _lookup(
        user_ids.astype(jnp.int32), item_ids.astype(jnp.int32),
        user_table, item_table.T)
    return user_emb[:, None, :], item_embT.T[:, None, :]

# --- scband reference (transcript-rebuilt; emitter-appended) ---
"""Pipeline reference for scband-user-item-embeddings-1614907703454 (READ-ONLY COPY).

The authoritative reference and input builder live on the scoring server;
editing this copy changes nothing except your own understanding.
"""

import jax, jax.numpy as jnp
import numpy as np

USR_SIZE = 100000
USR_DIM = 128
PRD_SIZE = 1000000
PRD_DIM = 64
B = 4096


def setup_inputs(seed: int = 0) -> dict:
    key = jax.random.key(seed)
    k1, k2, k3, k4 = jax.random.split(key, 4)
    user_ids = jax.random.randint(k1, (B,), 0, USR_SIZE)
    item_ids = jax.random.randint(k2, (B,), 0, PRD_SIZE)
    # Learned parameters (embedding tables). Original module zero-inits; we use
    # small random values so the computation is non-degenerate for benchmarking.
    user_table = jax.random.normal(k3, (USR_SIZE, USR_DIM), dtype=jnp.float32) * 0.02
    item_table = jax.random.normal(k4, (PRD_SIZE, PRD_DIM), dtype=jnp.float32) * 0.02
    return {
        "user_ids": user_ids,
        "item_ids": item_ids,
        "user_table": user_table,
        "item_table": item_table,
    }


def reference(user_ids, item_ids, user_table, item_table):
    # Faithful translation of UserItemEmbeddings.forward
    if user_ids.ndim == 1:
        user_ids = user_ids[:, None]
        item_ids = item_ids[:, None]
    user_emb = jnp.take(user_table, user_ids, axis=0)  # [B, 1, USR_DIM]
    item_emb = jnp.take(item_table, item_ids, axis=0)  # [B, 1, PRD_DIM]
    return (user_emb, item_emb)

if __name__ == "__main__":
    import jax
    _d = setup_inputs()
    print(jax.jit(kernel)(*tuple(_d.values())))

</pallas_src>

<mosaic_0001>
#map = affine_map<(d0, d1) -> (0)>
#map1 = affine_map<(d0, d1) -> (0, 0)>
module attributes {stable_mosaic.version = 14 : i64} {
  func.func @_lookup(%arg0: i32, %arg1: i32, %arg2: memref<4096xi32, #tpu.memory_space<hbm>>, %arg3: memref<4096xi32, #tpu.memory_space<hbm>>, %arg4: memref<100000x128xf32, #tpu.memory_space<hbm>>, %arg5: memref<64x1000000xf32, #tpu.memory_space<hbm>>, %arg6: memref<4096x128xf32, #tpu.memory_space<hbm>>, %arg7: memref<64x4096xf32, #tpu.memory_space<hbm>>, %arg8: memref<128xi32, #tpu.memory_space<vmem>>, %arg9: memref<128x128xf32, #tpu.memory_space<vmem>>, %arg10: memref<128xi32, #tpu.memory_space<vmem>>, %arg11: memref<64x1024xf32, #tpu.memory_space<vmem>>, %arg12: memref<64x128xf32, #tpu.memory_space<vmem>>, %arg13: memref<!tpu.dma_semaphore, #tpu.memory_space<semaphore_mem>>, %arg14: memref<!tpu.dma_semaphore, #tpu.memory_space<semaphore_mem>>) attributes {dimension_semantics = [#tpu.dimension_semantics<core_parallel>, #tpu.dimension_semantics<subcore_parallel>], iteration_bounds = array<i64: 2, 16>, scalar_prefetch = 0 : i64, scratch_operands = 7 : i64, tpu.core_type = #tpu.core_type<sc_vector_subcore>, window_params = [{transform_indices = #map}, {transform_indices = #map}, {transform_indices = #map1}, {transform_indices = #map1}, {transform_indices = #map1}, {transform_indices = #map1}]} {
    %mul3A = arith.constant 2 : i32
    %mul3A_0 = arith.muli %arg1, %mul3A : i32
    %add3A = arith.addi %mul3A_0, %arg0 : i32
    %mul3A_1 = arith.constant 128 : i32
    %mul3A_2 = arith.muli %add3A, %mul3A_1 : i32
    "tpu.region"() ({
      %run_scoped3A = tpu.sem_alloc : memref<!tpu.dma_semaphore, #tpu.memory_space<semaphore_mem>>
      %dma_start3A_12 = tpu.memref_slice %arg2[%mul3A_2] : memref<4096xi32, #tpu.memory_space<hbm>> -> memref<128xi32, #tpu.memory_space<hbm>>
      %dma_start3A_13 = tpu.memref_slice %arg2[%mul3A_2] : memref<4096xi32, #tpu.memory_space<hbm>> -> memref<128xi32, #tpu.memory_space<hbm>>
      tpu.enqueue_dma source(%dma_start3A_13 : memref<128xi32, #tpu.memory_space<hbm>>) target(%arg8 : memref<128xi32, #tpu.memory_space<vmem>>) target_semaphore(%run_scoped3A : memref<!tpu.dma_semaphore, #tpu.memory_space<semaphore_mem>>)
      %dma_wait3A_14 = tpu.memref_slice %arg2[%mul3A_2] : memref<4096xi32, #tpu.memory_space<hbm>> -> memref<128xi32, #tpu.memory_space<hbm>>
      %dma_wait3A_15 = tpu.memref_slice %arg2[%mul3A_2] : memref<4096xi32, #tpu.memory_space<hbm>> -> memref<128xi32, #tpu.memory_space<hbm>>
      tpu.wait_dma2 semaphore(%run_scoped3A : memref<!tpu.dma_semaphore, #tpu.memory_space<semaphore_mem>>) src(%dma_wait3A_15 : memref<128xi32, #tpu.memory_space<hbm>>) dst(%arg8 : memref<128xi32, #tpu.memory_space<vmem>>)
      tpu.yield
    }) : () -> ()
    %dma_start3A = arith.constant 0 : i32
    %dma_start3A_3 = arith.constant 0 : i32
    %dma_start3A_4 = tpu.memref_slice %arg4[%dma_start3A, %dma_start3A_3] : memref<100000x128xf32, #tpu.memory_space<hbm>> -> memref<100000x128xf32, #tpu.memory_space<hbm>>
    tpu.enqueue_indirect_dma source(%dma_start3A_4 : memref<100000x128xf32, #tpu.memory_space<hbm>>) target(%arg9 : memref<128x128xf32, #tpu.memory_space<vmem>>) offsets(%arg8 : memref<128xi32, #tpu.memory_space<vmem>>) semaphore(%arg13 : memref<!tpu.dma_semaphore, #tpu.memory_space<semaphore_mem>>)
    "tpu.region"() ({
      %run_scoped3A = tpu.sem_alloc : memref<!tpu.dma_semaphore, #tpu.memory_space<semaphore_mem>>
      %dma_start3A_12 = tpu.memref_slice %arg3[%mul3A_2] : memref<4096xi32, #tpu.memory_space<hbm>> -> memref<128xi32, #tpu.memory_space<hbm>>
      %dma_start3A_13 = tpu.memref_slice %arg3[%mul3A_2] : memref<4096xi32, #tpu.memory_space<hbm>> -> memref<128xi32, #tpu.memory_space<hbm>>
      tpu.enqueue_dma source(%dma_start3A_13 : memref<128xi32, #tpu.memory_space<hbm>>) target(%arg10 : memref<128xi32, #tpu.memory_space<vmem>>) target_semaphore(%run_scoped3A : memref<!tpu.dma_semaphore, #tpu.memory_space<semaphore_mem>>)
      %dma_wait3A_14 = tpu.memref_slice %arg3[%mul3A_2] : memref<4096xi32, #tpu.memory_space<hbm>> -> memref<128xi32, #tpu.memory_space<hbm>>
      %dma_wait3A_15 = tpu.memref_slice %arg3[%mul3A_2] : memref<4096xi32, #tpu.memory_space<hbm>> -> memref<128xi32, #tpu.memory_space<hbm>>
      tpu.wait_dma2 semaphore(%run_scoped3A : memref<!tpu.dma_semaphore, #tpu.memory_space<semaphore_mem>>) src(%dma_wait3A_15 : memref<128xi32, #tpu.memory_space<hbm>>) dst(%arg10 : memref<128xi32, #tpu.memory_space<vmem>>)
      tpu.yield
    }) : () -> ()
    %iota3A = tpu.iota {dimensions = array<i32: 0>} : vector<16xi32>
    %scan3A = arith.constant 0 : i32
    %scan3A_5 = arith.constant 0 : i32
    %scan3A_6 = arith.constant 8 : i32
    %scan3A_7 = arith.addi %scan3A_5, %scan3A_6 : i32
    %scan3A_8 = arith.constant 1 : i32
    scf.for %scan3A_12 = %scan3A_5 to %scan3A_7 step %scan3A_8  : i32 {
      %mul3A_13 = arith.constant 16 : i32
      %mul3A_14 = arith.muli %scan3A_12, %mul3A_13 : i32
      %get3A = arith.index_cast %mul3A_14 : i32 to index
      %get3A_15 = tpu.vector_load %arg10[%get3A] {strides = array<i32>} : memref<128xi32, #tpu.memory_space<vmem>>, vector<16xi32>,
      %slice3A = vector.extract_strided_slice %get3A_15 {offsets = [0], sizes = [1], strides = [1]} : vector<16xi32> to vector<1xi32>
      %squeeze3A = vector.extract %slice3A[0] : i32 from vector<1xi32>
      %jit3A = arith.constant 128 : i32
      %div3A = arith.divsi %squeeze3A, %jit3A : i32
      %sign3A = arith.constant 0 : i32
      %sign3A_16 = arith.cmpi sgt, %squeeze3A, %sign3A : i32
      %sign3A_17 = arith.extui %sign3A_16 : i1 to i32
      %sign3A_18 = arith.constant 0 : i32
      %sign3A_19 = arith.cmpi slt, %squeeze3A, %sign3A_18 : i32
      %sign3A_20 = arith.extui %sign3A_19 : i1 to i32
      %sign3A_21 = arith.subi %sign3A_17, %sign3A_20 : i32
      %sign3A_22 = arith.constant 0 : i32
      %sign3A_23 = arith.cmpi sgt, %jit3A, %sign3A_22 : i32
      %sign3A_24 = arith.extui %sign3A_23 : i1 to i32
      %sign3A_25 = arith.constant 0 : i32
      %sign3A_26 = arith.cmpi slt, %jit3A, %sign3A_25 : i32
      %sign3A_27 = arith.extui %sign3A_26 : i1 to i32
      %sign3A_28 = arith.subi %sign3A_24, %sign3A_27 : i32
      %ne3A = arith.cmpi ne, %sign3A_21, %sign3A_28 : i32
      %rem3A = arith.remsi %squeeze3A, %jit3A : i32
      %ne3A_29 = arith.constant 0 : i32
      %ne3A_30 = arith.cmpi ne, %rem3A, %ne3A_29 : i32
      %and3A = arith.andi %ne3A, %ne3A_30 : i1
      %sub3A = arith.constant 1 : i32
      %sub3A_31 = arith.subi %div3A, %sub3A : i32
      %select_n3A = arith.select %and3A, %sub3A_31, %div3A : i32
      %mul3A_32 = arith.constant 128 : i32
      %mul3A_33 = arith.muli %select_n3A, %mul3A_32 : i32
      %multiple_of3A = tpu.assume_multiple %mul3A_33, 128 : i32
      %dma_start3A_34 = arith.constant 0 : i32
      %dma_start3A_35 = arith.constant 0 : i32
      %dma_start3A_36 = tpu.memref_slice %arg11[%dma_start3A_34, %dma_start3A_35] : memref<64x1024xf32, #tpu.memory_space<vmem>> -> memref<64x128xf32, #tpu.memory_space<vmem>>
      %dma_start3A_37 = arith.constant 0 : i32
      %dma_start3A_38 = tpu.memref_slice %arg5[%dma_start3A_37, %multiple_of3A] : memref<64x1000000xf32, #tpu.memory_space<hbm>> -> memref<64x128xf32, #tpu.memory_space<hbm>>
      %dma_start3A_39 = arith.constant 0 : i32
      %dma_start3A_40 = arith.constant 0 : i32
      %dma_start3A_41 = tpu.memref_slice %arg11[%dma_start3A_39, %dma_start3A_40] : memref<64x1024xf32, #tpu.memory_space<vmem>> -> memref<64x128xf32, #tpu.memory_space<vmem>>
      %dma_start3A_42 = arith.constant 0 : i32
      %dma_start3A_43 = tpu.memref_slice %arg5[%dma_start3A_42, %multiple_of3A] : memref<64x1000000xf32, #tpu.memory_space<hbm>> -> memref<64x128xf32, #tpu.memory_space<hbm>>
      tpu.enqueue_dma source(%dma_start3A_43 : memref<64x128xf32, #tpu.memory_space<hbm>>) target(%dma_start3A_41 : memref<64x128xf32, #tpu.memory_space<vmem>>) target_semaphore(%arg14 : memref<!tpu.dma_semaphore, #tpu.memory_space<semaphore_mem>>)
      %slice3A_44 = vector.extract_strided_slice %get3A_15 {offsets = [1], sizes = [1], strides = [1]} : vector<16xi32> to vector<1xi32>
      %squeeze3A_45 = vector.extract %slice3A_44[0] : i32 from vector<1xi32>
      %jit3A_46 = arith.constant 128 : i32
      %div3A_47 = arith.divsi %squeeze3A_45, %jit3A_46 : i32
      %sign3A_48 = arith.constant 0 : i32
      %sign3A_49 = arith.cmpi sgt, %squeeze3A_45, %sign3A_48 : i32
      %sign3A_50 = arith.extui %sign3A_49 : i1 to i32
      %sign3A_51 = arith.constant 0 : i32
      %sign3A_52 = arith.cmpi slt, %squeeze3A_45, %sign3A_51 : i32
      %sign3A_53 = arith.extui %sign3A_52 : i1 to i32
      %sign3A_54 = arith.subi %sign3A_50, %sign3A_53 : i32
      %sign3A_55 = arith.constant 0 : i32
      %sign3A_56 = arith.cmpi sgt, %jit3A_46, %sign3A_55 : i32
      %sign3A_57 = arith.extui %sign3A_56 : i1 to i32
      %sign3A_58 = arith.constant 0 : i32
      %sign3A_59 = arith.cmpi slt, %jit3A_46, %sign3A_58 : i32
      %sign3A_60 = arith.extui %sign3A_59 : i1 to i32
      %sign3A_61 = arith.subi %sign3A_57, %sign3A_60 : i32
      %ne3A_62 = arith.cmpi ne, %sign3A_54, %sign3A_61 : i32
      %rem3A_63 = arith.remsi %squeeze3A_45, %jit3A_46 : i32
      %ne3A_64 = arith.constant 0 : i32
      %ne3A_65 = arith.cmpi ne, %rem3A_63, %ne3A_64 : i32
      %and3A_66 = arith.andi %ne3A_62, %ne3A_65 : i1
      %sub3A_67 = arith.constant 1 : i32
      %sub3A_68 = arith.subi %div3A_47, %sub3A_67 : i32
      %select_n3A_69 = arith.select %and3A_66, %sub3A_68, %div3A_47 : i32
      %mul3A_70 = arith.constant 128 : i32
      %mul3A_71 = arith.muli %select_n3A_69, %mul3A_70 : i32
      %multiple_of3A_72 = tpu.assume_multiple %mul3A_71, 128 : i32
      %dma_start3A_73 = arith.constant 0 : i32
      %dma_start3A_74 = arith.constant 128 : i32
      %dma_start3A_75 = tpu.memref_slice %arg11[%dma_start3A_73, %dma_start3A_74] : memref<64x1024xf32, #tpu.memory_space<vmem>> -> memref<64x128xf32, #tpu.memory_space<vmem>>
      %dma_start3A_76 = arith.constant 0 : i32
      %dma_start3A_77 = tpu.memref_slice %arg5[%dma_start3A_76, %multiple_of3A_72] : memref<64x1000000xf32, #tpu.memory_space<hbm>> -> memref<64x128xf32, #tpu.memory_space<hbm>>
      %dma_start3A_78 = arith.constant 0 : i32
      %dma_start3A_79 = arith.constant 128 : i32
      %dma_start3A_80 = tpu.memref_slice %arg11[%dma_start3A_78, %dma_start3A_79] : memref<64x1024xf32, #tpu.memory_space<vmem>> -> memref<64x128xf32, #tpu.memory_space<vmem>>
      %dma_start3A_81 = arith.constant 0 : i32
      %dma_start3A_82 = tpu.memref_slice %arg5[%dma_start3A_81, %multiple_of3A_72] : memref<64x1000000xf32, #tpu.memory_space<hbm>> -> memref<64x128xf32, #tpu.memory_space<hbm>>
      tpu.enqueue_dma source(%dma_start3A_82 : memref<64x128xf32, #tpu.memory_space<hbm>>) target(%dma_start3A_80 : memref<64x128xf32, #tpu.memory_space<vmem>>) target_semaphore(%arg14 : memref<!tpu.dma_semaphore, #tpu.memory_space<semaphore_mem>>)
      %slice3A_83 = vector.extract_strided_slice %get3A_15 {offsets = [2], sizes = [1], strides = [1]} : vector<16xi32> to vector<1xi32>
      %squeeze3A_84 = vector.extract %slice3A_83[0] : i32 from vector<1xi32>
      %jit3A_85 = arith.constant 128 : i32
      %div3A_86 = arith.divsi %squeeze3A_84, %jit3A_85 : i32
      %sign3A_87 = arith.constant 0 : i32
      %sign3A_88 = arith.cmpi sgt, %squeeze3A_84, %sign3A_87 : i32
      %sign3A_89 = arith.extui %sign3A_88 : i1 to i32
      %sign3A_90 = arith.constant 0 : i32
      %sign3A_91 = arith.cmpi slt, %squeeze3A_84, %sign3A_90 : i32
      %sign3A_92 = arith.extui %sign3A_91 : i1 to i32
      %sign3A_93 = arith.subi %sign3A_89, %sign3A_92 : i32
      %sign3A_94 = arith.constant 0 : i32
      %sign3A_95 = arith.cmpi sgt, %jit3A_85, %sign3A_94 : i32
      %sign3A_96 = arith.extui %sign3A_95 : i1 to i32
      %sign3A_97 = arith.constant 0 : i32
      %sign3A_98 = arith.cmpi slt, %jit3A_85, %sign3A_97 : i32
      %sign3A_99 = arith.extui %sign3A_98 : i1 to i32
      %sign3A_100 = arith.subi %sign3A_96, %sign3A_99 : i32
      %ne3A_101 = arith.cmpi ne, %sign3A_93, %sign3A_100 : i32
      %rem3A_102 = arith.remsi %squeeze3A_84, %jit3A_85 : i32
      %ne3A_103 = arith.constant 0 : i32
      %ne3A_104 = arith.cmpi ne, %rem3A_102, %ne3A_103 : i32
      %and3A_105 = arith.andi %ne3A_101, %ne3A_104 : i1
      %sub3A_106 = arith.constant 1 : i32
      %sub3A_107 = arith.subi %div3A_86, %sub3A_106 : i32
      %select_n3A_108 = arith.select %and3A_105, %sub3A_107, %div3A_86 : i32
      %mul3A_109 = arith.constant 128 : i32
      %mul3A_110 = arith.muli %select_n3A_108, %mul3A_109 : i32
      %multiple_of3A_111 = tpu.assume_multiple %mul3A_110, 128 : i32
      %dma_start3A_112 = arith.constant 0 : i32
      %dma_start3A_113 = arith.constant 256 : i32
      %dma_start3A_114 = tpu.memref_slice %arg11[%dma_start3A_112, %dma_start3A_113] : memref<64x1024xf32, #tpu.memory_space<vmem>> -> memref<64x128xf32, #tpu.memory_space<vmem>>
      %dma_start3A_115 = arith.constant 0 : i32
      %dma_start3A_116 = tpu.memref_slice %arg5[%dma_start3A_115, %multiple_of3A_111] : memref<64x1000000xf32, #tpu.memory_space<hbm>> -> memref<64x128xf32, #tpu.memory_space<hbm>>
      %dma_start3A_117 = arith.constant 0 : i32
      %dma_start3A_118 = arith.constant 256 : i32
      %dma_start3A_119 = tpu.memref_slice %arg11[%dma_start3A_117, %dma_start3A_118] : memref<64x1024xf32, #tpu.memory_space<vmem>> -> memref<64x128xf32, #tpu.memory_space<vmem>>
      %dma_start3A_120 = arith.constant 0 : i32
      %dma_start3A_121 = tpu.memref_slice %arg5[%dma_start3A_120, %multiple_of3A_111] : memref<64x1000000xf32, #tpu.memory_space<hbm>> -> memref<64x128xf32, #tpu.memory_space<hbm>>
      tpu.enqueue_dma source(%dma_start3A_121 : memref<64x128xf32, #tpu.memory_space<hbm>>) target(%dma_start3A_119 : memref<64x128xf32, #tpu.memory_space<vmem>>) target_semaphore(%arg14 : memref<!tpu.dma_semaphore, #tpu.memory_space<semaphore_mem>>)
      %slice3A_122 = vector.extract_strided_slice %get3A_15 {offsets = [3], sizes = [1], strides = [1]} : vector<16xi32> to vector<1xi32>
      %squeeze3A_123 = vector.extract %slice3A_122[0] : i32 from vector<1xi32>
      %jit3A_124 = arith.constant 128 : i32
      %div3A_125 = arith.divsi %squeeze3A_123, %jit3A_124 : i32
      %sign3A_126 = arith.constant 0 : i32
      %sign3A_127 = arith.cmpi sgt, %squeeze3A_123, %sign3A_126 : i32
      %sign3A_128 = arith.extui %sign3A_127 : i1 to i32
      %sign3A_129 = arith.constant 0 : i32
      %sign3A_130 = arith.cmpi slt, %squeeze3A_123, %sign3A_129 : i32
      %sign3A_131 = arith.extui %sign3A_130 : i1 to i32
      %sign3A_132 = arith.subi %sign3A_128, %sign3A_131 : i32
      %sign3A_133 = arith.constant 0 : i32
      %sign3A_134 = arith.cmpi sgt, %jit3A_124, %sign3A_133 : i32
      %sign3A_135 = arith.extui %sign3A_134 : i1 to i32
      %sign3A_136 = arith.constant 0 : i32
      %sign3A_137 = arith.cmpi slt, %jit3A_124, %sign3A_136 : i32
      %sign3A_138 = arith.extui %sign3A_137 : i1 to i32
      %sign3A_139 = arith.subi %sign3A_135, %sign3A_138 : i32
      %ne3A_140 = arith.cmpi ne, %sign3A_132, %sign3A_139 : i32
      %rem3A_141 = arith.remsi %squeeze3A_123, %jit3A_124 : i32
      %ne3A_142 = arith.constant 0 : i32
      %ne3A_143 = arith.cmpi ne, %rem3A_141, %ne3A_142 : i32
      %and3A_144 = arith.andi %ne3A_140, %ne3A_143 : i1
      %sub3A_145 = arith.constant 1 : i32
      %sub3A_146 = arith.subi %div3A_125, %sub3A_145 : i32
      %select_n3A_147 = arith.select %and3A_144, %sub3A_146, %div3A_125 : i32
      %mul3A_148 = arith.constant 128 : i32
      %mul3A_149 = arith.muli %select_n3A_147, %mul3A_148 : i32
      %multiple_of3A_150 = tpu.assume_multiple %mul3A_149, 128 : i32
      %dma_start3A_151 = arith.constant 0 : i32
      %dma_start3A_152 = arith.constant 384 : i32
      %dma_start3A_153 = tpu.memref_slice %arg11[%dma_start3A_151, %dma_start3A_152] : memref<64x1024xf32, #tpu.memory_space<vmem>> -> memref<64x128xf32, #tpu.memory_space<vmem>>
      %dma_start3A_154 = arith.constant 0 : i32
      %dma_start3A_155 = tpu.memref_slice %arg5[%dma_start3A_154, %multiple_of3A_150] : memref<64x1000000xf32, #tpu.memory_space<hbm>> -> memref<64x128xf32, #tpu.memory_space<hbm>>
      %dma_start3A_156 = arith.constant 0 : i32
      %dma_start3A_157 = arith.constant 384 : i32
      %dma_start3A_158 = tpu.memref_slice %arg11[%dma_start3A_156, %dma_start3A_157] : memref<64x1024xf32, #tpu.memory_space<vmem>> -> memref<64x128xf32, #tpu.memory_space<vmem>>
      %dma_start3A_159 = arith.constant 0 : i32
      %dma_start3A_160 = tpu.memref_slice %arg5[%dma_start3A_159, %multiple_of3A_150] : memref<64x1000000xf32, #tpu.memory_space<hbm>> -> memref<64x128xf32, #tpu.memory_space<hbm>>
      tpu.enqueue_dma source(%dma_start3A_160 : memref<64x128xf32, #tpu.memory_space<hbm>>) target(%dma_start3A_158 : memref<64x128xf32, #tpu.memory_space<vmem>>) target_semaphore(%arg14 : memref<!tpu.dma_semaphore, #tpu.memory_space<semaphore_mem>>)
      %slice3A_161 = vector.extract_strided_slice %get3A_15 {offsets = [4], sizes = [1], strides = [1]} : vector<16xi32> to vector<1xi32>
      %squeeze3A_162 = vector.extract %slice3A_161[0] : i32 from vector<1xi32>
      %jit3A_163 = arith.constant 128 : i32
      %div3A_164 = arith.divsi %squeeze3A_162, %jit3A_163 : i32
      %sign3A_165 = arith.constant 0 : i32
      %sign3A_166 = arith.cmpi sgt, %squeeze3A_162, %sign3A_165 : i32
      %sign3A_167 = arith.extui %sign3A_166 : i1 to i32
      %sign3A_168 = arith.constant 0 : i32
      %sign3A_169 = arith.cmpi slt, %squeeze3A_162, %sign3A_168 : i32
      %sign3A_170 = arith.extui %sign3A_169 : i1 to i32
      %sign3A_171 = arith.subi %sign3A_167, %sign3A_170 : i32
      %sign3A_172 = arith.constant 0 : i32
      %sign3A_173 = arith.cmpi sgt, %jit3A_163, %sign3A_172 : i32
      %sign3A_174 = arith.extui %sign3A_173 : i1 to i32
      %sign3A_175 = arith.constant 0 : i32
      %sign3A_176 = arith.cmpi slt, %jit3A_163, %sign3A_175 : i32
      %sign3A_177 = arith.extui %sign3A_176 : i1 to i32
      %sign3A_178 = arith.subi %sign3A_174, %sign3A_177 : i32
      %ne3A_179 = arith.cmpi ne, %sign3A_171, %sign3A_178 : i32
      %rem3A_180 = arith.remsi %squeeze3A_162, %jit3A_163 : i32
      %ne3A_181 = arith.constant 0 : i32
      %ne3A_182 = arith.cmpi ne, %rem3A_180, %ne3A_181 : i32
      %and3A_183 = arith.andi %ne3A_179, %ne3A_182 : i1
      %sub3A_184 = arith.constant 1 : i32
      %sub3A_185 = arith.subi %div3A_164, %sub3A_184 : i32
      %select_n3A_186 = arith.select %and3A_183, %sub3A_185, %div3A_164 : i32
      %mul3A_187 = arith.constant 128 : i32
      %mul3A_188 = arith.muli %select_n3A_186, %mul3A_187 : i32
      %multiple_of3A_189 = tpu.assume_multiple %mul3A_188, 128 : i32
      %dma_start3A_190 = arith.constant 0 : i32
      %dma_start3A_191 = arith.constant 512 : i32
      %dma_start3A_192 = tpu.memref_slice %arg11[%dma_start3A_190, %dma_start3A_191] : memref<64x1024xf32, #tpu.memory_space<vmem>> -> memref<64x128xf32, #tpu.memory_space<vmem>>
      %dma_start3A_193 = arith.constant 0 : i32
      %dma_start3A_194 = tpu.memref_slice %arg5[%dma_start3A_193, %multiple_of3A_189] : memref<64x1000000xf32, #tpu.memory_space<hbm>> -> memref<64x128xf32, #tpu.memory_space<hbm>>
      %dma_start3A_195 = arith.constant 0 : i32
      %dma_start3A_196 = arith.constant 512 : i32
      %dma_start3A_197 = tpu.memref_slice %arg11[%dma_start3A_195, %dma_start3A_196] : memref<64x1024xf32, #tpu.memory_space<vmem>> -> memref<64x128xf32, #tpu.memory_space<vmem>>
      %dma_start3A_198 = arith.constant 0 : i32
      %dma_start3A_199 = tpu.memref_slice %arg5[%dma_start3A_198, %multiple_of3A_189] : memref<64x1000000xf32, #tpu.memory_space<hbm>> -> memref<64x128xf32, #tpu.memory_space<hbm>>
      tpu.enqueue_dma source(%dma_start3A_199 : memref<64x128xf32, #tpu.memory_space<hbm>>) target(%dma_start3A_197 : memref<64x128xf32, #tpu.memory_space<vmem>>) target_semaphore(%arg14 : memref<!tpu.dma_semaphore, #tpu.memory_space<semaphore_mem>>)
      %slice3A_200 = vector.extract_strided_slice %get3A_15 {offsets = [5], sizes = [1], strides = [1]} : vector<16xi32> to vector<1xi32>
      %squeeze3A_201 = vector.extract %slice3A_200[0] : i32 from vector<1xi32>
      %jit3A_202 = arith.constant 128 : i32
      %div3A_203 = arith.divsi %squeeze3A_201, %jit3A_202 : i32
      %sign3A_204 = arith.constant 0 : i32
      %sign3A_205 = arith.cmpi sgt, %squeeze3A_201, %sign3A_204 : i32
      %sign3A_206 = arith.extui %sign3A_205 : i1 to i32
      %sign3A_207 = arith.constant 0 : i32
      %sign3A_208 = arith.cmpi slt, %squeeze3A_201, %sign3A_207 : i32
      %sign3A_209 = arith.extui %sign3A_208 : i1 to i32
      %sign3A_210 = arith.subi %sign3A_206, %sign3A_209 : i32
      %sign3A_211 = arith.constant 0 : i32
      %sign3A_212 = arith.cmpi sgt, %jit3A_202, %sign3A_211 : i32
      %sign3A_213 = arith.extui %sign3A_212 : i1 to i32
      %sign3A_214 = arith.constant 0 : i32
      %sign3A_215 = arith.cmpi slt, %jit3A_202, %sign3A_214 : i32
      %sign3A_216 = arith.extui %sign3A_215 : i1 to i32
      %sign3A_217 = arith.subi %sign3A_213, %sign3A_216 : i32
      %ne3A_218 = arith.cmpi ne, %sign3A_210, %sign3A_217 : i32
      %rem3A_219 = arith.remsi %squeeze3A_201, %jit3A_202 : i32
      %ne3A_220 = arith.constant 0 : i32
      %ne3A_221 = arith.cmpi ne, %rem3A_219, %ne3A_220 : i32
      %and3A_222 = arith.andi %ne3A_218, %ne3A_221 : i1
      %sub3A_223 = arith.constant 1 : i32
      %sub3A_224 = arith.subi %div3A_203, %sub3A_223 : i32
      %select_n3A_225 = arith.select %and3A_222, %sub3A_224, %div3A_203 : i32
      %mul3A_226 = arith.constant 128 : i32
      %mul3A_227 = arith.muli %select_n3A_225, %mul3A_226 : i32
      %multiple_of3A_228 = tpu.assume_multiple %mul3A_227, 128 : i32
      %dma_start3A_229 = arith.constant 0 : i32
      %dma_start3A_230 = arith.constant 640 : i32
      %dma_start3A_231 = tpu.memref_slice %arg11[%dma_start3A_229, %dma_start3A_230] : memref<64x1024xf32, #tpu.memory_space<vmem>> -> memref<64x128xf32, #tpu.memory_space<vmem>>
      %dma_start3A_232 = arith.constant 0 : i32
      %dma_start3A_233 = tpu.memref_slice %arg5[%dma_start3A_232, %multiple_of3A_228] : memref<64x1000000xf32, #tpu.memory_space<hbm>> -> memref<64x128xf32, #tpu.memory_space<hbm>>
      %dma_start3A_234 = arith.constant 0 : i32
      %dma_start3A_235 = arith.constant 640 : i32
      %dma_start3A_236 = tpu.memref_slice %arg11[%dma_start3A_234, %dma_start3A_235] : memref<64x1024xf32, #tpu.memory_space<vmem>> -> memref<64x128xf32, #tpu.memory_space<vmem>>
      %dma_start3A_237 = arith.constant 0 : i32
      %dma_start3A_238 = tpu.memref_slice %arg5[%dma_start3A_237, %multiple_of3A_228] : memref<64x1000000xf32, #tpu.memory_space<hbm>> -> memref<64x128xf32, #tpu.memory_space<hbm>>
      tpu.enqueue_dma source(%dma_start3A_238 : memref<64x128xf32, #tpu.memory_space<hbm>>) target(%dma_start3A_236 : memref<64x128xf32, #tpu.memory_space<vmem>>) target_semaphore(%arg14 : memref<!tpu.dma_semaphore, #tpu.memory_space<semaphore_mem>>)
      %slice3A_239 = vector.extract_strided_slice %get3A_15 {offsets = [6], sizes = [1], strides = [1]} : vector<16xi32> to vector<1xi32>
      %squeeze3A_240 = vector.extract %slice3A_239[0] : i32 from vector<1xi32>
      %jit3A_241 = arith.constant 128 : i32
      %div3A_242 = arith.divsi %squeeze3A_240, %jit3A_241 : i32
      %sign3A_243 = arith.constant 0 : i32
      %sign3A_244 = arith.cmpi sgt, %squeeze3A_240, %sign3A_243 : i32
      %sign3A_245 = arith.extui %sign3A_244 : i1 to i32
      %sign3A_246 = arith.constant 0 : i32
      %sign3A_247 = arith.cmpi slt, %squeeze3A_240, %sign3A_246 : i32
      %sign3A_248 = arith.extui %sign3A_247 : i1 to i32
      %sign3A_249 = arith.subi %sign3A_245, %sign3A_248 : i32
      %sign3A_250 = arith.constant 0 : i32
      %sign3A_251 = arith.cmpi sgt, %jit3A_241, %sign3A_250 : i32
      %sign3A_252 = arith.extui %sign3A_251 : i1 to i32
      %sign3A_253 = arith.constant 0 : i32
      %sign3A_254 = arith.cmpi slt, %jit3A_241, %sign3A_253 : i32
      %sign3A_255 = arith.extui %sign3A_254 : i1 to i32
      %sign3A_256 = arith.subi %sign3A_252, %sign3A_255 : i32
      %ne3A_257 = arith.cmpi ne, %sign3A_249, %sign3A_256 : i32
      %rem3A_258 = arith.remsi %squeeze3A_240, %jit3A_241 : i32
      %ne3A_259 = arith.constant 0 : i32
      %ne3A_260 = arith.cmpi ne, %rem3A_258, %ne3A_259 : i32
      %and3A_261 = arith.andi %ne3A_257, %ne3A_260 : i1
      %sub3A_262 = arith.constant 1 : i32
      %sub3A_263 = arith.subi %div3A_242, %sub3A_262 : i32
      %select_n3A_264 = arith.select %and3A_261, %sub3A_263, %div3A_242 : i32
      %mul3A_265 = arith.constant 128 : i32
      %mul3A_266 = arith.muli %select_n3A_264, %mul3A_265 : i32
      %multiple_of3A_267 = tpu.assume_multiple %mul3A_266, 128 : i32
      %dma_start3A_268 = arith.constant 0 : i32
      %dma_start3A_269 = arith.constant 768 : i32
      %dma_start3A_270 = tpu.memref_slice %arg11[%dma_start3A_268, %dma_start3A_269] : memref<64x1024xf32, #tpu.memory_space<vmem>> -> memref<64x128xf32, #tpu.memory_space<vmem>>
      %dma_start3A_271 = arith.constant 0 : i32
      %dma_start3A_272 = tpu.memref_slice %arg5[%dma_start3A_271, %multiple_of3A_267] : memref<64x1000000xf32, #tpu.memory_space<hbm>> -> memref<64x128xf32, #tpu.memory_space<hbm>>
      %dma_start3A_273 = arith.constant 0 : i32
      %dma_start3A_274 = arith.constant 768 : i32
      %dma_start3A_275 = tpu.memref_slice %arg11[%dma_start3A_273, %dma_start3A_274] : memref<64x1024xf32, #tpu.memory_space<vmem>> -> memref<64x128xf32, #tpu.memory_space<vmem>>
      %dma_start3A_276 = arith.constant 0 : i32
      %dma_start3A_277 = tpu.memref_slice %arg5[%dma_start3A_276, %multiple_of3A_267] : memref<64x1000000xf32, #tpu.memory_space<hbm>> -> memref<64x128xf32, #tpu.memory_space<hbm>>
      tpu.enqueue_dma source(%dma_start3A_277 : memref<64x128xf32, #tpu.memory_space<hbm>>) target(%dma_start3A_275 : memref<64x128xf32, #tpu.memory_space<vmem>>) target_semaphore(%arg14 : memref<!tpu.dma_semaphore, #tpu.memory_space<semaphore_mem>>)
      %slice3A_278 = vector.extract_strided_slice %get3A_15 {offsets = [7], sizes = [1], strides = [1]} : vector<16xi32> to vector<1xi32>
      %squeeze3A_279 = vector.extract %slice3A_278[0] : i32 from vector<1xi32>
      %jit3A_280 = arith.constant 128 : i32
      %div3A_281 = arith.divsi %squeeze3A_279, %jit3A_280 : i32
      %sign3A_282 = arith.constant 0 : i32
      %sign3A_283 = arith.cmpi sgt, %squeeze3A_279, %sign3A_282 : i32
      %sign3A_284 = arith.extui %sign3A_283 : i1 to i32
      %sign3A_285 = arith.constant 0 : i32
      %sign3A_286 = arith.cmpi slt, %squeeze3A_279, %sign3A_285 : i32
      %sign3A_287 = arith.extui %sign3A_286 : i1 to i32
      %sign3A_288 = arith.subi %sign3A_284, %sign3A_287 : i32
      %sign3A_289 = arith.constant 0 : i32
      %sign3A_290 = arith.cmpi sgt, %jit3A_280, %sign3A_289 : i32
      %sign3A_291 = arith.extui %sign3A_290 : i1 to i32
      %sign3A_292 = arith.constant 0 : i32
      %sign3A_293 = arith.cmpi slt, %jit3A_280, %sign3A_292 : i32
      %sign3A_294 = arith.extui %sign3A_293 : i1 to i32
      %sign3A_295 = arith.subi %sign3A_291, %sign3A_294 : i32
      %ne3A_296 = arith.cmpi ne, %sign3A_288, %sign3A_295 : i32
      %rem3A_297 = arith.remsi %squeeze3A_279, %jit3A_280 : i32
      %ne3A_298 = arith.constant 0 : i32
      %ne3A_299 = arith.cmpi ne, %rem3A_297, %ne3A_298 : i32
      %and3A_300 = arith.andi %ne3A_296, %ne3A_299 : i1
      %sub3A_301 = arith.constant 1 : i32
      %sub3A_302 = arith.subi %div3A_281, %sub3A_301 : i32
      %select_n3A_303 = arith.select %and3A_300, %sub3A_302, %div3A_281 : i32
      %mul3A_304 = arith.constant 128 : i32
      %mul3A_305 = arith.muli %select_n3A_303, %mul3A_304 : i32
      %multiple_of3A_306 = tpu.assume_multiple %mul3A_305, 128 : i32
      %dma_start3A_307 = arith.constant 0 : i32
      %dma_start3A_308 = arith.constant 896 : i32
      %dma_start3A_309 = tpu.memref_slice %arg11[%dma_start3A_307, %dma_start3A_308] : memref<64x1024xf32, #tpu.memory_space<vmem>> -> memref<64x128xf32, #tpu.memory_space<vmem>>
      %dma_start3A_310 = arith.constant 0 : i32
      %dma_start3A_311 = tpu.memref_slice %arg5[%dma_start3A_310, %multiple_of3A_306] : memref<64x1000000xf32, #tpu.memory_space<hbm>> -> memref<64x128xf32, #tpu.memory_space<hbm>>
      %dma_start3A_312 = arith.constant 0 : i32
      %dma_start3A_313 = arith.constant 896 : i32
      %dma_start3A_314 = tpu.memref_slice %arg11[%dma_start3A_312, %dma_start3A_313] : memref<64x1024xf32, #tpu.memory_space<vmem>> -> memref<64x128xf32, #tpu.memory_space<vmem>>
      %dma_start3A_315 = arith.constant 0 : i32
      %dma_start3A_316 = tpu.memref_slice %arg5[%dma_start3A_315, %multiple_of3A_306] : memref<64x1000000xf32, #tpu.memory_space<hbm>> -> memref<64x128xf32, #tpu.memory_space<hbm>>
      tpu.enqueue_dma source(%dma_start3A_316 : memref<64x128xf32, #tpu.memory_space<hbm>>) target(%dma_start3A_314 : memref<64x128xf32, #tpu.memory_space<vmem>>) target_semaphore(%arg14 : memref<!tpu.dma_semaphore, #tpu.memory_space<semaphore_mem>>)
      %dma_wait3A_317 = arith.constant 0 : i32
      %dma_wait3A_318 = arith.constant 0 : i32
      %dma_wait3A_319 = tpu.memref_slice %arg11[%dma_wait3A_317, %dma_wait3A_318] : memref<64x1024xf32, #tpu.memory_space<vmem>> -> memref<64x128xf32, #tpu.memory_space<vmem>>
      %dma_wait3A_320 = arith.constant 0 : i32
      %dma_wait3A_321 = tpu.memref_slice %arg5[%dma_wait3A_320, %multiple_of3A] : memref<64x1000000xf32, #tpu.memory_space<hbm>> -> memref<64x128xf32, #tpu.memory_space<hbm>>
      %dma_wait3A_322 = arith.constant 0 : i32
      %dma_wait3A_323 = arith.constant 0 : i32
      %dma_wait3A_324 = tpu.memref_slice %arg11[%dma_wait3A_322, %dma_wait3A_323] : memref<64x1024xf32, #tpu.memory_space<vmem>> -> memref<64x128xf32, #tpu.memory_space<vmem>>
      %dma_wait3A_325 = arith.constant 0 : i32
      %dma_wait3A_326 = tpu.memref_slice %arg5[%dma_wait3A_325, %multiple_of3A] : memref<64x1000000xf32, #tpu.memory_space<hbm>> -> memref<64x128xf32, #tpu.memory_space<hbm>>
      tpu.wait_dma2 semaphore(%arg14 : memref<!tpu.dma_semaphore, #tpu.memory_space<semaphore_mem>>) src(%dma_wait3A_326 : memref<64x128xf32, #tpu.memory_space<hbm>>) dst(%dma_wait3A_324 : memref<64x128xf32, #tpu.memory_space<vmem>>)
      %dma_wait3A_327 = arith.constant 0 : i32
      %dma_wait3A_328 = arith.constant 128 : i32
      %dma_wait3A_329 = tpu.memref_slice %arg11[%dma_wait3A_327, %dma_wait3A_328] : memref<64x1024xf32, #tpu.memory_space<vmem>> -> memref<64x128xf32, #tpu.memory_space<vmem>>
      %dma_wait3A_330 = arith.constant 0 : i32
      %dma_wait3A_331 = tpu.memref_slice %arg5[%dma_wait3A_330, %multiple_of3A_72] : memref<64x1000000xf32, #tpu.memory_space<hbm>> -> memref<64x128xf32, #tpu.memory_space<hbm>>
      %dma_wait3A_332 = arith.constant 0 : i32
      %dma_wait3A_333 = arith.constant 128 : i32
      %dma_wait3A_334 = tpu.memref_slice %arg11[%dma_wait3A_332, %dma_wait3A_333] : memref<64x1024xf32, #tpu.memory_space<vmem>> -> memref<64x128xf32, #tpu.memory_space<vmem>>
      %dma_wait3A_335 = arith.constant 0 : i32
      %dma_wait3A_336 = tpu.memref_slice %arg5[%dma_wait3A_335, %multiple_of3A_72] : memref<64x1000000xf32, #tpu.memory_space<hbm>> -> memref<64x128xf32, #tpu.memory_space<hbm>>
      tpu.wait_dma2 semaphore(%arg14 : memref<!tpu.dma_semaphore, #tpu.memory_space<semaphore_mem>>) src(%dma_wait3A_336 : memref<64x128xf32, #tpu.memory_space<hbm>>) dst(%dma_wait3A_334 : memref<64x128xf32, #tpu.memory_space<vmem>>)
      %dma_wait3A_337 = arith.constant 0 : i32
      %dma_wait3A_338 = arith.constant 256 : i32
      %dma_wait3A_339 = tpu.memref_slice %arg11[%dma_wait3A_337, %dma_wait3A_338] : memref<64x1024xf32, #tpu.memory_space<vmem>> -> memref<64x128xf32, #tpu.memory_space<vmem>>
      %dma_wait3A_340 = arith.constant 0 : i32
      %dma_wait3A_341 = tpu.memref_slice %arg5[%dma_wait3A_340, %multiple_of3A_111] : memref<64x1000000xf32, #tpu.memory_space<hbm>> -> memref<64x128xf32, #tpu.memory_space<hbm>>
      %dma_wait3A_342 = arith.constant 0 : i32
      %dma_wait3A_343 = arith.constant 256 : i32
      %dma_wait3A_344 = tpu.memref_slice %arg11[%dma_wait3A_342, %dma_wait3A_343] : memref<64x1024xf32, #tpu.memory_space<vmem>> -> memref<64x128xf32, #tpu.memory_space<vmem>>
      %dma_wait3A_345 = arith.constant 0 : i32
      %dma_wait3A_346 = tpu.memref_slice %arg5[%dma_wait3A_345, %multiple_of3A_111] : memref<64x1000000xf32, #tpu.memory_space<hbm>> -> memref<64x128xf32, #tpu.memory_space<hbm>>
      tpu.wait_dma2 semaphore(%arg14 : memref<!tpu.dma_semaphore, #tpu.memory_space<semaphore_mem>>) src(%dma_wait3A_346 : memref<64x128xf32, #tpu.memory_space<hbm>>) dst(%dma_wait3A_344 : memref<64x128xf32, #tpu.memory_space<vmem>>)
      %dma_wait3A_347 = arith.constant 0 : i32
      %dma_wait3A_348 = arith.constant 384 : i32
      %dma_wait3A_349 = tpu.memref_slice %arg11[%dma_wait3A_347, %dma_wait3A_348] : memref<64x1024xf32, #tpu.memory_space<vmem>> -> memref<64x128xf32, #tpu.memory_space<vmem>>
      %dma_wait3A_350 = arith.constant 0 : i32
      %dma_wait3A_351 = tpu.memref_slice %arg5[%dma_wait3A_350, %multiple_of3A_150] : memref<64x1000000xf32, #tpu.memory_space<hbm>> -> memref<64x128xf32, #tpu.memory_space<hbm>>
      %dma_wait3A_352 = arith.constant 0 : i32
      %dma_wait3A_353 = arith.constant 384 : i32
      %dma_wait3A_354 = tpu.memref_slice %arg11[%dma_wait3A_352, %dma_wait3A_353] : memref<64x1024xf32, #tpu.memory_space<vmem>> -> memref<64x128xf32, #tpu.memory_space<vmem>>
      %dma_wait3A_355 = arith.constant 0 : i32
      %dma_wait3A_356 = tpu.memref_slice %arg5[%dma_wait3A_355, %multiple_of3A_150] : memref<64x1000000xf32, #tpu.memory_space<hbm>> -> memref<64x128xf32, #tpu.memory_space<hbm>>
      tpu.wait_dma2 semaphore(%arg14 : memref<!tpu.dma_semaphore, #tpu.memory_space<semaphore_mem>>) src(%dma_wait3A_356 : memref<64x128xf32, #tpu.memory_space<hbm>>) dst(%dma_wait3A_354 : memref<64x128xf32, #tpu.memory_space<vmem>>)
      %dma_wait3A_357 = arith.constant 0 : i32
      %dma_wait3A_358 = arith.constant 512 : i32
      %dma_wait3A_359 = tpu.memref_slice %arg11[%dma_wait3A_357, %dma_wait3A_358] : memref<64x1024xf32, #tpu.memory_space<vmem>> -> memref<64x128xf32, #tpu.memory_space<vmem>>
      %dma_wait3A_360 = arith.constant 0 : i32
      %dma_wait3A_361 = tpu.memref_slice %arg5[%dma_wait3A_360, %multiple_of3A_189] : memref<64x1000000xf32, #tpu.memory_space<hbm>> -> memref<64x128xf32, #tpu.memory_space<hbm>>
      %dma_wait3A_362 = arith.constant 0 : i32
      %dma_wait3A_363 = arith.constant 512 : i32
      %dma_wait3A_364 = tpu.memref_slice %arg11[%dma_wait3A_362, %dma_wait3A_363] : memref<64x1024xf32, #tpu.memory_space<vmem>> -> memref<64x128xf32, #tpu.memory_space<vmem>>
      %dma_wait3A_365 = arith.constant 0 : i32
      %dma_wait3A_366 = tpu.memref_slice %arg5[%dma_wait3A_365, %multiple_of3A_189] : memref<64x1000000xf32, #tpu.memory_space<hbm>> -> memref<64x128xf32, #tpu.memory_space<hbm>>
      tpu.wait_dma2 semaphore(%arg14 : memref<!tpu.dma_semaphore, #tpu.memory_space<semaphore_mem>>) src(%dma_wait3A_366 : memref<64x128xf32, #tpu.memory_space<hbm>>) dst(%dma_wait3A_364 : memref<64x128xf32, #tpu.memory_space<vmem>>)
      %dma_wait3A_367 = arith.constant 0 : i32
      %dma_wait3A_368 = arith.constant 640 : i32
      %dma_wait3A_369 = tpu.memref_slice %arg11[%dma_wait3A_367, %dma_wait3A_368] : memref<64x1024xf32, #tpu.memory_space<vmem>> -> memref<64x128xf32, #tpu.memory_space<vmem>>
      %dma_wait3A_370 = arith.constant 0 : i32
      %dma_wait3A_371 = tpu.memref_slice %arg5[%dma_wait3A_370, %multiple_of3A_228] : memref<64x1000000xf32, #tpu.memory_space<hbm>> -> memref<64x128xf32, #tpu.memory_space<hbm>>
      %dma_wait3A_372 = arith.constant 0 : i32
      %dma_wait3A_373 = arith.constant 640 : i32
      %dma_wait3A_374 = tpu.memref_slice %arg11[%dma_wait3A_372, %dma_wait3A_373] : memref<64x1024xf32, #tpu.memory_space<vmem>> -> memref<64x128xf32, #tpu.memory_space<vmem>>
      %dma_wait3A_375 = arith.constant 0 : i32
      %dma_wait3A_376 = tpu.memref_slice %arg5[%dma_wait3A_375, %multiple_of3A_228] : memref<64x1000000xf32, #tpu.memory_space<hbm>> -> memref<64x128xf32, #tpu.memory_space<hbm>>
      tpu.wait_dma2 semaphore(%arg14 : memref<!tpu.dma_semaphore, #tpu.memory_space<semaphore_mem>>) src(%dma_wait3A_376 : memref<64x128xf32, #tpu.memory_space<hbm>>) dst(%dma_wait3A_374 : memref<64x128xf32, #tpu.memory_space<vmem>>)
      %dma_wait3A_377 = arith.constant 0 : i32
      %dma_wait3A_378 = arith.constant 768 : i32
      %dma_wait3A_379 = tpu.memref_slice %arg11[%dma_wait3A_377, %dma_wait3A_378] : memref<64x1024xf32, #tpu.memory_space<vmem>> -> memref<64x128xf32, #tpu.memory_space<vmem>>
      %dma_wait3A_380 = arith.constant 0 : i32
      %dma_wait3A_381 = tpu.memref_slice %arg5[%dma_wait3A_380, %multiple_of3A_267] : memref<64x1000000xf32, #tpu.memory_space<hbm>> -> memref<64x128xf32, #tpu.memory_space<hbm>>
      %dma_wait3A_382 = arith.constant 0 : i32
      %dma_wait3A_383 = arith.constant 768 : i32
      %dma_wait3A_384 = tpu.memref_slice %arg11[%dma_wait3A_382, %dma_wait3A_383] : memref<64x1024xf32, #tpu.memory_space<vmem>> -> memref<64x128xf32, #tpu.memory_space<vmem>>
      %dma_wait3A_385 = arith.constant 0 : i32
      %dma_wait3A_386 = tpu.memref_slice %arg5[%dma_wait3A_385, %multiple_of3A_267] : memref<64x1000000xf32, #tpu.memory_space<hbm>> -> memref<64x128xf32, #tpu.memory_space<hbm>>
      tpu.wait_dma2 semaphore(%arg14 : memref<!tpu.dma_semaphore, #tpu.memory_space<semaphore_mem>>) src(%dma_wait3A_386 : memref<64x128xf32, #tpu.memory_space<hbm>>) dst(%dma_wait3A_384 : memref<64x128xf32, #tpu.memory_space<vmem>>)
      %dma_wait3A_387 = arith.constant 0 : i32
      %dma_wait3A_388 = arith.constant 896 : i32
      %dma_wait3A_389 = tpu.memref_slice %arg11[%dma_wait3A_387, %dma_wait3A_388] : memref<64x1024xf32, #tpu.memory_space<vmem>> -> memref<64x128xf32, #tpu.memory_space<vmem>>
      %dma_wait3A_390 = arith.constant 0 : i32
      %dma_wait3A_391 = tpu.memref_slice %arg5[%dma_wait3A_390, %multiple_of3A_306] : memref<64x1000000xf32, #tpu.memory_space<hbm>> -> memref<64x128xf32, #tpu.memory_space<hbm>>
      %dma_wait3A_392 = arith.constant 0 : i32
      %dma_wait3A_393 = arith.constant 896 : i32
      %dma_wait3A_394 = tpu.memref_slice %arg11[%dma_wait3A_392, %dma_wait3A_393] : memref<64x1024xf32, #tpu.memory_space<vmem>> -> memref<64x128xf32, #tpu.memory_space<vmem>>
      %dma_wait3A_395 = arith.constant 0 : i32
      %dma_wait3A_396 = tpu.memref_slice %arg5[%dma_wait3A_395, %multiple_of3A_306] : memref<64x1000000xf32, #tpu.memory_space<hbm>> -> memref<64x128xf32, #tpu.memory_space<hbm>>
      tpu.wait_dma2 semaphore(%arg14 : memref<!tpu.dma_semaphore, #tpu.memory_space<semaphore_mem>>) src(%dma_wait3A_396 : memref<64x128xf32, #tpu.memory_space<hbm>>) dst(%dma_wait3A_394 : memref<64x128xf32, #tpu.memory_space<vmem>>)
      %slice3A_397 = vector.extract_strided_slice %get3A_15 {offsets = [0], sizes = [1], strides = [1]} : vector<16xi32> to vector<1xi32>
      %squeeze3A_398 = vector.extract %slice3A_397[0] : i32 from vector<1xi32>
      %jit3A_399 = arith.constant 128 : i32
      %eq3A = arith.constant 0 : i32
      %eq3A_400 = arith.cmpi eq, %jit3A_399, %eq3A : i32
      %jit3A_401 = arith.constant 1 : i32
      %select_n3A_402 = arith.select %eq3A_400, %jit3A_401, %jit3A_399 : i32
      %rem3A_403 = arith.remsi %squeeze3A_398, %select_n3A_402 : i32
      %ne3A_404 = arith.constant 0 : i32
      %ne3A_405 = arith.cmpi ne, %rem3A_403, %ne3A_404 : i32
      %lt3A = arith.constant 0 : i32
      %lt3A_406 = arith.cmpi slt, %rem3A_403, %lt3A : i32
      %lt3A_407 = arith.constant 0 : i32
      %lt3A_408 = arith.cmpi slt, %select_n3A_402, %lt3A_407 : i32
      %ne3A_409 = arith.xori %lt3A_406, %lt3A_408 : i1
      %and3A_410 = arith.andi %ne3A_409, %ne3A_405 : i1
      %add3A_411 = arith.addi %rem3A_403, %select_n3A_402 : i32
      %select_n3A_412 = arith.select %and3A_410, %add3A_411, %rem3A_403 : i32
      %add3A_413 = arith.constant 0 : i32
      %add3A_414 = arith.addi %add3A_413, %select_n3A_412 : i32
      %broadcast_in_dim3A = vector.broadcast %add3A_414 : i32 to vector<16xi32>
      %mul3A_415 = arith.constant 16 : i32
      %mul3A_416 = arith.muli %scan3A_12, %mul3A_415 : i32
      %add3A_417 = arith.constant 0 : i32
      %add3A_418 = arith.addi %mul3A_416, %add3A_417 : i32
      %add3A_419 = arith.constant 0 : i32
      %add3A_420 = arith.addi %add3A_418, %add3A_419 : i32
      %broadcast_in_dim3A_421 = vector.broadcast %add3A_420 : i32 to vector<16xi32>
      %add3A_422 = arith.constant 0 : i32
      %add3A_423 = vector.broadcast %add3A_422 : i32 to vector<16xi32>
      %add3A_424 = arith.addi %iota3A, %add3A_423 : vector<16xi32>
      %gather3A = tpu.vector_load_idx %arg11[%add3A_424, %broadcast_in_dim3A] : memref<64x1024xf32, #tpu.memory_space<vmem>>[vector<16xi32>, vector<16xi32>], vector<16xf32>,
      tpu.vector_store_idx %arg12[%add3A_424, %broadcast_in_dim3A_421], %gather3A : memref<64x128xf32, #tpu.memory_space<vmem>>[vector<16xi32>, vector<16xi32>], vector<16xf32>,
      %add3A_425 = arith.constant 16 : i32
      %add3A_426 = vector.broadcast %add3A_425 : i32 to vector<16xi32>
      %add3A_427 = arith.addi %iota3A, %add3A_426 : vector<16xi32>
      %gather3A_428 = tpu.vector_load_idx %arg11[%add3A_427, %broadcast_in_dim3A] : memref<64x1024xf32, #tpu.memory_space<vmem>>[vector<16xi32>, vector<16xi32>], vector<16xf32>,
      tpu.vector_store_idx %arg12[%add3A_427, %broadcast_in_dim3A_421], %gather3A_428 : memref<64x128xf32, #tpu.memory_space<vmem>>[vector<16xi32>, vector<16xi32>], vector<16xf32>,
      %add3A_429 = arith.constant 32 : i32
      %add3A_430 = vector.broadcast %add3A_429 : i32 to vector<16xi32>
      %add3A_431 = arith.addi %iota3A, %add3A_430 : vector<16xi32>
      %gather3A_432 = tpu.vector_load_idx %arg11[%add3A_431, %broadcast_in_dim3A] : memref<64x1024xf32, #tpu.memory_space<vmem>>[vector<16xi32>, vector<16xi32>], vector<16xf32>,
      tpu.vector_store_idx %arg12[%add3A_431, %broadcast_in_dim3A_421], %gather3A_432 : memref<64x128xf32, #tpu.memory_space<vmem>>[vector<16xi32>, vector<16xi32>], vector<16xf32>,
      %add3A_433 = arith.constant 48 : i32
      %add3A_434 = vector.broadcast %add3A_433 : i32 to vector<16xi32>
      %add3A_435 = arith.addi %iota3A, %add3A_434 : vector<16xi32>
      %gather3A_436 = tpu.vector_load_idx %arg11[%add3A_435, %broadcast_in_dim3A] : memref<64x1024xf32, #tpu.memory_space<vmem>>[vector<16xi32>, vector<16xi32>], vector<16xf32>,
      tpu.vector_store_idx %arg12[%add3A_435, %broadcast_in_dim3A_421], %gather3A_436 : memref<64x128xf32, #tpu.memory_space<vmem>>[vector<16xi32>, vector<16xi32>], vector<16xf32>,
      %slice3A_437 = vector.extract_strided_slice %get3A_15 {offsets = [1], sizes = [1], strides = [1]} : vector<16xi32> to vector<1xi32>
      %squeeze3A_438 = vector.extract %slice3A_437[0] : i32 from vector<1xi32>
      %jit3A_439 = arith.constant 128 : i32
      %eq3A_440 = arith.constant 0 : i32
      %eq3A_441 = arith.cmpi eq, %jit3A_439, %eq3A_440 : i32
      %jit3A_442 = arith.constant 1 : i32
      %select_n3A_443 = arith.select %eq3A_441, %jit3A_442, %jit3A_439 : i32
      %rem3A_444 = arith.remsi %squeeze3A_438, %select_n3A_443 : i32
      %ne3A_445 = arith.constant 0 : i32
      %ne3A_446 = arith.cmpi ne, %rem3A_444, %ne3A_445 : i32
      %lt3A_447 = arith.constant 0 : i32
      %lt3A_448 = arith.cmpi slt, %rem3A_444, %lt3A_447 : i32
      %lt3A_449 = arith.constant 0 : i32
      %lt3A_450 = arith.cmpi slt, %select_n3A_443, %lt3A_449 : i32
      %ne3A_451 = arith.xori %lt3A_448, %lt3A_450 : i1
      %and3A_452 = arith.andi %ne3A_451, %ne3A_446 : i1
      %add3A_453 = arith.addi %rem3A_444, %select_n3A_443 : i32
      %select_n3A_454 = arith.select %and3A_452, %add3A_453, %rem3A_444 : i32
      %add3A_455 = arith.constant 128 : i32
      %add3A_456 = arith.addi %add3A_455, %select_n3A_454 : i32
      %broadcast_in_dim3A_457 = vector.broadcast %add3A_456 : i32 to vector<16xi32>
      %mul3A_458 = arith.constant 16 : i32
      %mul3A_459 = arith.muli %scan3A_12, %mul3A_458 : i32
      %add3A_460 = arith.constant 0 : i32
      %add3A_461 = arith.addi %mul3A_459, %add3A_460 : i32
      %add3A_462 = arith.constant 1 : i32
      %add3A_463 = arith.addi %add3A_461, %add3A_462 : i32
      %broadcast_in_dim3A_464 = vector.broadcast %add3A_463 : i32 to vector<16xi32>
      %add3A_465 = arith.constant 0 : i32
      %add3A_466 = vector.broadcast %add3A_465 : i32 to vector<16xi32>
      %add3A_467 = arith.addi %iota3A, %add3A_466 : vector<16xi32>
      %gather3A_468 = tpu.vector_load_idx %arg11[%add3A_467, %broadcast_in_dim3A_457] : memref<64x1024xf32, #tpu.memory_space<vmem>>[vector<16xi32>, vector<16xi32>], vector<16xf32>,
      tpu.vector_store_idx %arg12[%add3A_467, %broadcast_in_dim3A_464], %gather3A_468 : memref<64x128xf32, #tpu.memory_space<vmem>>[vector<16xi32>, vector<16xi32>], vector<16xf32>,
      %add3A_469 = arith.constant 16 : i32
      %add3A_470 = vector.broadcast %add3A_469 : i32 to vector<16xi32>
      %add3A_471 = arith.addi %iota3A, %add3A_470 : vector<16xi32>
      %gather3A_472 = tpu.vector_load_idx %arg11[%add3A_471, %broadcast_in_dim3A_457] : memref<64x1024xf32, #tpu.memory_space<vmem>>[vector<16xi32>, vector<16xi32>], vector<16xf32>,
      tpu.vector_store_idx %arg12[%add3A_471, %broadcast_in_dim3A_464], %gather3A_472 : memref<64x128xf32, #tpu.memory_space<vmem>>[vector<16xi32>, vector<16xi32>], vector<16xf32>,
      %add3A_473 = arith.constant 32 : i32
      %add3A_474 = vector.broadcast %add3A_473 : i32 to vector<16xi32>
      %add3A_475 = arith.addi %iota3A, %add3A_474 : vector<16xi32>
      %gather3A_476 = tpu.vector_load_idx %arg11[%add3A_475, %broadcast_in_dim3A_457] : memref<64x1024xf32, #tpu.memory_space<vmem>>[vector<16xi32>, vector<16xi32>], vector<16xf32>,
      tpu.vector_store_idx %arg12[%add3A_475, %broadcast_in_dim3A_464], %gather3A_476 : memref<64x128xf32, #tpu.memory_space<vmem>>[vector<16xi32>, vector<16xi32>], vector<16xf32>,
      %add3A_477 = arith.constant 48 : i32
      %add3A_478 = vector.broadcast %add3A_477 : i32 to vector<16xi32>
      %add3A_479 = arith.addi %iota3A, %add3A_478 : vector<16xi32>
      %gather3A_480 = tpu.vector_load_idx %arg11[%add3A_479, %broadcast_in_dim3A_457] : memref<64x1024xf32, #tpu.memory_space<vmem>>[vector<16xi32>, vector<16xi32>], vector<16xf32>,
      tpu.vector_store_idx %arg12[%add3A_479, %broadcast_in_dim3A_464], %gather3A_480 : memref<64x128xf32, #tpu.memory_space<vmem>>[vector<16xi32>, vector<16xi32>], vector<16xf32>,
      %slice3A_481 = vector.extract_strided_slice %get3A_15 {offsets = [2], sizes = [1], strides = [1]} : vector<16xi32> to vector<1xi32>
      %squeeze3A_482 = vector.extract %slice3A_481[0] : i32 from vector<1xi32>
      %jit3A_483 = arith.constant 128 : i32
      %eq3A_484 = arith.constant 0 : i32
      %eq3A_485 = arith.cmpi eq, %jit3A_483, %eq3A_484 : i32
      %jit3A_486 = arith.constant 1 : i32
      %select_n3A_487 = arith.select %eq3A_485, %jit3A_486, %jit3A_483 : i32
      %rem3A_488 = arith.remsi %squeeze3A_482, %select_n3A_487 : i32
      %ne3A_489 = arith.constant 0 : i32
      %ne3A_490 = arith.cmpi ne, %rem3A_488, %ne3A_489 : i32
      %lt3A_491 = arith.constant 0 : i32
      %lt3A_492 = arith.cmpi slt, %rem3A_488, %lt3A_491 : i32
      %lt3A_493 = arith.constant 0 : i32
      %lt3A_494 = arith.cmpi slt, %select_n3A_487, %lt3A_493 : i32
      %ne3A_495 = arith.xori %lt3A_492, %lt3A_494 : i1
      %and3A_496 = arith.andi %ne3A_495, %ne3A_490 : i1
      %add3A_497 = arith.addi %rem3A_488, %select_n3A_487 : i32
      %select_n3A_498 = arith.select %and3A_496, %add3A_497, %rem3A_488 : i32
      %add3A_499 = arith.constant 256 : i32
      %add3A_500 = arith.addi %add3A_499, %select_n3A_498 : i32
      %broadcast_in_dim3A_501 = vector.broadcast %add3A_500 : i32 to vector<16xi32>
      %mul3A_502 = arith.constant 16 : i32
      %mul3A_503 = arith.muli %scan3A_12, %mul3A_502 : i32
      %add3A_504 = arith.constant 0 : i32
      %add3A_505 = arith.addi %mul3A_503, %add3A_504 : i32
      %add3A_506 = arith.constant 2 : i32
      %add3A_507 = arith.addi %add3A_505, %add3A_506 : i32
      %broadcast_in_dim3A_508 = vector.broadcast %add3A_507 : i32 to vector<16xi32>
      %add3A_509 = arith.constant 0 : i32
      %add3A_510 = vector.broadcast %add3A_509 : i32 to vector<16xi32>
      %add3A_511 = arith.addi %iota3A, %add3A_510 : vector<16xi32>
      %gather3A_512 = tpu.vector_load_idx %arg11[%add3A_511, %broadcast_in_dim3A_501] : memref<64x1024xf32, #tpu.memory_space<vmem>>[vector<16xi32>, vector<16xi32>], vector<16xf32>,
      tpu.vector_store_idx %arg12[%add3A_511, %broadcast_in_dim3A_508], %gather3A_512 : memref<64x128xf32, #tpu.memory_space<vmem>>[vector<16xi32>, vector<16xi32>], vector<16xf32>,
      %add3A_513 = arith.constant 16 : i32
      %add3A_514 = vector.broadcast %add3A_513 : i32 to vector<16xi32>
      %add3A_515 = arith.addi %iota3A, %add3A_514 : vector<16xi32>
      %gather3A_516 = tpu.vector_load_idx %arg11[%add3A_515, %broadcast_in_dim3A_501] : memref<64x1024xf32, #tpu.memory_space<vmem>>[vector<16xi32>, vector<16xi32>], vector<16xf32>,
      tpu.vector_store_idx %arg12[%add3A_515, %broadcast_in_dim3A_508], %gather3A_516 : memref<64x128xf32, #tpu.memory_space<vmem>>[vector<16xi32>, vector<16xi32>], vector<16xf32>,
      %add3A_517 = arith.constant 32 : i32
      %add3A_518 = vector.broadcast %add3A_517 : i32 to vector<16xi32>
      %add3A_519 = arith.addi %iota3A, %add3A_518 : vector<16xi32>
      %gather3A_520 = tpu.vector_load_idx %arg11[%add3A_519, %broadcast_in_dim3A_501] : memref<64x1024xf32, #tpu.memory_space<vmem>>[vector<16xi32>, vector<16xi32>], vector<16xf32>,
      tpu.vector_store_idx %arg12[%add3A_519, %broadcast_in_dim3A_508], %gather3A_520 : memref<64x128xf32, #tpu.memory_space<vmem>>[vector<16xi32>, vector<16xi32>], vector<16xf32>,
      %add3A_521 = arith.constant 48 : i32
      %add3A_522 = vector.broadcast %add3A_521 : i32 to vector<16xi32>
      %add3A_523 = arith.addi %iota3A, %add3A_522 : vector<16xi32>
      %gather3A_524 = tpu.vector_load_idx %arg11[%add3A_523, %broadcast_in_dim3A_501] : memref<64x1024xf32, #tpu.memory_space<vmem>>[vector<16xi32>, vector<16xi32>], vector<16xf32>,
      tpu.vector_store_idx %arg12[%add3A_523, %broadcast_in_dim3A_508], %gather3A_524 : memref<64x128xf32, #tpu.memory_space<vmem>>[vector<16xi32>, vector<16xi32>], vector<16xf32>,
      %slice3A_525 = vector.extract_strided_slice %get3A_15 {offsets = [3], sizes = [1], strides = [1]} : vector<16xi32> to vector<1xi32>
      %squeeze3A_526 = vector.extract %slice3A_525[0] : i32 from vector<1xi32>
      %jit3A_527 = arith.constant 128 : i32
      %eq3A_528 = arith.constant 0 : i32
      %eq3A_529 = arith.cmpi eq, %jit3A_527, %eq3A_528 : i32
      %jit3A_530 = arith.constant 1 : i32
      %select_n3A_531 = arith.select %eq3A_529, %jit3A_530, %jit3A_527 : i32
      %rem3A_532 = arith.remsi %squeeze3A_526, %select_n3A_531 : i32
      %ne3A_533 = arith.constant 0 : i32
      %ne3A_534 = arith.cmpi ne, %rem3A_532, %ne3A_533 : i32
      %lt3A_535 = arith.constant 0 : i32
      %lt3A_536 = arith.cmpi slt, %rem3A_532, %lt3A_535 : i32
      %lt3A_537 = arith.constant 0 : i32
      %lt3A_538 = arith.cmpi slt, %select_n3A_531, %lt3A_537 : i32
      %ne3A_539 = arith.xori %lt3A_536, %lt3A_538 : i1
      %and3A_540 = arith.andi %ne3A_539, %ne3A_534 : i1
      %add3A_541 = arith.addi %rem3A_532, %select_n3A_531 : i32
      %select_n3A_542 = arith.select %and3A_540, %add3A_541, %rem3A_532 : i32
      %add3A_543 = arith.constant 384 : i32
      %add3A_544 = arith.addi %add3A_543, %select_n3A_542 : i32
      %broadcast_in_dim3A_545 = vector.broadcast %add3A_544 : i32 to vector<16xi32>
      %mul3A_546 = arith.constant 16 : i32
      %mul3A_547 = arith.muli %scan3A_12, %mul3A_546 : i32
      %add3A_548 = arith.constant 0 : i32
      %add3A_549 = arith.addi %mul3A_547, %add3A_548 : i32
      %add3A_550 = arith.constant 3 : i32
      %add3A_551 = arith.addi %add3A_549, %add3A_550 : i32
      %broadcast_in_dim3A_552 = vector.broadcast %add3A_551 : i32 to vector<16xi32>
      %add3A_553 = arith.constant 0 : i32
      %add3A_554 = vector.broadcast %add3A_553 : i32 to vector<16xi32>
      %add3A_555 = arith.addi %iota3A, %add3A_554 : vector<16xi32>
      %gather3A_556 = tpu.vector_load_idx %arg11[%add3A_555, %broadcast_in_dim3A_545] : memref<64x1024xf32, #tpu.memory_space<vmem>>[vector<16xi32>, vector<16xi32>], vector<16xf32>,
      tpu.vector_store_idx %arg12[%add3A_555, %broadcast_in_dim3A_552], %gather3A_556 : memref<64x128xf32, #tpu.memory_space<vmem>>[vector<16xi32>, vector<16xi32>], vector<16xf32>,
      %add3A_557 = arith.constant 16 : i32
      %add3A_558 = vector.broadcast %add3A_557 : i32 to vector<16xi32>
      %add3A_559 = arith.addi %iota3A, %add3A_558 : vector<16xi32>
      %gather3A_560 = tpu.vector_load_idx %arg11[%add3A_559, %broadcast_in_dim3A_545] : memref<64x1024xf32, #tpu.memory_space<vmem>>[vector<16xi32>, vector<16xi32>], vector<16xf32>,
      tpu.vector_store_idx %arg12[%add3A_559, %broadcast_in_dim3A_552], %gather3A_560 : memref<64x128xf32, #tpu.memory_space<vmem>>[vector<16xi32>, vector<16xi32>], vector<16xf32>,
      %add3A_561 = arith.constant 32 : i32
      %add3A_562 = vector.broadcast %add3A_561 : i32 to vector<16xi32>
      %add3A_563 = arith.addi %iota3A, %add3A_562 : vector<16xi32>
      %gather3A_564 = tpu.vector_load_idx %arg11[%add3A_563, %broadcast_in_dim3A_545] : memref<64x1024xf32, #tpu.memory_space<vmem>>[vector<16xi32>, vector<16xi32>], vector<16xf32>,
      tpu.vector_store_idx %arg12[%add3A_563, %broadcast_in_dim3A_552], %gather3A_564 : memref<64x128xf32, #tpu.memory_space<vmem>>[vector<16xi32>, vector<16xi32>], vector<16xf32>,
      %add3A_565 = arith.constant 48 : i32
      %add3A_566 = vector.broadcast %add3A_565 : i32 to vector<16xi32>
      %add3A_567 = arith.addi %iota3A, %add3A_566 : vector<16xi32>
      %gather3A_568 = tpu.vector_load_idx %arg11[%add3A_567, %broadcast_in_dim3A_545] : memref<64x1024xf32, #tpu.memory_space<vmem>>[vector<16xi32>, vector<16xi32>], vector<16xf32>,
      tpu.vector_store_idx %arg12[%add3A_567, %broadcast_in_dim3A_552], %gather3A_568 : memref<64x128xf32, #tpu.memory_space<vmem>>[vector<16xi32>, vector<16xi32>], vector<16xf32>,
      %slice3A_569 = vector.extract_strided_slice %get3A_15 {offsets = [4], sizes = [1], strides = [1]} : vector<16xi32> to vector<1xi32>
      %squeeze3A_570 = vector.extract %slice3A_569[0] : i32 from vector<1xi32>
      %jit3A_571 = arith.constant 128 : i32
      %eq3A_572 = arith.constant 0 : i32
      %eq3A_573 = arith.cmpi eq, %jit3A_571, %eq3A_572 : i32
      %jit3A_574 = arith.constant 1 : i32
      %select_n3A_575 = arith.select %eq3A_573, %jit3A_574, %jit3A_571 : i32
      %rem3A_576 = arith.remsi %squeeze3A_570, %select_n3A_575 : i32
      %ne3A_577 = arith.constant 0 : i32
      %ne3A_578 = arith.cmpi ne, %rem3A_576, %ne3A_577 : i32
      %lt3A_579 = arith.constant 0 : i32
      %lt3A_580 = arith.cmpi slt, %rem3A_576, %lt3A_579 : i32
      %lt3A_581 = arith.constant 0 : i32
      %lt3A_582 = arith.cmpi slt, %select_n3A_575, %lt3A_581 : i32
      %ne3A_583 = arith.xori %lt3A_580, %lt3A_582 : i1
      %and3A_584 = arith.andi %ne3A_583, %ne3A_578 : i1
      %add3A_585 = arith.addi %rem3A_576, %select_n3A_575 : i32
      %select_n3A_586 = arith.select %and3A_584, %add3A_585, %rem3A_576 : i32
      %add3A_587 = arith.constant 512 : i32
      %add3A_588 = arith.addi %add3A_587, %select_n3A_586 : i32
      %broadcast_in_dim3A_589 = vector.broadcast %add3A_588 : i32 to vector<16xi32>
      %mul3A_590 = arith.constant 16 : i32
      %mul3A_591 = arith.muli %scan3A_12, %mul3A_590 : i32
      %add3A_592 = arith.constant 0 : i32
      %add3A_593 = arith.addi %mul3A_591, %add3A_592 : i32
      %add3A_594 = arith.constant 4 : i32
      %add3A_595 = arith.addi %add3A_593, %add3A_594 : i32
      %broadcast_in_dim3A_596 = vector.broadcast %add3A_595 : i32 to vector<16xi32>
      %add3A_597 = arith.constant 0 : i32
      %add3A_598 = vector.broadcast %add3A_597 : i32 to vector<16xi32>
      %add3A_599 = arith.addi %iota3A, %add3A_598 : vector<16xi32>
      %gather3A_600 = tpu.vector_load_idx %arg11[%add3A_599, %broadcast_in_dim3A_589] : memref<64x1024xf32, #tpu.memory_space<vmem>>[vector<16xi32>, vector<16xi32>], vector<16xf32>,
      tpu.vector_store_idx %arg12[%add3A_599, %broadcast_in_dim3A_596], %gather3A_600 : memref<64x128xf32, #tpu.memory_space<vmem>>[vector<16xi32>, vector<16xi32>], vector<16xf32>,
      %add3A_601 = arith.constant 16 : i32
      %add3A_602 = vector.broadcast %add3A_601 : i32 to vector<16xi32>
      %add3A_603 = arith.addi %iota3A, %add3A_602 : vector<16xi32>
      %gather3A_604 = tpu.vector_load_idx %arg11[%add3A_603, %broadcast_in_dim3A_589] : memref<64x1024xf32, #tpu.memory_space<vmem>>[vector<16xi32>, vector<16xi32>], vector<16xf32>,
      tpu.vector_store_idx %arg12[%add3A_603, %broadcast_in_dim3A_596], %gather3A_604 : memref<64x128xf32, #tpu.memory_space<vmem>>[vector<16xi32>, vector<16xi32>], vector<16xf32>,
      %add3A_605 = arith.constant 32 : i32
      %add3A_606 = vector.broadcast %add3A_605 : i32 to vector<16xi32>
      %add3A_607 = arith.addi %iota3A, %add3A_606 : vector<16xi32>
      %gather3A_608 = tpu.vector_load_idx %arg11[%add3A_607, %broadcast_in_dim3A_589] : memref<64x1024xf32, #tpu.memory_space<vmem>>[vector<16xi32>, vector<16xi32>], vector<16xf32>,
      tpu.vector_store_idx %arg12[%add3A_607, %broadcast_in_dim3A_596], %gather3A_608 : memref<64x128xf32, #tpu.memory_space<vmem>>[vector<16xi32>, vector<16xi32>], vector<16xf32>,
      %add3A_609 = arith.constant 48 : i32
      %add3A_610 = vector.broadcast %add3A_609 : i32 to vector<16xi32>
      %add3A_611 = arith.addi %iota3A, %add3A_610 : vector<16xi32>
      %gather3A_612 = tpu.vector_load_idx %arg11[%add3A_611, %broadcast_in_dim3A_589] : memref<64x1024xf32, #tpu.memory_space<vmem>>[vector<16xi32>, vector<16xi32>], vector<16xf32>,
      tpu.vector_store_idx %arg12[%add3A_611, %broadcast_in_dim3A_596], %gather3A_612 : memref<64x128xf32, #tpu.memory_space<vmem>>[vector<16xi32>, vector<16xi32>], vector<16xf32>,
      %slice3A_613 = vector.extract_strided_slice %get3A_15 {offsets = [5], sizes = [1], strides = [1]} : vector<16xi32> to vector<1xi32>
      %squeeze3A_614 = vector.extract %slice3A_613[0] : i32 from vector<1xi32>
      %jit3A_615 = arith.constant 128 : i32
      %eq3A_616 = arith.constant 0 : i32
      %eq3A_617 = arith.cmpi eq, %jit3A_615, %eq3A_616 : i32
      %jit3A_618 = arith.constant 1 : i32
      %select_n3A_619 = arith.select %eq3A_617, %jit3A_618, %jit3A_615 : i32
      %rem3A_620 = arith.remsi %squeeze3A_614, %select_n3A_619 : i32
      %ne3A_621 = arith.constant 0 : i32
      %ne3A_622 = arith.cmpi ne, %rem3A_620, %ne3A_621 : i32
      %lt3A_623 = arith.constant 0 : i32
      %lt3A_624 = arith.cmpi slt, %rem3A_620, %lt3A_623 : i32
      %lt3A_625 = arith.constant 0 : i32
      %lt3A_626 = arith.cmpi slt, %select_n3A_619, %lt3A_625 : i32
      %ne3A_627 = arith.xori %lt3A_624, %lt3A_626 : i1
      %and3A_628 = arith.andi %ne3A_627, %ne3A_622 : i1
      %add3A_629 = arith.addi %rem3A_620, %select_n3A_619 : i32
      %select_n3A_630 = arith.select %and3A_628, %add3A_629, %rem3A_620 : i32
      %add3A_631 = arith.constant 640 : i32
      %add3A_632 = arith.addi %add3A_631, %select_n3A_630 : i32
      %broadcast_in_dim3A_633 = vector.broadcast %add3A_632 : i32 to vector<16xi32>
      %mul3A_634 = arith.constant 16 : i32
      %mul3A_635 = arith.muli %scan3A_12, %mul3A_634 : i32
      %add3A_636 = arith.constant 0 : i32
      %add3A_637 = arith.addi %mul3A_635, %add3A_636 : i32
      %add3A_638 = arith.constant 5 : i32
      %add3A_639 = arith.addi %add3A_637, %add3A_638 : i32
      %broadcast_in_dim3A_640 = vector.broadcast %add3A_639 : i32 to vector<16xi32>
      %add3A_641 = arith.constant 0 : i32
      %add3A_642 = vector.broadcast %add3A_641 : i32 to vector<16xi32>
      %add3A_643 = arith.addi %iota3A, %add3A_642 : vector<16xi32>
      %gather3A_644 = tpu.vector_load_idx %arg11[%add3A_643, %broadcast_in_dim3A_633] : memref<64x1024xf32, #tpu.memory_space<vmem>>[vector<16xi32>, vector<16xi32>], vector<16xf32>,
      tpu.vector_store_idx %arg12[%add3A_643, %broadcast_in_dim3A_640], %gather3A_644 : memref<64x128xf32, #tpu.memory_space<vmem>>[vector<16xi32>, vector<16xi32>], vector<16xf32>,
      %add3A_645 = arith.constant 16 : i32
      %add3A_646 = vector.broadcast %add3A_645 : i32 to vector<16xi32>
      %add3A_647 = arith.addi %iota3A, %add3A_646 : vector<16xi32>
      %gather3A_648 = tpu.vector_load_idx %arg11[%add3A_647, %broadcast_in_dim3A_633] : memref<64x1024xf32, #tpu.memory_space<vmem>>[vector<16xi32>, vector<16xi32>], vector<16xf32>,
      tpu.vector_store_idx %arg12[%add3A_647, %broadcast_in_dim3A_640], %gather3A_648 : memref<64x128xf32, #tpu.memory_space<vmem>>[vector<16xi32>, vector<16xi32>], vector<16xf32>,
      %add3A_649 = arith.constant 32 : i32
      %add3A_650 = vector.broadcast %add3A_649 : i32 to vector<16xi32>
      %add3A_651 = arith.addi %iota3A, %add3A_650 : vector<16xi32>
      %gather3A_652 = tpu.vector_load_idx %arg11[%add3A_651, %broadcast_in_dim3A_633] : memref<64x1024xf32, #tpu.memory_space<vmem>>[vector<16xi32>, vector<16xi32>], vector<16xf32>,
      tpu.vector_store_idx %arg12[%add3A_651, %broadcast_in_dim3A_640], %gather3A_652 : memref<64x128xf32, #tpu.memory_space<vmem>>[vector<16xi32>, vector<16xi32>], vector<16xf32>,
      %add3A_653 = arith.constant 48 : i32
      %add3A_654 = vector.broadcast %add3A_653 : i32 to vector<16xi32>
      %add3A_655 = arith.addi %iota3A, %add3A_654 : vector<16xi32>
      %gather3A_656 = tpu.vector_load_idx %arg11[%add3A_655, %broadcast_in_dim3A_633] : memref<64x1024xf32, #tpu.memory_space<vmem>>[vector<16xi32>, vector<16xi32>], vector<16xf32>,
      tpu.vector_store_idx %arg12[%add3A_655, %broadcast_in_dim3A_640], %gather3A_656 : memref<64x128xf32, #tpu.memory_space<vmem>>[vector<16xi32>, vector<16xi32>], vector<16xf32>,
      %slice3A_657 = vector.extract_strided_slice %get3A_15 {offsets = [6], sizes = [1], strides = [1]} : vector<16xi32> to vector<1xi32>
      %squeeze3A_658 = vector.extract %slice3A_657[0] : i32 from vector<1xi32>
      %jit3A_659 = arith.constant 128 : i32
      %eq3A_660 = arith.constant 0 : i32
      %eq3A_661 = arith.cmpi eq, %jit3A_659, %eq3A_660 : i32
      %jit3A_662 = arith.constant 1 : i32
      %select_n3A_663 = arith.select %eq3A_661, %jit3A_662, %jit3A_659 : i32
      %rem3A_664 = arith.remsi %squeeze3A_658, %select_n3A_663 : i32
      %ne3A_665 = arith.constant 0 : i32
      %ne3A_666 = arith.cmpi ne, %rem3A_664, %ne3A_665 : i32
      %lt3A_667 = arith.constant 0 : i32
      %lt3A_668 = arith.cmpi slt, %rem3A_664, %lt3A_667 : i32
      %lt3A_669 = arith.constant 0 : i32
      %lt3A_670 = arith.cmpi slt, %select_n3A_663, %lt3A_669 : i32
      %ne3A_671 = arith.xori %lt3A_668, %lt3A_670 : i1
      %and3A_672 = arith.andi %ne3A_671, %ne3A_666 : i1
      %add3A_673 = arith.addi %rem3A_664, %select_n3A_663 : i32
      %select_n3A_674 = arith.select %and3A_672, %add3A_673, %rem3A_664 : i32
      %add3A_675 = arith.constant 768 : i32
      %add3A_676 = arith.addi %add3A_675, %select_n3A_674 : i32
      %broadcast_in_dim3A_677 = vector.broadcast %add3A_676 : i32 to vector<16xi32>
      %mul3A_678 = arith.constant 16 : i32
      %mul3A_679 = arith.muli %scan3A_12, %mul3A_678 : i32
      %add3A_680 = arith.constant 0 : i32
      %add3A_681 = arith.addi %mul3A_679, %add3A_680 : i32
      %add3A_682 = arith.constant 6 : i32
      %add3A_683 = arith.addi %add3A_681, %add3A_682 : i32
      %broadcast_in_dim3A_684 = vector.broadcast %add3A_683 : i32 to vector<16xi32>
      %add3A_685 = arith.constant 0 : i32
      %add3A_686 = vector.broadcast %add3A_685 : i32 to vector<16xi32>
      %add3A_687 = arith.addi %iota3A, %add3A_686 : vector<16xi32>
      %gather3A_688 = tpu.vector_load_idx %arg11[%add3A_687, %broadcast_in_dim3A_677] : memref<64x1024xf32, #tpu.memory_space<vmem>>[vector<16xi32>, vector<16xi32>], vector<16xf32>,
      tpu.vector_store_idx %arg12[%add3A_687, %broadcast_in_dim3A_684], %gather3A_688 : memref<64x128xf32, #tpu.memory_space<vmem>>[vector<16xi32>, vector<16xi32>], vector<16xf32>,
      %add3A_689 = arith.constant 16 : i32
      %add3A_690 = vector.broadcast %add3A_689 : i32 to vector<16xi32>
      %add3A_691 = arith.addi %iota3A, %add3A_690 : vector<16xi32>
      %gather3A_692 = tpu.vector_load_idx %arg11[%add3A_691, %broadcast_in_dim3A_677] : memref<64x1024xf32, #tpu.memory_space<vmem>>[vector<16xi32>, vector<16xi32>], vector<16xf32>,
      tpu.vector_store_idx %arg12[%add3A_691, %broadcast_in_dim3A_684], %gather3A_692 : memref<64x128xf32, #tpu.memory_space<vmem>>[vector<16xi32>, vector<16xi32>], vector<16xf32>,
      %add3A_693 = arith.constant 32 : i32
      %add3A_694 = vector.broadcast %add3A_693 : i32 to vector<16xi32>
      %add3A_695 = arith.addi %iota3A, %add3A_694 : vector<16xi32>
      %gather3A_696 = tpu.vector_load_idx %arg11[%add3A_695, %broadcast_in_dim3A_677] : memref<64x1024xf32, #tpu.memory_space<vmem>>[vector<16xi32>, vector<16xi32>], vector<16xf32>,
      tpu.vector_store_idx %arg12[%add3A_695, %broadcast_in_dim3A_684], %gather3A_696 : memref<64x128xf32, #tpu.memory_space<vmem>>[vector<16xi32>, vector<16xi32>], vector<16xf32>,
      %add3A_697 = arith.constant 48 : i32
      %add3A_698 = vector.broadcast %add3A_697 : i32 to vector<16xi32>
      %add3A_699 = arith.addi %iota3A, %add3A_698 : vector<16xi32>
      %gather3A_700 = tpu.vector_load_idx %arg11[%add3A_699, %broadcast_in_dim3A_677] : memref<64x1024xf32, #tpu.memory_space<vmem>>[vector<16xi32>, vector<16xi32>], vector<16xf32>,
      tpu.vector_store_idx %arg12[%add3A_699, %broadcast_in_dim3A_684], %gather3A_700 : memref<64x128xf32, #tpu.memory_space<vmem>>[vector<16xi32>, vector<16xi32>], vector<16xf32>,
      %slice3A_701 = vector.extract_strided_slice %get3A_15 {offsets = [7], sizes = [1], strides = [1]} : vector<16xi32> to vector<1xi32>
      %squeeze3A_702 = vector.extract %slice3A_701[0] : i32 from vector<1xi32>
      %jit3A_703 = arith.constant 128 : i32
      %eq3A_704 = arith.constant 0 : i32
      %eq3A_705 = arith.cmpi eq, %jit3A_703, %eq3A_704 : i32
      %jit3A_706 = arith.constant 1 : i32
      %select_n3A_707 = arith.select %eq3A_705, %jit3A_706, %jit3A_703 : i32
      %rem3A_708 = arith.remsi %squeeze3A_702, %select_n3A_707 : i32
      %ne3A_709 = arith.constant 0 : i32
      %ne3A_710 = arith.cmpi ne, %rem3A_708, %ne3A_709 : i32
      %lt3A_711 = arith.constant 0 : i32
      %lt3A_712 = arith.cmpi slt, %rem3A_708, %lt3A_711 : i32
      %lt3A_713 = arith.constant 0 : i32
      %lt3A_714 = arith.cmpi slt, %select_n3A_707, %lt3A_713 : i32
      %ne3A_715 = arith.xori %lt3A_712, %lt3A_714 : i1
      %and3A_716 = arith.andi %ne3A_715, %ne3A_710 : i1
      %add3A_717 = arith.addi %rem3A_708, %select_n3A_707 : i32
      %select_n3A_718 = arith.select %and3A_716, %add3A_717, %rem3A_708 : i32
      %add3A_719 = arith.constant 896 : i32
      %add3A_720 = arith.addi %add3A_719, %select_n3A_718 : i32
      %broadcast_in_dim3A_721 = vector.broadcast %add3A_720 : i32 to vector<16xi32>
      %mul3A_722 = arith.constant 16 : i32
      %mul3A_723 = arith.muli %scan3A_12, %mul3A_722 : i32
      %add3A_724 = arith.constant 0 : i32
      %add3A_725 = arith.addi %mul3A_723, %add3A_724 : i32
      %add3A_726 = arith.constant 7 : i32
      %add3A_727 = arith.addi %add3A_725, %add3A_726 : i32
      %broadcast_in_dim3A_728 = vector.broadcast %add3A_727 : i32 to vector<16xi32>
      %add3A_729 = arith.constant 0 : i32
      %add3A_730 = vector.broadcast %add3A_729 : i32 to vector<16xi32>
      %add3A_731 = arith.addi %iota3A, %add3A_730 : vector<16xi32>
      %gather3A_732 = tpu.vector_load_idx %arg11[%add3A_731, %broadcast_in_dim3A_721] : memref<64x1024xf32, #tpu.memory_space<vmem>>[vector<16xi32>, vector<16xi32>], vector<16xf32>,
      tpu.vector_store_idx %arg12[%add3A_731, %broadcast_in_dim3A_728], %gather3A_732 : memref<64x128xf32, #tpu.memory_space<vmem>>[vector<16xi32>, vector<16xi32>], vector<16xf32>,
      %add3A_733 = arith.constant 16 : i32
      %add3A_734 = vector.broadcast %add3A_733 : i32 to vector<16xi32>
      %add3A_735 = arith.addi %iota3A, %add3A_734 : vector<16xi32>
      %gather3A_736 = tpu.vector_load_idx %arg11[%add3A_735, %broadcast_in_dim3A_721] : memref<64x1024xf32, #tpu.memory_space<vmem>>[vector<16xi32>, vector<16xi32>], vector<16xf32>,
      tpu.vector_store_idx %arg12[%add3A_735, %broadcast_in_dim3A_728], %gather3A_736 : memref<64x128xf32, #tpu.memory_space<vmem>>[vector<16xi32>, vector<16xi32>], vector<16xf32>,
      %add3A_737 = arith.constant 32 : i32
      %add3A_738 = vector.broadcast %add3A_737 : i32 to vector<16xi32>
      %add3A_739 = arith.addi %iota3A, %add3A_738 : vector<16xi32>
      %gather3A_740 = tpu.vector_load_idx %arg11[%add3A_739, %broadcast_in_dim3A_721] : memref<64x1024xf32, #tpu.memory_space<vmem>>[vector<16xi32>, vector<16xi32>], vector<16xf32>,
      tpu.vector_store_idx %arg12[%add3A_739, %broadcast_in_dim3A_728], %gather3A_740 : memref<64x128xf32, #tpu.memory_space<vmem>>[vector<16xi32>, vector<16xi32>], vector<16xf32>,
      %add3A_741 = arith.constant 48 : i32
      %add3A_742 = vector.broadcast %add3A_741 : i32 to vector<16xi32>
      %add3A_743 = arith.addi %iota3A, %add3A_742 : vector<16xi32>
      %gather3A_744 = tpu.vector_load_idx %arg11[%add3A_743, %broadcast_in_dim3A_721] : memref<64x1024xf32, #tpu.memory_space<vmem>>[vector<16xi32>, vector<16xi32>], vector<16xf32>,
      tpu.vector_store_idx %arg12[%add3A_743, %broadcast_in_dim3A_728], %gather3A_744 : memref<64x128xf32, #tpu.memory_space<vmem>>[vector<16xi32>, vector<16xi32>], vector<16xf32>,
      %slice3A_745 = vector.extract_strided_slice %get3A_15 {offsets = [8], sizes = [1], strides = [1]} : vector<16xi32> to vector<1xi32>
      %squeeze3A_746 = vector.extract %slice3A_745[0] : i32 from vector<1xi32>
      %jit3A_747 = arith.constant 128 : i32
      %div3A_748 = arith.divsi %squeeze3A_746, %jit3A_747 : i32
      %sign3A_749 = arith.constant 0 : i32
      %sign3A_750 = arith.cmpi sgt, %squeeze3A_746, %sign3A_749 : i32
      %sign3A_751 = arith.extui %sign3A_750 : i1 to i32
      %sign3A_752 = arith.constant 0 : i32
      %sign3A_753 = arith.cmpi slt, %squeeze3A_746, %sign3A_752 : i32
      %sign3A_754 = arith.extui %sign3A_753 : i1 to i32
      %sign3A_755 = arith.subi %sign3A_751, %sign3A_754 : i32
      %sign3A_756 = arith.constant 0 : i32
      %sign3A_757 = arith.cmpi sgt, %jit3A_747, %sign3A_756 : i32
      %sign3A_758 = arith.extui %sign3A_757 : i1 to i32
      %sign3A_759 = arith.constant 0 : i32
      %sign3A_760 = arith.cmpi slt, %jit3A_747, %sign3A_759 : i32
      %sign3A_761 = arith.extui %sign3A_760 : i1 to i32
      %sign3A_762 = arith.subi %sign3A_758, %sign3A_761 : i32
      %ne3A_763 = arith.cmpi ne, %sign3A_755, %sign3A_762 : i32
      %rem3A_764 = arith.remsi %squeeze3A_746, %jit3A_747 : i32
      %ne3A_765 = arith.constant 0 : i32
      %ne3A_766 = arith.cmpi ne, %rem3A_764, %ne3A_765 : i32
      %and3A_767 = arith.andi %ne3A_763, %ne3A_766 : i1
      %sub3A_768 = arith.constant 1 : i32
      %sub3A_769 = arith.subi %div3A_748, %sub3A_768 : i32
      %select_n3A_770 = arith.select %and3A_767, %sub3A_769, %div3A_748 : i32
      %mul3A_771 = arith.constant 128 : i32
      %mul3A_772 = arith.muli %select_n3A_770, %mul3A_771 : i32
      %multiple_of3A_773 = tpu.assume_multiple %mul3A_772, 128 : i32
      %dma_start3A_774 = arith.constant 0 : i32
      %dma_start3A_775 = arith.constant 0 : i32
      %dma_start3A_776 = tpu.memref_slice %arg11[%dma_start3A_774, %dma_start3A_775] : memref<64x1024xf32, #tpu.memory_space<vmem>> -> memref<64x128xf32, #tpu.memory_space<vmem>>
      %dma_start3A_777 = arith.constant 0 : i32
      %dma_start3A_778 = tpu.memref_slice %arg5[%dma_start3A_777, %multiple_of3A_773] : memref<64x1000000xf32, #tpu.memory_space<hbm>> -> memref<64x128xf32, #tpu.memory_space<hbm>>
      %dma_start3A_779 = arith.constant 0 : i32
      %dma_start3A_780 = arith.constant 0 : i32
      %dma_start3A_781 = tpu.memref_slice %arg11[%dma_start3A_779, %dma_start3A_780] : memref<64x1024xf32, #tpu.memory_space<vmem>> -> memref<64x128xf32, #tpu.memory_space<vmem>>
      %dma_start3A_782 = arith.constant 0 : i32
      %dma_start3A_783 = tpu.memref_slice %arg5[%dma_start3A_782, %multiple_of3A_773] : memref<64x1000000xf32, #tpu.memory_space<hbm>> -> memref<64x128xf32, #tpu.memory_space<hbm>>
      tpu.enqueue_dma source(%dma_start3A_783 : memref<64x128xf32, #tpu.memory_space<hbm>>) target(%dma_start3A_781 : memref<64x128xf32, #tpu.memory_space<vmem>>) target_semaphore(%arg14 : memref<!tpu.dma_semaphore, #tpu.memory_space<semaphore_mem>>)
      %slice3A_784 = vector.extract_strided_slice %get3A_15 {offsets = [9], sizes = [1], strides = [1]} : vector<16xi32> to vector<1xi32>
      %squeeze3A_785 = vector.extract %slice3A_784[0] : i32 from vector<1xi32>
      %jit3A_786 = arith.constant 128 : i32
      %div3A_787 = arith.divsi %squeeze3A_785, %jit3A_786 : i32
      %sign3A_788 = arith.constant 0 : i32
      %sign3A_789 = arith.cmpi sgt, %squeeze3A_785, %sign3A_788 : i32
      %sign3A_790 = arith.extui %sign3A_789 : i1 to i32
      %sign3A_791 = arith.constant 0 : i32
      %sign3A_792 = arith.cmpi slt, %squeeze3A_785, %sign3A_791 : i32
      %sign3A_793 = arith.extui %sign3A_792 : i1 to i32
      %sign3A_794 = arith.subi %sign3A_790, %sign3A_793 : i32
      %sign3A_795 = arith.constant 0 : i32
      %sign3A_796 = arith.cmpi sgt, %jit3A_786, %sign3A_795 : i32
      %sign3A_797 = arith.extui %sign3A_796 : i1 to i32
      %sign3A_798 = arith.constant 0 : i32
      %sign3A_799 = arith.cmpi slt, %jit3A_786, %sign3A_798 : i32
      %sign3A_800 = arith.extui %sign3A_799 : i1 to i32
      %sign3A_801 = arith.subi %sign3A_797, %sign3A_800 : i32
      %ne3A_802 = arith.cmpi ne, %sign3A_794, %sign3A_801 : i32
      %rem3A_803 = arith.remsi %squeeze3A_785, %jit3A_786 : i32
      %ne3A_804 = arith.constant 0 : i32
      %ne3A_805 = arith.cmpi ne, %rem3A_803, %ne3A_804 : i32
      %and3A_806 = arith.andi %ne3A_802, %ne3A_805 : i1
      %sub3A_807 = arith.constant 1 : i32
      %sub3A_808 = arith.subi %div3A_787, %sub3A_807 : i32
      %select_n3A_809 = arith.select %and3A_806, %sub3A_808, %div3A_787 : i32
      %mul3A_810 = arith.constant 128 : i32
      %mul3A_811 = arith.muli %select_n3A_809, %mul3A_810 : i32
      %multiple_of3A_812 = tpu.assume_multiple %mul3A_811, 128 : i32
      %dma_start3A_813 = arith.constant 0 : i32
      %dma_start3A_814 = arith.constant 128 : i32
      %dma_start3A_815 = tpu.memref_slice %arg11[%dma_start3A_813, %dma_start3A_814] : memref<64x1024xf32, #tpu.memory_space<vmem>> -> memref<64x128xf32, #tpu.memory_space<vmem>>
      %dma_start3A_816 = arith.constant 0 : i32
      %dma_start3A_817 = tpu.memref_slice %arg5[%dma_start3A_816, %multiple_of3A_812] : memref<64x1000000xf32, #tpu.memory_space<hbm>> -> memref<64x128xf32, #tpu.memory_space<hbm>>
      %dma_start3A_818 = arith.constant 0 : i32
      %dma_start3A_819 = arith.constant 128 : i32
      %dma_start3A_820 = tpu.memref_slice %arg11[%dma_start3A_818, %dma_start3A_819] : memref<64x1024xf32, #tpu.memory_space<vmem>> -> memref<64x128xf32, #tpu.memory_space<vmem>>
      %dma_start3A_821 = arith.constant 0 : i32
      %dma_start3A_822 = tpu.memref_slice %arg5[%dma_start3A_821, %multiple_of3A_812] : memref<64x1000000xf32, #tpu.memory_space<hbm>> -> memref<64x128xf32, #tpu.memory_space<hbm>>
      tpu.enqueue_dma source(%dma_start3A_822 : memref<64x128xf32, #tpu.memory_space<hbm>>) target(%dma_start3A_820 : memref<64x128xf32, #tpu.memory_space<vmem>>) target_semaphore(%arg14 : memref<!tpu.dma_semaphore, #tpu.memory_space<semaphore_mem>>)
      %slice3A_823 = vector.extract_strided_slice %get3A_15 {offsets = [10], sizes = [1], strides = [1]} : vector<16xi32> to vector<1xi32>
      %squeeze3A_824 = vector.extract %slice3A_823[0] : i32 from vector<1xi32>
      %jit3A_825 = arith.constant 128 : i32
      %div3A_826 = arith.divsi %squeeze3A_824, %jit3A_825 : i32
      %sign3A_827 = arith.constant 0 : i32
      %sign3A_828 = arith.cmpi sgt, %squeeze3A_824, %sign3A_827 : i32
      %sign3A_829 = arith.extui %sign3A_828 : i1 to i32
      %sign3A_830 = arith.constant 0 : i32
      %sign3A_831 = arith.cmpi slt, %squeeze3A_824, %sign3A_830 : i32
      %sign3A_832 = arith.extui %sign3A_831 : i1 to i32
      %sign3A_833 = arith.subi %sign3A_829, %sign3A_832 : i32
      %sign3A_834 = arith.constant 0 : i32
      %sign3A_835 = arith.cmpi sgt, %jit3A_825, %sign3A_834 : i32
      %sign3A_836 = arith.extui %sign3A_835 : i1 to i32
      %sign3A_837 = arith.constant 0 : i32
      %sign3A_838 = arith.cmpi slt, %jit3A_825, %sign3A_837 : i32
      %sign3A_839 = arith.extui %sign3A_838 : i1 to i32
      %sign3A_840 = arith.subi %sign3A_836, %sign3A_839 : i32
      %ne3A_841 = arith.cmpi ne, %sign3A_833, %sign3A_840 : i32
      %rem3A_842 = arith.remsi %squeeze3A_824, %jit3A_825 : i32
      %ne3A_843 = arith.constant 0 : i32
      %ne3A_844 = arith.cmpi ne, %rem3A_842, %ne3A_843 : i32
      %and3A_845 = arith.andi %ne3A_841, %ne3A_844 : i1
      %sub3A_846 = arith.constant 1 : i32
      %sub3A_847 = arith.subi %div3A_826, %sub3A_846 : i32
      %select_n3A_848 = arith.select %and3A_845, %sub3A_847, %div3A_826 : i32
      %mul3A_849 = arith.constant 128 : i32
      %mul3A_850 = arith.muli %select_n3A_848, %mul3A_849 : i32
      %multiple_of3A_851 = tpu.assume_multiple %mul3A_850, 128 : i32
      %dma_start3A_852 = arith.constant 0 : i32
      %dma_start3A_853 = arith.constant 256 : i32
      %dma_start3A_854 = tpu.memref_slice %arg11[%dma_start3A_852, %dma_start3A_853] : memref<64x1024xf32, #tpu.memory_space<vmem>> -> memref<64x128xf32, #tpu.memory_space<vmem>>
      %dma_start3A_855 = arith.constant 0 : i32
      %dma_start3A_856 = tpu.memref_slice %arg5[%dma_start3A_855, %multiple_of3A_851] : memref<64x1000000xf32, #tpu.memory_space<hbm>> -> memref<64x128xf32, #tpu.memory_space<hbm>>
      %dma_start3A_857 = arith.constant 0 : i32
      %dma_start3A_858 = arith.constant 256 : i32
      %dma_start3A_859 = tpu.memref_slice %arg11[%dma_start3A_857, %dma_start3A_858] : memref<64x1024xf32, #tpu.memory_space<vmem>> -> memref<64x128xf32, #tpu.memory_space<vmem>>
      %dma_start3A_860 = arith.constant 0 : i32
      %dma_start3A_861 = tpu.memref_slice %arg5[%dma_start3A_860, %multiple_of3A_851] : memref<64x1000000xf32, #tpu.memory_space<hbm>> -> memref<64x128xf32, #tpu.memory_space<hbm>>
      tpu.enqueue_dma source(%dma_start3A_861 : memref<64x128xf32, #tpu.memory_space<hbm>>) target(%dma_start3A_859 : memref<64x128xf32, #tpu.memory_space<vmem>>) target_semaphore(%arg14 : memref<!tpu.dma_semaphore, #tpu.memory_space<semaphore_mem>>)
      %slice3A_862 = vector.extract_strided_slice %get3A_15 {offsets = [11], sizes = [1], strides = [1]} : vector<16xi32> to vector<1xi32>
      %squeeze3A_863 = vector.extract %slice3A_862[0] : i32 from vector<1xi32>
      %jit3A_864 = arith.constant 128 : i32
      %div3A_865 = arith.divsi %squeeze3A_863, %jit3A_864 : i32
      %sign3A_866 = arith.constant 0 : i32
      %sign3A_867 = arith.cmpi sgt, %squeeze3A_863, %sign3A_866 : i32
      %sign3A_868 = arith.extui %sign3A_867 : i1 to i32
      %sign3A_869 = arith.constant 0 : i32
      %sign3A_870 = arith.cmpi slt, %squeeze3A_863, %sign3A_869 : i32
      %sign3A_871 = arith.extui %sign3A_870 : i1 to i32
      %sign3A_872 = arith.subi %sign3A_868, %sign3A_871 : i32
      %sign3A_873 = arith.constant 0 : i32
      %sign3A_874 = arith.cmpi sgt, %jit3A_864, %sign3A_873 : i32
      %sign3A_875 = arith.extui %sign3A_874 : i1 to i32
      %sign3A_876 = arith.constant 0 : i32
      %sign3A_877 = arith.cmpi slt, %jit3A_864, %sign3A_876 : i32
      %sign3A_878 = arith.extui %sign3A_877 : i1 to i32
      %sign3A_879 = arith.subi %sign3A_875, %sign3A_878 : i32
      %ne3A_880 = arith.cmpi ne, %sign3A_872, %sign3A_879 : i32
      %rem3A_881 = arith.remsi %squeeze3A_863, %jit3A_864 : i32
      %ne3A_882 = arith.constant 0 : i32
      %ne3A_883 = arith.cmpi ne, %rem3A_881, %ne3A_882 : i32
      %and3A_884 = arith.andi %ne3A_880, %ne3A_883 : i1
      %sub3A_885 = arith.constant 1 : i32
      %sub3A_886 = arith.subi %div3A_865, %sub3A_885 : i32
      %select_n3A_887 = arith.select %and3A_884, %sub3A_886, %div3A_865 : i32
      %mul3A_888 = arith.constant 128 : i32
      %mul3A_889 = arith.muli %select_n3A_887, %mul3A_888 : i32
      %multiple_of3A_890 = tpu.assume_multiple %mul3A_889, 128 : i32
      %dma_start3A_891 = arith.constant 0 : i32
      %dma_start3A_892 = arith.constant 384 : i32
      %dma_start3A_893 = tpu.memref_slice %arg11[%dma_start3A_891, %dma_start3A_892] : memref<64x1024xf32, #tpu.memory_space<vmem>> -> memref<64x128xf32, #tpu.memory_space<vmem>>
      %dma_start3A_894 = arith.constant 0 : i32
      %dma_start3A_895 = tpu.memref_slice %arg5[%dma_start3A_894, %multiple_of3A_890] : memref<64x1000000xf32, #tpu.memory_space<hbm>> -> memref<64x128xf32, #tpu.memory_space<hbm>>
      %dma_start3A_896 = arith.constant 0 : i32
      %dma_start3A_897 = arith.constant 384 : i32
      %dma_start3A_898 = tpu.memref_slice %arg11[%dma_start3A_896, %dma_start3A_897] : memref<64x1024xf32, #tpu.memory_space<vmem>> -> memref<64x128xf32, #tpu.memory_space<vmem>>
      %dma_start3A_899 = arith.constant 0 : i32
      %dma_start3A_900 = tpu.memref_slice %arg5[%dma_start3A_899, %multiple_of3A_890] : memref<64x1000000xf32, #tpu.memory_space<hbm>> -> memref<64x128xf32, #tpu.memory_space<hbm>>
      tpu.enqueue_dma source(%dma_start3A_900 : memref<64x128xf32, #tpu.memory_space<hbm>>) target(%dma_start3A_898 : memref<64x128xf32, #tpu.memory_space<vmem>>) target_semaphore(%arg14 : memref<!tpu.dma_semaphore, #tpu.memory_space<semaphore_mem>>)
      %slice3A_901 = vector.extract_strided_slice %get3A_15 {offsets = [12], sizes = [1], strides = [1]} : vector<16xi32> to vector<1xi32>
      %squeeze3A_902 = vector.extract %slice3A_901[0] : i32 from vector<1xi32>
      %jit3A_903 = arith.constant 128 : i32
      %div3A_904 = arith.divsi %squeeze3A_902, %jit3A_903 : i32
      %sign3A_905 = arith.constant 0 : i32
      %sign3A_906 = arith.cmpi sgt, %squeeze3A_902, %sign3A_905 : i32
      %sign3A_907 = arith.extui %sign3A_906 : i1 to i32
      %sign3A_908 = arith.constant 0 : i32
      %sign3A_909 = arith.cmpi slt, %squeeze3A_902, %sign3A_908 : i32
      %sign3A_910 = arith.extui %sign3A_909 : i1 to i32
      %sign3A_911 = arith.subi %sign3A_907, %sign3A_910 : i32
      %sign3A_912 = arith.constant 0 : i32
      %sign3A_913 = arith.cmpi sgt, %jit3A_903, %sign3A_912 : i32
      %sign3A_914 = arith.extui %sign3A_913 : i1 to i32
      %sign3A_915 = arith.constant 0 : i32
      %sign3A_916 = arith.cmpi slt, %jit3A_903, %sign3A_915 : i32
      %sign3A_917 = arith.extui %sign3A_916 : i1 to i32
      %sign3A_918 = arith.subi %sign3A_914, %sign3A_917 : i32
      %ne3A_919 = arith.cmpi ne, %sign3A_911, %sign3A_918 : i32
      %rem3A_920 = arith.remsi %squeeze3A_902, %jit3A_903 : i32
      %ne3A_921 = arith.constant 0 : i32
      %ne3A_922 = arith.cmpi ne, %rem3A_920, %ne3A_921 : i32
      %and3A_923 = arith.andi %ne3A_919, %ne3A_922 : i1
      %sub3A_924 = arith.constant 1 : i32
      %sub3A_925 = arith.subi %div3A_904, %sub3A_924 : i32
      %select_n3A_926 = arith.select %and3A_923, %sub3A_925, %div3A_904 : i32
      %mul3A_927 = arith.constant 128 : i32
      %mul3A_928 = arith.muli %select_n3A_926, %mul3A_927 : i32
      %multiple_of3A_929 = tpu.assume_multiple %mul3A_928, 128 : i32
      %dma_start3A_930 = arith.constant 0 : i32
      %dma_start3A_931 = arith.constant 512 : i32
      %dma_start3A_932 = tpu.memref_slice %arg11[%dma_start3A_930, %dma_start3A_931] : memref<64x1024xf32, #tpu.memory_space<vmem>> -> memref<64x128xf32, #tpu.memory_space<vmem>>
      %dma_start3A_933 = arith.constant 0 : i32
      %dma_start3A_934 = tpu.memref_slice %arg5[%dma_start3A_933, %multiple_of3A_929] : memref<64x1000000xf32, #tpu.memory_space<hbm>> -> memref<64x128xf32, #tpu.memory_space<hbm>>
      %dma_start3A_935 = arith.constant 0 : i32
      %dma_start3A_936 = arith.constant 512 : i32
      %dma_start3A_937 = tpu.memref_slice %arg11[%dma_start3A_935, %dma_start3A_936] : memref<64x1024xf32, #tpu.memory_space<vmem>> -> memref<64x128xf32, #tpu.memory_space<vmem>>
      %dma_start3A_938 = arith.constant 0 : i32
      %dma_start3A_939 = tpu.memref_slice %arg5[%dma_start3A_938, %multiple_of3A_929] : memref<64x1000000xf32, #tpu.memory_space<hbm>> -> memref<64x128xf32, #tpu.memory_space<hbm>>
      tpu.enqueue_dma source(%dma_start3A_939 : memref<64x128xf32, #tpu.memory_space<hbm>>) target(%dma_start3A_937 : memref<64x128xf32, #tpu.memory_space<vmem>>) target_semaphore(%arg14 : memref<!tpu.dma_semaphore, #tpu.memory_space<semaphore_mem>>)
      %slice3A_940 = vector.extract_strided_slice %get3A_15 {offsets = [13], sizes = [1], strides = [1]} : vector<16xi32> to vector<1xi32>
      %squeeze3A_941 = vector.extract %slice3A_940[0] : i32 from vector<1xi32>
      %jit3A_942 = arith.constant 128 : i32
      %div3A_943 = arith.divsi %squeeze3A_941, %jit3A_942 : i32
      %sign3A_944 = arith.constant 0 : i32
      %sign3A_945 = arith.cmpi sgt, %squeeze3A_941, %sign3A_944 : i32
      %sign3A_946 = arith.extui %sign3A_945 : i1 to i32
      %sign3A_947 = arith.constant 0 : i32
      %sign3A_948 = arith.cmpi slt, %squeeze3A_941, %sign3A_947 : i32
      %sign3A_949 = arith.extui %sign3A_948 : i1 to i32
      %sign3A_950 = arith.subi %sign3A_946, %sign3A_949 : i32
      %sign3A_951 = arith.constant 0 : i32
      %sign3A_952 = arith.cmpi sgt, %jit3A_942, %sign3A_951 : i32
      %sign3A_953 = arith.extui %sign3A_952 : i1 to i32
      %sign3A_954 = arith.constant 0 : i32
      %sign3A_955 = arith.cmpi slt, %jit3A_942, %sign3A_954 : i32
      %sign3A_956 = arith.extui %sign3A_955 : i1 to i32
      %sign3A_957 = arith.subi %sign3A_953, %sign3A_956 : i32
      %ne3A_958 = arith.cmpi ne, %sign3A_950, %sign3A_957 : i32
      %rem3A_959 = arith.remsi %squeeze3A_941, %jit3A_942 : i32
      %ne3A_960 = arith.constant 0 : i32
      %ne3A_961 = arith.cmpi ne, %rem3A_959, %ne3A_960 : i32
      %and3A_962 = arith.andi %ne3A_958, %ne3A_961 : i1
      %sub3A_963 = arith.constant 1 : i32
      %sub3A_964 = arith.subi %div3A_943, %sub3A_963 : i32
      %select_n3A_965 = arith.select %and3A_962, %sub3A_964, %div3A_943 : i32
      %mul3A_966 = arith.constant 128 : i32
      %mul3A_967 = arith.muli %select_n3A_965, %mul3A_966 : i32
      %multiple_of3A_968 = tpu.assume_multiple %mul3A_967, 128 : i32
      %dma_start3A_969 = arith.constant 0 : i32
      %dma_start3A_970 = arith.constant 640 : i32
      %dma_start3A_971 = tpu.memref_slice %arg11[%dma_start3A_969, %dma_start3A_970] : memref<64x1024xf32, #tpu.memory_space<vmem>> -> memref<64x128xf32, #tpu.memory_space<vmem>>
      %dma_start3A_972 = arith.constant 0 : i32
      %dma_start3A_973 = tpu.memref_slice %arg5[%dma_start3A_972, %multiple_of3A_968] : memref<64x1000000xf32, #tpu.memory_space<hbm>> -> memref<64x128xf32, #tpu.memory_space<hbm>>
      %dma_start3A_974 = arith.constant 0 : i32
      %dma_start3A_975 = arith.constant 640 : i32
      %dma_start3A_976 = tpu.memref_slice %arg11[%dma_start3A_974, %dma_start3A_975] : memref<64x1024xf32, #tpu.memory_space<vmem>> -> memref<64x128xf32, #tpu.memory_space<vmem>>
      %dma_start3A_977 = arith.constant 0 : i32
      %dma_start3A_978 = tpu.memref_slice %arg5[%dma_start3A_977, %multiple_of3A_968] : memref<64x1000000xf32, #tpu.memory_space<hbm>> -> memref<64x128xf32, #tpu.memory_space<hbm>>
      tpu.enqueue_dma source(%dma_start3A_978 : memref<64x128xf32, #tpu.memory_space<hbm>>) target(%dma_start3A_976 : memref<64x128xf32, #tpu.memory_space<vmem>>) target_semaphore(%arg14 : memref<!tpu.dma_semaphore, #tpu.memory_space<semaphore_mem>>)
      %slice3A_979 = vector.extract_strided_slice %get3A_15 {offsets = [14], sizes = [1], strides = [1]} : vector<16xi32> to vector<1xi32>
      %squeeze3A_980 = vector.extract %slice3A_979[0] : i32 from vector<1xi32>
      %jit3A_981 = arith.constant 128 : i32
      %div3A_982 = arith.divsi %squeeze3A_980, %jit3A_981 : i32
      %sign3A_983 = arith.constant 0 : i32
      %sign3A_984 = arith.cmpi sgt, %squeeze3A_980, %sign3A_983 : i32
      %sign3A_985 = arith.extui %sign3A_984 : i1 to i32
      %sign3A_986 = arith.constant 0 : i32
      %sign3A_987 = arith.cmpi slt, %squeeze3A_980, %sign3A_986 : i32
      %sign3A_988 = arith.extui %sign3A_987 : i1 to i32
      %sign3A_989 = arith.subi %sign3A_985, %sign3A_988 : i32
      %sign3A_990 = arith.constant 0 : i32
      %sign3A_991 = arith.cmpi sgt, %jit3A_981, %sign3A_990 : i32
      %sign3A_992 = arith.extui %sign3A_991 : i1 to i32
      %sign3A_993 = arith.constant 0 : i32
      %sign3A_994 = arith.cmpi slt, %jit3A_981, %sign3A_993 : i32
      %sign3A_995 = arith.extui %sign3A_994 : i1 to i32
      %sign3A_996 = arith.subi %sign3A_992, %sign3A_995 : i32
      %ne3A_997 = arith.cmpi ne, %sign3A_989, %sign3A_996 : i32
      %rem3A_998 = arith.remsi %squeeze3A_980, %jit3A_981 : i32
      %ne3A_999 = arith.constant 0 : i32
      %ne3A_1000 = arith.cmpi ne, %rem3A_998, %ne3A_999 : i32
      %and3A_1001 = arith.andi %ne3A_997, %ne3A_1000 : i1
      %sub3A_1002 = arith.constant 1 : i32
      %sub3A_1003 = arith.subi %div3A_982, %sub3A_1002 : i32
      %select_n3A_1004 = arith.select %and3A_1001, %sub3A_1003, %div3A_982 : i32
      %mul3A_1005 = arith.constant 128 : i32
      %mul3A_1006 = arith.muli %select_n3A_1004, %mul3A_1005 : i32
      %multiple_of3A_1007 = tpu.assume_multiple %mul3A_1006, 128 : i32
      %dma_start3A_1008 = arith.constant 0 : i32
      %dma_start3A_1009 = arith.constant 768 : i32
      %dma_start3A_1010 = tpu.memref_slice %arg11[%dma_start3A_1008, %dma_start3A_1009] : memref<64x1024xf32, #tpu.memory_space<vmem>> -> memref<64x128xf32, #tpu.memory_space<vmem>>
      %dma_start3A_1011 = arith.constant 0 : i32
      %dma_start3A_1012 = tpu.memref_slice %arg5[%dma_start3A_1011, %multiple_of3A_1007] : memref<64x1000000xf32, #tpu.memory_space<hbm>> -> memref<64x128xf32, #tpu.memory_space<hbm>>
      %dma_start3A_1013 = arith.constant 0 : i32
      %dma_start3A_1014 = arith.constant 768 : i32
      %dma_start3A_1015 = tpu.memref_slice %arg11[%dma_start3A_1013, %dma_start3A_1014] : memref<64x1024xf32, #tpu.memory_space<vmem>> -> memref<64x128xf32, #tpu.memory_space<vmem>>
      %dma_start3A_1016 = arith.constant 0 : i32
      %dma_start3A_1017 = tpu.memref_slice %arg5[%dma_start3A_1016, %multiple_of3A_1007] : memref<64x1000000xf32, #tpu.memory_space<hbm>> -> memref<64x128xf32, #tpu.memory_space<hbm>>
      tpu.enqueue_dma source(%dma_start3A_1017 : memref<64x128xf32, #tpu.memory_space<hbm>>) target(%dma_start3A_1015 : memref<64x128xf32, #tpu.memory_space<vmem>>) target_semaphore(%arg14 : memref<!tpu.dma_semaphore, #tpu.memory_space<semaphore_mem>>)
      %slice3A_1018 = vector.extract_strided_slice %get3A_15 {offsets = [15], sizes = [1], strides = [1]} : vector<16xi32> to vector<1xi32>
      %squeeze3A_1019 = vector.extract %slice3A_1018[0] : i32 from vector<1xi32>
      %jit3A_1020 = arith.constant 128 : i32
      %div3A_1021 = arith.divsi %squeeze3A_1019, %jit3A_1020 : i32
      %sign3A_1022 = arith.constant 0 : i32
      %sign3A_1023 = arith.cmpi sgt, %squeeze3A_1019, %sign3A_1022 : i32
      %sign3A_1024 = arith.extui %sign3A_1023 : i1 to i32
      %sign3A_1025 = arith.constant 0 : i32
      %sign3A_1026 = arith.cmpi slt, %squeeze3A_1019, %sign3A_1025 : i32
      %sign3A_1027 = arith.extui %sign3A_1026 : i1 to i32
      %sign3A_1028 = arith.subi %sign3A_1024, %sign3A_1027 : i32
      %sign3A_1029 = arith.constant 0 : i32
      %sign3A_1030 = arith.cmpi sgt, %jit3A_1020, %sign3A_1029 : i32
      %sign3A_1031 = arith.extui %sign3A_1030 : i1 to i32
      %sign3A_1032 = arith.constant 0 : i32
      %sign3A_1033 = arith.cmpi slt, %jit3A_1020, %sign3A_1032 : i32
      %sign3A_1034 = arith.extui %sign3A_1033 : i1 to i32
      %sign3A_1035 = arith.subi %sign3A_1031, %sign3A_1034 : i32
      %ne3A_1036 = arith.cmpi ne, %sign3A_1028, %sign3A_1035 : i32
      %rem3A_1037 = arith.remsi %squeeze3A_1019, %jit3A_1020 : i32
      %ne3A_1038 = arith.constant 0 : i32
      %ne3A_1039 = arith.cmpi ne, %rem3A_1037, %ne3A_1038 : i32
      %and3A_1040 = arith.andi %ne3A_1036, %ne3A_1039 : i1
      %sub3A_1041 = arith.constant 1 : i32
      %sub3A_1042 = arith.subi %div3A_1021, %sub3A_1041 : i32
      %select_n3A_1043 = arith.select %and3A_1040, %sub3A_1042, %div3A_1021 : i32
      %mul3A_1044 = arith.constant 128 : i32
      %mul3A_1045 = arith.muli %select_n3A_1043, %mul3A_1044 : i32
      %multiple_of3A_1046 = tpu.assume_multiple %mul3A_1045, 128 : i32
      %dma_start3A_1047 = arith.constant 0 : i32
      %dma_start3A_1048 = arith.constant 896 : i32
      %dma_start3A_1049 = tpu.memref_slice %arg11[%dma_start3A_1047, %dma_start3A_1048] : memref<64x1024xf32, #tpu.memory_space<vmem>> -> memref<64x128xf32, #tpu.memory_space<vmem>>
      %dma_start3A_1050 = arith.constant 0 : i32
      %dma_start3A_1051 = tpu.memref_slice %arg5[%dma_start3A_1050, %multiple_of3A_1046] : memref<64x1000000xf32, #tpu.memory_space<hbm>> -> memref<64x128xf32, #tpu.memory_space<hbm>>
      %dma_start3A_1052 = arith.constant 0 : i32
      %dma_start3A_1053 = arith.constant 896 : i32
      %dma_start3A_1054 = tpu.memref_slice %arg11[%dma_start3A_1052, %dma_start3A_1053] : memref<64x1024xf32, #tpu.memory_space<vmem>> -> memref<64x128xf32, #tpu.memory_space<vmem>>
      %dma_start3A_1055 = arith.constant 0 : i32
      %dma_start3A_1056 = tpu.memref_slice %arg5[%dma_start3A_1055, %multiple_of3A_1046] : memref<64x1000000xf32, #tpu.memory_space<hbm>> -> memref<64x128xf32, #tpu.memory_space<hbm>>
      tpu.enqueue_dma source(%dma_start3A_1056 : memref<64x128xf32, #tpu.memory_space<hbm>>) target(%dma_start3A_1054 : memref<64x128xf32, #tpu.memory_space<vmem>>) target_semaphore(%arg14 : memref<!tpu.dma_semaphore, #tpu.memory_space<semaphore_mem>>)
      %dma_wait3A_1057 = arith.constant 0 : i32
      %dma_wait3A_1058 = arith.constant 0 : i32
      %dma_wait3A_1059 = tpu.memref_slice %arg11[%dma_wait3A_1057, %dma_wait3A_1058] : memref<64x1024xf32, #tpu.memory_space<vmem>> -> memref<64x128xf32, #tpu.memory_space<vmem>>
      %dma_wait3A_1060 = arith.constant 0 : i32
      %dma_wait3A_1061 = tpu.memref_slice %arg5[%dma_wait3A_1060, %multiple_of3A_773] : memref<64x1000000xf32, #tpu.memory_space<hbm>> -> memref<64x128xf32, #tpu.memory_space<hbm>>
      %dma_wait3A_1062 = arith.constant 0 : i32
      %dma_wait3A_1063 = arith.constant 0 : i32
      %dma_wait3A_1064 = tpu.memref_slice %arg11[%dma_wait3A_1062, %dma_wait3A_1063] : memref<64x1024xf32, #tpu.memory_space<vmem>> -> memref<64x128xf32, #tpu.memory_space<vmem>>
      %dma_wait3A_1065 = arith.constant 0 : i32
      %dma_wait3A_1066 = tpu.memref_slice %arg5[%dma_wait3A_1065, %multiple_of3A_773] : memref<64x1000000xf32, #tpu.memory_space<hbm>> -> memref<64x128xf32, #tpu.memory_space<hbm>>
      tpu.wait_dma2 semaphore(%arg14 : memref<!tpu.dma_semaphore, #tpu.memory_space<semaphore_mem>>) src(%dma_wait3A_1066 : memref<64x128xf32, #tpu.memory_space<hbm>>) dst(%dma_wait3A_1064 : memref<64x128xf32, #tpu.memory_space<vmem>>)
      %dma_wait3A_1067 = arith.constant 0 : i32
      %dma_wait3A_1068 = arith.constant 128 : i32
      %dma_wait3A_1069 = tpu.memref_slice %arg11[%dma_wait3A_1067, %dma_wait3A_1068] : memref<64x1024xf32, #tpu.memory_space<vmem>> -> memref<64x128xf32, #tpu.memory_space<vmem>>
      %dma_wait3A_1070 = arith.constant 0 : i32
      %dma_wait3A_1071 = tpu.memref_slice %arg5[%dma_wait3A_1070, %multiple_of3A_812] : memref<64x1000000xf32, #tpu.memory_space<hbm>> -> memref<64x128xf32, #tpu.memory_space<hbm>>
      %dma_wait3A_1072 = arith.constant 0 : i32
      %dma_wait3A_1073 = arith.constant 128 : i32
      %dma_wait3A_1074 = tpu.memref_slice %arg11[%dma_wait3A_1072, %dma_wait3A_1073] : memref<64x1024xf32, #tpu.memory_space<vmem>> -> memref<64x128xf32, #tpu.memory_space<vmem>>
      %dma_wait3A_1075 = arith.constant 0 : i32
      %dma_wait3A_1076 = tpu.memref_slice %arg5[%dma_wait3A_1075, %multiple_of3A_812] : memref<64x1000000xf32, #tpu.memory_space<hbm>> -> memref<64x128xf32, #tpu.memory_space<hbm>>
      tpu.wait_dma2 semaphore(%arg14 : memref<!tpu.dma_semaphore, #tpu.memory_space<semaphore_mem>>) src(%dma_wait3A_1076 : memref<64x128xf32, #tpu.memory_space<hbm>>) dst(%dma_wait3A_1074 : memref<64x128xf32, #tpu.memory_space<vmem>>)
      %dma_wait3A_1077 = arith.constant 0 : i32
      %dma_wait3A_1078 = arith.constant 256 : i32
      %dma_wait3A_1079 = tpu.memref_slice %arg11[%dma_wait3A_1077, %dma_wait3A_1078] : memref<64x1024xf32, #tpu.memory_space<vmem>> -> memref<64x128xf32, #tpu.memory_space<vmem>>
      %dma_wait3A_1080 = arith.constant 0 : i32
      %dma_wait3A_1081 = tpu.memref_slice %arg5[%dma_wait3A_1080, %multiple_of3A_851] : memref<64x1000000xf32, #tpu.memory_space<hbm>> -> memref<64x128xf32, #tpu.memory_space<hbm>>
      %dma_wait3A_1082 = arith.constant 0 : i32
      %dma_wait3A_1083 = arith.constant 256 : i32
      %dma_wait3A_1084 = tpu.memref_slice %arg11[%dma_wait3A_1082, %dma_wait3A_1083] : memref<64x1024xf32, #tpu.memory_space<vmem>> -> memref<64x128xf32, #tpu.memory_space<vmem>>
      %dma_wait3A_1085 = arith.constant 0 : i32
      %dma_wait3A_1086 = tpu.memref_slice %arg5[%dma_wait3A_1085, %multiple_of3A_851] : memref<64x1000000xf32, #tpu.memory_space<hbm>> -> memref<64x128xf32, #tpu.memory_space<hbm>>
      tpu.wait_dma2 semaphore(%arg14 : memref<!tpu.dma_semaphore, #tpu.memory_space<semaphore_mem>>) src(%dma_wait3A_1086 : memref<64x128xf32, #tpu.memory_space<hbm>>) dst(%dma_wait3A_1084 : memref<64x128xf32, #tpu.memory_space<vmem>>)
      %dma_wait3A_1087 = arith.constant 0 : i32
      %dma_wait3A_1088 = arith.constant 384 : i32
      %dma_wait3A_1089 = tpu.memref_slice %arg11[%dma_wait3A_1087, %dma_wait3A_1088] : memref<64x1024xf32, #tpu.memory_space<vmem>> -> memref<64x128xf32, #tpu.memory_space<vmem>>
      %dma_wait3A_1090 = arith.constant 0 : i32
      %dma_wait3A_1091 = tpu.memref_slice %arg5[%dma_wait3A_1090, %multiple_of3A_890] : memref<64x1000000xf32, #tpu.memory_space<hbm>> -> memref<64x128xf32, #tpu.memory_space<hbm>>
      %dma_wait3A_1092 = arith.constant 0 : i32
      %dma_wait3A_1093 = arith.constant 384 : i32
      %dma_wait3A_1094 = tpu.memref_slice %arg11[%dma_wait3A_1092, %dma_wait3A_1093] : memref<64x1024xf32, #tpu.memory_space<vmem>> -> memref<64x128xf32, #tpu.memory_space<vmem>>
      %dma_wait3A_1095 = arith.constant 0 : i32
      %dma_wait3A_1096 = tpu.memref_slice %arg5[%dma_wait3A_1095, %multiple_of3A_890] : memref<64x1000000xf32, #tpu.memory_space<hbm>> -> memref<64x128xf32, #tpu.memory_space<hbm>>
      tpu.wait_dma2 semaphore(%arg14 : memref<!tpu.dma_semaphore, #tpu.memory_space<semaphore_mem>>) src(%dma_wait3A_1096 : memref<64x128xf32, #tpu.memory_space<hbm>>) dst(%dma_wait3A_1094 : memref<64x128xf32, #tpu.memory_space<vmem>>)
      %dma_wait3A_1097 = arith.constant 0 : i32
      %dma_wait3A_1098 = arith.constant 512 : i32
      %dma_wait3A_1099 = tpu.memref_slice %arg11[%dma_wait3A_1097, %dma_wait3A_1098] : memref<64x1024xf32, #tpu.memory_space<vmem>> -> memref<64x128xf32, #tpu.memory_space<vmem>>
      %dma_wait3A_1100 = arith.constant 0 : i32
      %dma_wait3A_1101 = tpu.memref_slice %arg5[%dma_wait3A_1100, %multiple_of3A_929] : memref<64x1000000xf32, #tpu.memory_space<hbm>> -> memref<64x128xf32, #tpu.memory_space<hbm>>
      %dma_wait3A_1102 = arith.constant 0 : i32
      %dma_wait3A_1103 = arith.constant 512 : i32
      %dma_wait3A_1104 = tpu.memref_slice %arg11[%dma_wait3A_1102, %dma_wait3A_1103] : memref<64x1024xf32, #tpu.memory_space<vmem>> -> memref<64x128xf32, #tpu.memory_space<vmem>>
      %dma_wait3A_1105 = arith.constant 0 : i32
      %dma_wait3A_1106 = tpu.memref_slice %arg5[%dma_wait3A_1105, %multiple_of3A_929] : memref<64x1000000xf32, #tpu.memory_space<hbm>> -> memref<64x128xf32, #tpu.memory_space<hbm>>
      tpu.wait_dma2 semaphore(%arg14 : memref<!tpu.dma_semaphore, #tpu.memory_space<semaphore_mem>>) src(%dma_wait3A_1106 : memref<64x128xf32, #tpu.memory_space<hbm>>) dst(%dma_wait3A_1104 : memref<64x128xf32, #tpu.memory_space<vmem>>)
      %dma_wait3A_1107 = arith.constant 0 : i32
      %dma_wait3A_1108 = arith.constant 640 : i32
      %dma_wait3A_1109 = tpu.memref_slice %arg11[%dma_wait3A_1107, %dma_wait3A_1108] : memref<64x1024xf32, #tpu.memory_space<vmem>> -> memref<64x128xf32, #tpu.memory_space<vmem>>
      %dma_wait3A_1110 = arith.constant 0 : i32
      %dma_wait3A_1111 = tpu.memref_slice %arg5[%dma_wait3A_1110, %multiple_of3A_968] : memref<64x1000000xf32, #tpu.memory_space<hbm>> -> memref<64x128xf32, #tpu.memory_space<hbm>>
      %dma_wait3A_1112 = arith.constant 0 : i32
      %dma_wait3A_1113 = arith.constant 640 : i32
      %dma_wait3A_1114 = tpu.memref_slice %arg11[%dma_wait3A_1112, %dma_wait3A_1113] : memref<64x1024xf32, #tpu.memory_space<vmem>> -> memref<64x128xf32, #tpu.memory_space<vmem>>
      %dma_wait3A_1115 = arith.constant 0 : i32
      %dma_wait3A_1116 = tpu.memref_slice %arg5[%dma_wait3A_1115, %multiple_of3A_968] : memref<64x1000000xf32, #tpu.memory_space<hbm>> -> memref<64x128xf32, #tpu.memory_space<hbm>>
      tpu.wait_dma2 semaphore(%arg14 : memref<!tpu.dma_semaphore, #tpu.memory_space<semaphore_mem>>) src(%dma_wait3A_1116 : memref<64x128xf32, #tpu.memory_space<hbm>>) dst(%dma_wait3A_1114 : memref<64x128xf32, #tpu.memory_space<vmem>>)
      %dma_wait3A_1117 = arith.constant 0 : i32
      %dma_wait3A_1118 = arith.constant 768 : i32
      %dma_wait3A_1119 = tpu.memref_slice %arg11[%dma_wait3A_1117, %dma_wait3A_1118] : memref<64x1024xf32, #tpu.memory_space<vmem>> -> memref<64x128xf32, #tpu.memory_space<vmem>>
      %dma_wait3A_1120 = arith.constant 0 : i32
      %dma_wait3A_1121 = tpu.memref_slice %arg5[%dma_wait3A_1120, %multiple_of3A_1007] : memref<64x1000000xf32, #tpu.memory_space<hbm>> -> memref<64x128xf32, #tpu.memory_space<hbm>>
      %dma_wait3A_1122 = arith.constant 0 : i32
      %dma_wait3A_1123 = arith.constant 768 : i32
      %dma_wait3A_1124 = tpu.memref_slice %arg11[%dma_wait3A_1122, %dma_wait3A_1123] : memref<64x1024xf32, #tpu.memory_space<vmem>> -> memref<64x128xf32, #tpu.memory_space<vmem>>
      %dma_wait3A_1125 = arith.constant 0 : i32
      %dma_wait3A_1126 = tpu.memref_slice %arg5[%dma_wait3A_1125, %multiple_of3A_1007] : memref<64x1000000xf32, #tpu.memory_space<hbm>> -> memref<64x128xf32, #tpu.memory_space<hbm>>
      tpu.wait_dma2 semaphore(%arg14 : memref<!tpu.dma_semaphore, #tpu.memory_space<semaphore_mem>>) src(%dma_wait3A_1126 : memref<64x128xf32, #tpu.memory_space<hbm>>) dst(%dma_wait3A_1124 : memref<64x128xf32, #tpu.memory_space<vmem>>)
      %dma_wait3A_1127 = arith.constant 0 : i32
      %dma_wait3A_1128 = arith.constant 896 : i32
      %dma_wait3A_1129 = tpu.memref_slice %arg11[%dma_wait3A_1127, %dma_wait3A_1128] : memref<64x1024xf32, #tpu.memory_space<vmem>> -> memref<64x128xf32, #tpu.memory_space<vmem>>
      %dma_wait3A_1130 = arith.constant 0 : i32
      %dma_wait3A_1131 = tpu.memref_slice %arg5[%dma_wait3A_1130, %multiple_of3A_1046] : memref<64x1000000xf32, #tpu.memory_space<hbm>> -> memref<64x128xf32, #tpu.memory_space<hbm>>
      %dma_wait3A_1132 = arith.constant 0 : i32
      %dma_wait3A_1133 = arith.constant 896 : i32
      %dma_wait3A_1134 = tpu.memref_slice %arg11[%dma_wait3A_1132, %dma_wait3A_1133] : memref<64x1024xf32, #tpu.memory_space<vmem>> -> memref<64x128xf32, #tpu.memory_space<vmem>>
      %dma_wait3A_1135 = arith.constant 0 : i32
      %dma_wait3A_1136 = tpu.memref_slice %arg5[%dma_wait3A_1135, %multiple_of3A_1046] : memref<64x1000000xf32, #tpu.memory_space<hbm>> -> memref<64x128xf32, #tpu.memory_space<hbm>>
      tpu.wait_dma2 semaphore(%arg14 : memref<!tpu.dma_semaphore, #tpu.memory_space<semaphore_mem>>) src(%dma_wait3A_1136 : memref<64x128xf32, #tpu.memory_space<hbm>>) dst(%dma_wait3A_1134 : memref<64x128xf32, #tpu.memory_space<vmem>>)
      %slice3A_1137 = vector.extract_strided_slice %get3A_15 {offsets = [8], sizes = [1], strides = [1]} : vector<16xi32> to vector<1xi32>
      %squeeze3A_1138 = vector.extract %slice3A_1137[0] : i32 from vector<1xi32>
      %jit3A_1139 = arith.constant 128 : i32
      %eq3A_1140 = arith.constant 0 : i32
      %eq3A_1141 = arith.cmpi eq, %jit3A_1139, %eq3A_1140 : i32
      %jit3A_1142 = arith.constant 1 : i32
      %select_n3A_1143 = arith.select %eq3A_1141, %jit3A_1142, %jit3A_1139 : i32
      %rem3A_1144 = arith.remsi %squeeze3A_1138, %select_n3A_1143 : i32
      %ne3A_1145 = arith.constant 0 : i32
      %ne3A_1146 = arith.cmpi ne, %rem3A_1144, %ne3A_1145 : i32
      %lt3A_1147 = arith.constant 0 : i32
      %lt3A_1148 = arith.cmpi slt, %rem3A_1144, %lt3A_1147 : i32
      %lt3A_1149 = arith.constant 0 : i32
      %lt3A_1150 = arith.cmpi slt, %select_n3A_1143, %lt3A_1149 : i32
      %ne3A_1151 = arith.xori %lt3A_1148, %lt3A_1150 : i1
      %and3A_1152 = arith.andi %ne3A_1151, %ne3A_1146 : i1
      %add3A_1153 = arith.addi %rem3A_1144, %select_n3A_1143 : i32
      %select_n3A_1154 = arith.select %and3A_1152, %add3A_1153, %rem3A_1144 : i32
      %add3A_1155 = arith.constant 0 : i32
      %add3A_1156 = arith.addi %add3A_1155, %select_n3A_1154 : i32
      %broadcast_in_dim3A_1157 = vector.broadcast %add3A_1156 : i32 to vector<16xi32>
      %mul3A_1158 = arith.constant 16 : i32
      %mul3A_1159 = arith.muli %scan3A_12, %mul3A_1158 : i32
      %add3A_1160 = arith.constant 8 : i32
      %add3A_1161 = arith.addi %mul3A_1159, %add3A_1160 : i32
      %add3A_1162 = arith.constant 0 : i32
      %add3A_1163 = arith.addi %add3A_1161, %add3A_1162 : i32
      %broadcast_in_dim3A_1164 = vector.broadcast %add3A_1163 : i32 to vector<16xi32>
      %add3A_1165 = arith.constant 0 : i32
      %add3A_1166 = vector.broadcast %add3A_1165 : i32 to vector<16xi32>
      %add3A_1167 = arith.addi %iota3A, %add3A_1166 : vector<16xi32>
      %gather3A_1168 = tpu.vector_load_idx %arg11[%add3A_1167, %broadcast_in_dim3A_1157] : memref<64x1024xf32, #tpu.memory_space<vmem>>[vector<16xi32>, vector<16xi32>], vector<16xf32>,
      tpu.vector_store_idx %arg12[%add3A_1167, %broadcast_in_dim3A_1164], %gather3A_1168 : memref<64x128xf32, #tpu.memory_space<vmem>>[vector<16xi32>, vector<16xi32>], vector<16xf32>,
      %add3A_1169 = arith.constant 16 : i32
      %add3A_1170 = vector.broadcast %add3A_1169 : i32 to vector<16xi32>
      %add3A_1171 = arith.addi %iota3A, %add3A_1170 : vector<16xi32>
      %gather3A_1172 = tpu.vector_load_idx %arg11[%add3A_1171, %broadcast_in_dim3A_1157] : memref<64x1024xf32, #tpu.memory_space<vmem>>[vector<16xi32>, vector<16xi32>], vector<16xf32>,
      tpu.vector_store_idx %arg12[%add3A_1171, %broadcast_in_dim3A_1164], %gather3A_1172 : memref<64x128xf32, #tpu.memory_space<vmem>>[vector<16xi32>, vector<16xi32>], vector<16xf32>,
      %add3A_1173 = arith.constant 32 : i32
      %add3A_1174 = vector.broadcast %add3A_1173 : i32 to vector<16xi32>
      %add3A_1175 = arith.addi %iota3A, %add3A_1174 : vector<16xi32>
      %gather3A_1176 = tpu.vector_load_idx %arg11[%add3A_1175, %broadcast_in_dim3A_1157] : memref<64x1024xf32, #tpu.memory_space<vmem>>[vector<16xi32>, vector<16xi32>], vector<16xf32>,
      tpu.vector_store_idx %arg12[%add3A_1175, %broadcast_in_dim3A_1164], %gather3A_1176 : memref<64x128xf32, #tpu.memory_space<vmem>>[vector<16xi32>, vector<16xi32>], vector<16xf32>,
      %add3A_1177 = arith.constant 48 : i32
      %add3A_1178 = vector.broadcast %add3A_1177 : i32 to vector<16xi32>
      %add3A_1179 = arith.addi %iota3A, %add3A_1178 : vector<16xi32>
      %gather3A_1180 = tpu.vector_load_idx %arg11[%add3A_1179, %broadcast_in_dim3A_1157] : memref<64x1024xf32, #tpu.memory_space<vmem>>[vector<16xi32>, vector<16xi32>], vector<16xf32>,
      tpu.vector_store_idx %arg12[%add3A_1179, %broadcast_in_dim3A_1164], %gather3A_1180 : memref<64x128xf32, #tpu.memory_space<vmem>>[vector<16xi32>, vector<16xi32>], vector<16xf32>,
      %slice3A_1181 = vector.extract_strided_slice %get3A_15 {offsets = [9], sizes = [1], strides = [1]} : vector<16xi32> to vector<1xi32>
      %squeeze3A_1182 = vector.extract %slice3A_1181[0] : i32 from vector<1xi32>
      %jit3A_1183 = arith.constant 128 : i32
      %eq3A_1184 = arith.constant 0 : i32
      %eq3A_1185 = arith.cmpi eq, %jit3A_1183, %eq3A_1184 : i32
      %jit3A_1186 = arith.constant 1 : i32
      %select_n3A_1187 = arith.select %eq3A_1185, %jit3A_1186, %jit3A_1183 : i32
      %rem3A_1188 = arith.remsi %squeeze3A_1182, %select_n3A_1187 : i32
      %ne3A_1189 = arith.constant 0 : i32
      %ne3A_1190 = arith.cmpi ne, %rem3A_1188, %ne3A_1189 : i32
      %lt3A_1191 = arith.constant 0 : i32
      %lt3A_1192 = arith.cmpi slt, %rem3A_1188, %lt3A_1191 : i32
      %lt3A_1193 = arith.constant 0 : i32
      %lt3A_1194 = arith.cmpi slt, %select_n3A_1187, %lt3A_1193 : i32
      %ne3A_1195 = arith.xori %lt3A_1192, %lt3A_1194 : i1
      %and3A_1196 = arith.andi %ne3A_1195, %ne3A_1190 : i1
      %add3A_1197 = arith.addi %rem3A_1188, %select_n3A_1187 : i32
      %select_n3A_1198 = arith.select %and3A_1196, %add3A_1197, %rem3A_1188 : i32
      %add3A_1199 = arith.constant 128 : i32
      %add3A_1200 = arith.addi %add3A_1199, %select_n3A_1198 : i32
      %broadcast_in_dim3A_1201 = vector.broadcast %add3A_1200 : i32 to vector<16xi32>
      %mul3A_1202 = arith.constant 16 : i32
      %mul3A_1203 = arith.muli %scan3A_12, %mul3A_1202 : i32
      %add3A_1204 = arith.constant 8 : i32
      %add3A_1205 = arith.addi %mul3A_1203, %add3A_1204 : i32
      %add3A_1206 = arith.constant 1 : i32
      %add3A_1207 = arith.addi %add3A_1205, %add3A_1206 : i32
      %broadcast_in_dim3A_1208 = vector.broadcast %add3A_1207 : i32 to vector<16xi32>
      %add3A_1209 = arith.constant 0 : i32
      %add3A_1210 = vector.broadcast %add3A_1209 : i32 to vector<16xi32>
      %add3A_1211 = arith.addi %iota3A, %add3A_1210 : vector<16xi32>
      %gather3A_1212 = tpu.vector_load_idx %arg11[%add3A_1211, %broadcast_in_dim3A_1201] : memref<64x1024xf32, #tpu.memory_space<vmem>>[vector<16xi32>, vector<16xi32>], vector<16xf32>,
      tpu.vector_store_idx %arg12[%add3A_1211, %broadcast_in_dim3A_1208], %gather3A_1212 : memref<64x128xf32, #tpu.memory_space<vmem>>[vector<16xi32>, vector<16xi32>], vector<16xf32>,
      %add3A_1213 = arith.constant 16 : i32
      %add3A_1214 = vector.broadcast %add3A_1213 : i32 to vector<16xi32>
      %add3A_1215 = arith.addi %iota3A, %add3A_1214 : vector<16xi32>
      %gather3A_1216 = tpu.vector_load_idx %arg11[%add3A_1215, %broadcast_in_dim3A_1201] : memref<64x1024xf32, #tpu.memory_space<vmem>>[vector<16xi32>, vector<16xi32>], vector<16xf32>,
      tpu.vector_store_idx %arg12[%add3A_1215, %broadcast_in_dim3A_1208], %gather3A_1216 : memref<64x128xf32, #tpu.memory_space<vmem>>[vector<16xi32>, vector<16xi32>], vector<16xf32>,
      %add3A_1217 = arith.constant 32 : i32
      %add3A_1218 = vector.broadcast %add3A_1217 : i32 to vector<16xi32>
      %add3A_1219 = arith.addi %iota3A, %add3A_1218 : vector<16xi32>
      %gather3A_1220 = tpu.vector_load_idx %arg11[%add3A_1219, %broadcast_in_dim3A_1201] : memref<64x1024xf32, #tpu.memory_space<vmem>>[vector<16xi32>, vector<16xi32>], vector<16xf32>,
      tpu.vector_store_idx %arg12[%add3A_1219, %broadcast_in_dim3A_1208], %gather3A_1220 : memref<64x128xf32, #tpu.memory_space<vmem>>[vector<16xi32>, vector<16xi32>], vector<16xf32>,
      %add3A_1221 = arith.constant 48 : i32
      %add3A_1222 = vector.broadcast %add3A_1221 : i32 to vector<16xi32>
      %add3A_1223 = arith.addi %iota3A, %add3A_1222 : vector<16xi32>
      %gather3A_1224 = tpu.vector_load_idx %arg11[%add3A_1223, %broadcast_in_dim3A_1201] : memref<64x1024xf32, #tpu.memory_space<vmem>>[vector<16xi32>, vector<16xi32>], vector<16xf32>,
      tpu.vector_store_idx %arg12[%add3A_1223, %broadcast_in_dim3A_1208], %gather3A_1224 : memref<64x128xf32, #tpu.memory_space<vmem>>[vector<16xi32>, vector<16xi32>], vector<16xf32>,
      %slice3A_1225 = vector.extract_strided_slice %get3A_15 {offsets = [10], sizes = [1], strides = [1]} : vector<16xi32> to vector<1xi32>
      %squeeze3A_1226 = vector.extract %slice3A_1225[0] : i32 from vector<1xi32>
      %jit3A_1227 = arith.constant 128 : i32
      %eq3A_1228 = arith.constant 0 : i32
      %eq3A_1229 = arith.cmpi eq, %jit3A_1227, %eq3A_1228 : i32
      %jit3A_1230 = arith.constant 1 : i32
      %select_n3A_1231 = arith.select %eq3A_1229, %jit3A_1230, %jit3A_1227 : i32
      %rem3A_1232 = arith.remsi %squeeze3A_1226, %select_n3A_1231 : i32
      %ne3A_1233 = arith.constant 0 : i32
      %ne3A_1234 = arith.cmpi ne, %rem3A_1232, %ne3A_1233 : i32
      %lt3A_1235 = arith.constant 0 : i32
      %lt3A_1236 = arith.cmpi slt, %rem3A_1232, %lt3A_1235 : i32
      %lt3A_1237 = arith.constant 0 : i32
      %lt3A_1238 = arith.cmpi slt, %select_n3A_1231, %lt3A_1237 : i32
      %ne3A_1239 = arith.xori %lt3A_1236, %lt3A_1238 : i1
      %and3A_1240 = arith.andi %ne3A_1239, %ne3A_1234 : i1
      %add3A_1241 = arith.addi %rem3A_1232, %select_n3A_1231 : i32
      %select_n3A_1242 = arith.select %and3A_1240, %add3A_1241, %rem3A_1232 : i32
      %add3A_1243 = arith.constant 256 : i32
      %add3A_1244 = arith.addi %add3A_1243, %select_n3A_1242 : i32
      %broadcast_in_dim3A_1245 = vector.broadcast %add3A_1244 : i32 to vector<16xi32>
      %mul3A_1246 = arith.constant 16 : i32
      %mul3A_1247 = arith.muli %scan3A_12, %mul3A_1246 : i32
      %add3A_1248 = arith.constant 8 : i32
      %add3A_1249 = arith.addi %mul3A_1247, %add3A_1248 : i32
      %add3A_1250 = arith.constant 2 : i32
      %add3A_1251 = arith.addi %add3A_1249, %add3A_1250 : i32
      %broadcast_in_dim3A_1252 = vector.broadcast %add3A_1251 : i32 to vector<16xi32>
      %add3A_1253 = arith.constant 0 : i32
      %add3A_1254 = vector.broadcast %add3A_1253 : i32 to vector<16xi32>
      %add3A_1255 = arith.addi %iota3A, %add3A_1254 : vector<16xi32>
      %gather3A_1256 = tpu.vector_load_idx %arg11[%add3A_1255, %broadcast_in_dim3A_1245] : memref<64x1024xf32, #tpu.memory_space<vmem>>[vector<16xi32>, vector<16xi32>], vector<16xf32>,
      tpu.vector_store_idx %arg12[%add3A_1255, %broadcast_in_dim3A_1252], %gather3A_1256 : memref<64x128xf32, #tpu.memory_space<vmem>>[vector<16xi32>, vector<16xi32>], vector<16xf32>,
      %add3A_1257 = arith.constant 16 : i32
      %add3A_1258 = vector.broadcast %add3A_1257 : i32 to vector<16xi32>
      %add3A_1259 = arith.addi %iota3A, %add3A_1258 : vector<16xi32>
      %gather3A_1260 = tpu.vector_load_idx %arg11[%add3A_1259, %broadcast_in_dim3A_1245] : memref<64x1024xf32, #tpu.memory_space<vmem>>[vector<16xi32>, vector<16xi32>], vector<16xf32>,
      tpu.vector_store_idx %arg12[%add3A_1259, %broadcast_in_dim3A_1252], %gather3A_1260 : memref<64x128xf32, #tpu.memory_space<vmem>>[vector<16xi32>, vector<16xi32>], vector<16xf32>,
      %add3A_1261 = arith.constant 32 : i32
      %add3A_1262 = vector.broadcast %add3A_1261 : i32 to vector<16xi32>
      %add3A_1263 = arith.addi %iota3A, %add3A_1262 : vector<16xi32>
      %gather3A_1264 = tpu.vector_load_idx %arg11[%add3A_1263, %broadcast_in_dim3A_1245] : memref<64x1024xf32, #tpu.memory_space<vmem>>[vector<16xi32>, vector<16xi32>], vector<16xf32>,
      tpu.vector_store_idx %arg12[%add3A_1263, %broadcast_in_dim3A_1252], %gather3A_1264 : memref<64x128xf32, #tpu.memory_space<vmem>>[vector<16xi32>, vector<16xi32>], vector<16xf32>,
      %add3A_1265 = arith.constant 48 : i32
      %add3A_1266 = vector.broadcast %add3A_1265 : i32 to vector<16xi32>
      %add3A_1267 = arith.addi %iota3A, %add3A_1266 : vector<16xi32>
      %gather3A_1268 = tpu.vector_load_idx %arg11[%add3A_1267, %broadcast_in_dim3A_1245] : memref<64x1024xf32, #tpu.memory_space<vmem>>[vector<16xi32>, vector<16xi32>], vector<16xf32>,
      tpu.vector_store_idx %arg12[%add3A_1267, %broadcast_in_dim3A_1252], %gather3A_1268 : memref<64x128xf32, #tpu.memory_space<vmem>>[vector<16xi32>, vector<16xi32>], vector<16xf32>,
      %slice3A_1269 = vector.extract_strided_slice %get3A_15 {offsets = [11], sizes = [1], strides = [1]} : vector<16xi32> to vector<1xi32>
      %squeeze3A_1270 = vector.extract %slice3A_1269[0] : i32 from vector<1xi32>
      %jit3A_1271 = arith.constant 128 : i32
      %eq3A_1272 = arith.constant 0 : i32
      %eq3A_1273 = arith.cmpi eq, %jit3A_1271, %eq3A_1272 : i32
      %jit3A_1274 = arith.constant 1 : i32
      %select_n3A_1275 = arith.select %eq3A_1273, %jit3A_1274, %jit3A_1271 : i32
      %rem3A_1276 = arith.remsi %squeeze3A_1270, %select_n3A_1275 : i32
      %ne3A_1277 = arith.constant 0 : i32
      %ne3A_1278 = arith.cmpi ne, %rem3A_1276, %ne3A_1277 : i32
      %lt3A_1279 = arith.constant 0 : i32
      %lt3A_1280 = arith.cmpi slt, %rem3A_1276, %lt3A_1279 : i32
      %lt3A_1281 = arith.constant 0 : i32
      %lt3A_1282 = arith.cmpi slt, %select_n3A_1275, %lt3A_1281 : i32
      %ne3A_1283 = arith.xori %lt3A_1280, %lt3A_1282 : i1
      %and3A_1284 = arith.andi %ne3A_1283, %ne3A_1278 : i1
      %add3A_1285 = arith.addi %rem3A_1276, %select_n3A_1275 : i32
      %select_n3A_1286 = arith.select %and3A_1284, %add3A_1285, %rem3A_1276 : i32
      %add3A_1287 = arith.constant 384 : i32
      %add3A_1288 = arith.addi %add3A_1287, %select_n3A_1286 : i32
      %broadcast_in_dim3A_1289 = vector.broadcast %add3A_1288 : i32 to vector<16xi32>
      %mul3A_1290 = arith.constant 16 : i32
      %mul3A_1291 = arith.muli %scan3A_12, %mul3A_1290 : i32
      %add3A_1292 = arith.constant 8 : i32
      %add3A_1293 = arith.addi %mul3A_1291, %add3A_1292 : i32
      %add3A_1294 = arith.constant 3 : i32
      %add3A_1295 = arith.addi %add3A_1293, %add3A_1294 : i32
      %broadcast_in_dim3A_1296 = vector.broadcast %add3A_1295 : i32 to vector<16xi32>
      %add3A_1297 = arith.constant 0 : i32
      %add3A_1298 = vector.broadcast %add3A_1297 : i32 to vector<16xi32>
      %add3A_1299 = arith.addi %iota3A, %add3A_1298 : vector<16xi32>
      %gather3A_1300 = tpu.vector_load_idx %arg11[%add3A_1299, %broadcast_in_dim3A_1289] : memref<64x1024xf32, #tpu.memory_space<vmem>>[vector<16xi32>, vector<16xi32>], vector<16xf32>,
      tpu.vector_store_idx %arg12[%add3A_1299, %broadcast_in_dim3A_1296], %gather3A_1300 : memref<64x128xf32, #tpu.memory_space<vmem>>[vector<16xi32>, vector<16xi32>], vector<16xf32>,
      %add3A_1301 = arith.constant 16 : i32
      %add3A_1302 = vector.broadcast %add3A_1301 : i32 to vector<16xi32>
      %add3A_1303 = arith.addi %iota3A, %add3A_1302 : vector<16xi32>
      %gather3A_1304 = tpu.vector_load_idx %arg11[%add3A_1303, %broadcast_in_dim3A_1289] : memref<64x1024xf32, #tpu.memory_space<vmem>>[vector<16xi32>, vector<16xi32>], vector<16xf32>,
      tpu.vector_store_idx %arg12[%add3A_1303, %broadcast_in_dim3A_1296], %gather3A_1304 : memref<64x128xf32, #tpu.memory_space<vmem>>[vector<16xi32>, vector<16xi32>], vector<16xf32>,
      %add3A_1305 = arith.constant 32 : i32
      %add3A_1306 = vector.broadcast %add3A_1305 : i32 to vector<16xi32>
      %add3A_1307 = arith.addi %iota3A, %add3A_1306 : vector<16xi32>
      %gather3A_1308 = tpu.vector_load_idx %arg11[%add3A_1307, %broadcast_in_dim3A_1289] : memref<64x1024xf32, #tpu.memory_space<vmem>>[vector<16xi32>, vector<16xi32>], vector<16xf32>,
      tpu.vector_store_idx %arg12[%add3A_1307, %broadcast_in_dim3A_1296], %gather3A_1308 : memref<64x128xf32, #tpu.memory_space<vmem>>[vector<16xi32>, vector<16xi32>], vector<16xf32>,
      %add3A_1309 = arith.constant 48 : i32
      %add3A_1310 = vector.broadcast %add3A_1309 : i32 to vector<16xi32>
      %add3A_1311 = arith.addi %iota3A, %add3A_1310 : vector<16xi32>
      %gather3A_1312 = tpu.vector_load_idx %arg11[%add3A_1311, %broadcast_in_dim3A_1289] : memref<64x1024xf32, #tpu.memory_space<vmem>>[vector<16xi32>, vector<16xi32>], vector<16xf32>,
      tpu.vector_store_idx %arg12[%add3A_1311, %broadcast_in_dim3A_1296], %gather3A_1312 : memref<64x128xf32, #tpu.memory_space<vmem>>[vector<16xi32>, vector<16xi32>], vector<16xf32>,
      %slice3A_1313 = vector.extract_strided_slice %get3A_15 {offsets = [12], sizes = [1], strides = [1]} : vector<16xi32> to vector<1xi32>
      %squeeze3A_1314 = vector.extract %slice3A_1313[0] : i32 from vector<1xi32>
      %jit3A_1315 = arith.constant 128 : i32
      %eq3A_1316 = arith.constant 0 : i32
      %eq3A_1317 = arith.cmpi eq, %jit3A_1315, %eq3A_1316 : i32
      %jit3A_1318 = arith.constant 1 : i32
      %select_n3A_1319 = arith.select %eq3A_1317, %jit3A_1318, %jit3A_1315 : i32
      %rem3A_1320 = arith.remsi %squeeze3A_1314, %select_n3A_1319 : i32
      %ne3A_1321 = arith.constant 0 : i32
      %ne3A_1322 = arith.cmpi ne, %rem3A_1320, %ne3A_1321 : i32
      %lt3A_1323 = arith.constant 0 : i32
      %lt3A_1324 = arith.cmpi slt, %rem3A_1320, %lt3A_1323 : i32
      %lt3A_1325 = arith.constant 0 : i32
      %lt3A_1326 = arith.cmpi slt, %select_n3A_1319, %lt3A_1325 : i32
      %ne3A_1327 = arith.xori %lt3A_1324, %lt3A_1326 : i1
      %and3A_1328 = arith.andi %ne3A_1327, %ne3A_1322 : i1
      %add3A_1329 = arith.addi %rem3A_1320, %select_n3A_1319 : i32
      %select_n3A_1330 = arith.select %and3A_1328, %add3A_1329, %rem3A_1320 : i32
      %add3A_1331 = arith.constant 512 : i32
      %add3A_1332 = arith.addi %add3A_1331, %select_n3A_1330 : i32
      %broadcast_in_dim3A_1333 = vector.broadcast %add3A_1332 : i32 to vector<16xi32>
      %mul3A_1334 = arith.constant 16 : i32
      %mul3A_1335 = arith.muli %scan3A_12, %mul3A_1334 : i32
      %add3A_1336 = arith.constant 8 : i32
      %add3A_1337 = arith.addi %mul3A_1335, %add3A_1336 : i32
      %add3A_1338 = arith.constant 4 : i32
      %add3A_1339 = arith.addi %add3A_1337, %add3A_1338 : i32
      %broadcast_in_dim3A_1340 = vector.broadcast %add3A_1339 : i32 to vector<16xi32>
      %add3A_1341 = arith.constant 0 : i32
      %add3A_1342 = vector.broadcast %add3A_1341 : i32 to vector<16xi32>
      %add3A_1343 = arith.addi %iota3A, %add3A_1342 : vector<16xi32>
      %gather3A_1344 = tpu.vector_load_idx %arg11[%add3A_1343, %broadcast_in_dim3A_1333] : memref<64x1024xf32, #tpu.memory_space<vmem>>[vector<16xi32>, vector<16xi32>], vector<16xf32>,
      tpu.vector_store_idx %arg12[%add3A_1343, %broadcast_in_dim3A_1340], %gather3A_1344 : memref<64x128xf32, #tpu.memory_space<vmem>>[vector<16xi32>, vector<16xi32>], vector<16xf32>,
      %add3A_1345 = arith.constant 16 : i32
      %add3A_1346 = vector.broadcast %add3A_1345 : i32 to vector<16xi32>
      %add3A_1347 = arith.addi %iota3A, %add3A_1346 : vector<16xi32>
      %gather3A_1348 = tpu.vector_load_idx %arg11[%add3A_1347, %broadcast_in_dim3A_1333] : memref<64x1024xf32, #tpu.memory_space<vmem>>[vector<16xi32>, vector<16xi32>], vector<16xf32>,
      tpu.vector_store_idx %arg12[%add3A_1347, %broadcast_in_dim3A_1340], %gather3A_1348 : memref<64x128xf32, #tpu.memory_space<vmem>>[vector<16xi32>, vector<16xi32>], vector<16xf32>,
      %add3A_1349 = arith.constant 32 : i32
      %add3A_1350 = vector.broadcast %add3A_1349 : i32 to vector<16xi32>
      %add3A_1351 = arith.addi %iota3A, %add3A_1350 : vector<16xi32>
      %gather3A_1352 = tpu.vector_load_idx %arg11[%add3A_1351, %broadcast_in_dim3A_1333] : memref<64x1024xf32, #tpu.memory_space<vmem>>[vector<16xi32>, vector<16xi32>], vector<16xf32>,
      tpu.vector_store_idx %arg12[%add3A_1351, %broadcast_in_dim3A_1340], %gather3A_1352 : memref<64x128xf32, #tpu.memory_space<vmem>>[vector<16xi32>, vector<16xi32>], vector<16xf32>,
      %add3A_1353 = arith.constant 48 : i32
      %add3A_1354 = vector.broadcast %add3A_1353 : i32 to vector<16xi32>
      %add3A_1355 = arith.addi %iota3A, %add3A_1354 : vector<16xi32>
      %gather3A_1356 = tpu.vector_load_idx %arg11[%add3A_1355, %broadcast_in_dim3A_1333] : memref<64x1024xf32, #tpu.memory_space<vmem>>[vector<16xi32>, vector<16xi32>], vector<16xf32>,
      tpu.vector_store_idx %arg12[%add3A_1355, %broadcast_in_dim3A_1340], %gather3A_1356 : memref<64x128xf32, #tpu.memory_space<vmem>>[vector<16xi32>, vector<16xi32>], vector<16xf32>,
      %slice3A_1357 = vector.extract_strided_slice %get3A_15 {offsets = [13], sizes = [1], strides = [1]} : vector<16xi32> to vector<1xi32>
      %squeeze3A_1358 = vector.extract %slice3A_1357[0] : i32 from vector<1xi32>
      %jit3A_1359 = arith.constant 128 : i32
      %eq3A_1360 = arith.constant 0 : i32
      %eq3A_1361 = arith.cmpi eq, %jit3A_1359, %eq3A_1360 : i32
      %jit3A_1362 = arith.constant 1 : i32
      %select_n3A_1363 = arith.select %eq3A_1361, %jit3A_1362, %jit3A_1359 : i32
      %rem3A_1364 = arith.remsi %squeeze3A_1358, %select_n3A_1363 : i32
      %ne3A_1365 = arith.constant 0 : i32
      %ne3A_1366 = arith.cmpi ne, %rem3A_1364, %ne3A_1365 : i32
      %lt3A_1367 = arith.constant 0 : i32
      %lt3A_1368 = arith.cmpi slt, %rem3A_1364, %lt3A_1367 : i32
      %lt3A_1369 = arith.constant 0 : i32
      %lt3A_1370 = arith.cmpi slt, %select_n3A_1363, %lt3A_1369 : i32
      %ne3A_1371 = arith.xori %lt3A_1368, %lt3A_1370 : i1
      %and3A_1372 = arith.andi %ne3A_1371, %ne3A_1366 : i1
      %add3A_1373 = arith.addi %rem3A_1364, %select_n3A_1363 : i32
      %select_n3A_1374 = arith.select %and3A_1372, %add3A_1373, %rem3A_1364 : i32
      %add3A_1375 = arith.constant 640 : i32
      %add3A_1376 = arith.addi %add3A_1375, %select_n3A_1374 : i32
      %broadcast_in_dim3A_1377 = vector.broadcast %add3A_1376 : i32 to vector<16xi32>
      %mul3A_1378 = arith.constant 16 : i32
      %mul3A_1379 = arith.muli %scan3A_12, %mul3A_1378 : i32
      %add3A_1380 = arith.constant 8 : i32
      %add3A_1381 = arith.addi %mul3A_1379, %add3A_1380 : i32
      %add3A_1382 = arith.constant 5 : i32
      %add3A_1383 = arith.addi %add3A_1381, %add3A_1382 : i32
      %broadcast_in_dim3A_1384 = vector.broadcast %add3A_1383 : i32 to vector<16xi32>
      %add3A_1385 = arith.constant 0 : i32
      %add3A_1386 = vector.broadcast %add3A_1385 : i32 to vector<16xi32>
      %add3A_1387 = arith.addi %iota3A, %add3A_1386 : vector<16xi32>
      %gather3A_1388 = tpu.vector_load_idx %arg11[%add3A_1387, %broadcast_in_dim3A_1377] : memref<64x1024xf32, #tpu.memory_space<vmem>>[vector<16xi32>, vector<16xi32>], vector<16xf32>,
      tpu.vector_store_idx %arg12[%add3A_1387, %broadcast_in_dim3A_1384], %gather3A_1388 : memref<64x128xf32, #tpu.memory_space<vmem>>[vector<16xi32>, vector<16xi32>], vector<16xf32>,
      %add3A_1389 = arith.constant 16 : i32
      %add3A_1390 = vector.broadcast %add3A_1389 : i32 to vector<16xi32>
      %add3A_1391 = arith.addi %iota3A, %add3A_1390 : vector<16xi32>
      %gather3A_1392 = tpu.vector_load_idx %arg11[%add3A_1391, %broadcast_in_dim3A_1377] : memref<64x1024xf32, #tpu.memory_space<vmem>>[vector<16xi32>, vector<16xi32>], vector<16xf32>,
      tpu.vector_store_idx %arg12[%add3A_1391, %broadcast_in_dim3A_1384], %gather3A_1392 : memref<64x128xf32, #tpu.memory_space<vmem>>[vector<16xi32>, vector<16xi32>], vector<16xf32>,
      %add3A_1393 = arith.constant 32 : i32
      %add3A_1394 = vector.broadcast %add3A_1393 : i32 to vector<16xi32>
      %add3A_1395 = arith.addi %iota3A, %add3A_1394 : vector<16xi32>
      %gather3A_1396 = tpu.vector_load_idx %arg11[%add3A_1395, %broadcast_in_dim3A_1377] : memref<64x1024xf32, #tpu.memory_space<vmem>>[vector<16xi32>, vector<16xi32>], vector<16xf32>,
      tpu.vector_store_idx %arg12[%add3A_1395, %broadcast_in_dim3A_1384], %gather3A_1396 : memref<64x128xf32, #tpu.memory_space<vmem>>[vector<16xi32>, vector<16xi32>], vector<16xf32>,
      %add3A_1397 = arith.constant 48 : i32
      %add3A_1398 = vector.broadcast %add3A_1397 : i32 to vector<16xi32>
      %add3A_1399 = arith.addi %iota3A, %add3A_1398 : vector<16xi32>
      %gather3A_1400 = tpu.vector_load_idx %arg11[%add3A_1399, %broadcast_in_dim3A_1377] : memref<64x1024xf32, #tpu.memory_space<vmem>>[vector<16xi32>, vector<16xi32>], vector<16xf32>,
      tpu.vector_store_idx %arg12[%add3A_1399, %broadcast_in_dim3A_1384], %gather3A_1400 : memref<64x128xf32, #tpu.memory_space<vmem>>[vector<16xi32>, vector<16xi32>], vector<16xf32>,
      %slice3A_1401 = vector.extract_strided_slice %get3A_15 {offsets = [14], sizes = [1], strides = [1]} : vector<16xi32> to vector<1xi32>
      %squeeze3A_1402 = vector.extract %slice3A_1401[0] : i32 from vector<1xi32>
      %jit3A_1403 = arith.constant 128 : i32
      %eq3A_1404 = arith.constant 0 : i32
      %eq3A_1405 = arith.cmpi eq, %jit3A_1403, %eq3A_1404 : i32
      %jit3A_1406 = arith.constant 1 : i32
      %select_n3A_1407 = arith.select %eq3A_1405, %jit3A_1406, %jit3A_1403 : i32
      %rem3A_1408 = arith.remsi %squeeze3A_1402, %select_n3A_1407 : i32
      %ne3A_1409 = arith.constant 0 : i32
      %ne3A_1410 = arith.cmpi ne, %rem3A_1408, %ne3A_1409 : i32
      %lt3A_1411 = arith.constant 0 : i32
      %lt3A_1412 = arith.cmpi slt, %rem3A_1408, %lt3A_1411 : i32
      %lt3A_1413 = arith.constant 0 : i32
      %lt3A_1414 = arith.cmpi slt, %select_n3A_1407, %lt3A_1413 : i32
      %ne3A_1415 = arith.xori %lt3A_1412, %lt3A_1414 : i1
      %and3A_1416 = arith.andi %ne3A_1415, %ne3A_1410 : i1
      %add3A_1417 = arith.addi %rem3A_1408, %select_n3A_1407 : i32
      %select_n3A_1418 = arith.select %and3A_1416, %add3A_1417, %rem3A_1408 : i32
      %add3A_1419 = arith.constant 768 : i32
      %add3A_1420 = arith.addi %add3A_1419, %select_n3A_1418 : i32
      %broadcast_in_dim3A_1421 = vector.broadcast %add3A_1420 : i32 to vector<16xi32>
      %mul3A_1422 = arith.constant 16 : i32
      %mul3A_1423 = arith.muli %scan3A_12, %mul3A_1422 : i32
      %add3A_1424 = arith.constant 8 : i32
      %add3A_1425 = arith.addi %mul3A_1423, %add3A_1424 : i32
      %add3A_1426 = arith.constant 6 : i32
      %add3A_1427 = arith.addi %add3A_1425, %add3A_1426 : i32
      %broadcast_in_dim3A_1428 = vector.broadcast %add3A_1427 : i32 to vector<16xi32>
      %add3A_1429 = arith.constant 0 : i32
      %add3A_1430 = vector.broadcast %add3A_1429 : i32 to vector<16xi32>
      %add3A_1431 = arith.addi %iota3A, %add3A_1430 : vector<16xi32>
      %gather3A_1432 = tpu.vector_load_idx %arg11[%add3A_1431, %broadcast_in_dim3A_1421] : memref<64x1024xf32, #tpu.memory_space<vmem>>[vector<16xi32>, vector<16xi32>], vector<16xf32>,
      tpu.vector_store_idx %arg12[%add3A_1431, %broadcast_in_dim3A_1428], %gather3A_1432 : memref<64x128xf32, #tpu.memory_space<vmem>>[vector<16xi32>, vector<16xi32>], vector<16xf32>,
      %add3A_1433 = arith.constant 16 : i32
      %add3A_1434 = vector.broadcast %add3A_1433 : i32 to vector<16xi32>
      %add3A_1435 = arith.addi %iota3A, %add3A_1434 : vector<16xi32>
      %gather3A_1436 = tpu.vector_load_idx %arg11[%add3A_1435, %broadcast_in_dim3A_1421] : memref<64x1024xf32, #tpu.memory_space<vmem>>[vector<16xi32>, vector<16xi32>], vector<16xf32>,
      tpu.vector_store_idx %arg12[%add3A_1435, %broadcast_in_dim3A_1428], %gather3A_1436 : memref<64x128xf32, #tpu.memory_space<vmem>>[vector<16xi32>, vector<16xi32>], vector<16xf32>,
      %add3A_1437 = arith.constant 32 : i32
      %add3A_1438 = vector.broadcast %add3A_1437 : i32 to vector<16xi32>
      %add3A_1439 = arith.addi %iota3A, %add3A_1438 : vector<16xi32>
      %gather3A_1440 = tpu.vector_load_idx %arg11[%add3A_1439, %broadcast_in_dim3A_1421] : memref<64x1024xf32, #tpu.memory_space<vmem>>[vector<16xi32>, vector<16xi32>], vector<16xf32>,
      tpu.vector_store_idx %arg12[%add3A_1439, %broadcast_in_dim3A_1428], %gather3A_1440 : memref<64x128xf32, #tpu.memory_space<vmem>>[vector<16xi32>, vector<16xi32>], vector<16xf32>,
      %add3A_1441 = arith.constant 48 : i32
      %add3A_1442 = vector.broadcast %add3A_1441 : i32 to vector<16xi32>
      %add3A_1443 = arith.addi %iota3A, %add3A_1442 : vector<16xi32>
      %gather3A_1444 = tpu.vector_load_idx %arg11[%add3A_1443, %broadcast_in_dim3A_1421] : memref<64x1024xf32, #tpu.memory_space<vmem>>[vector<16xi32>, vector<16xi32>], vector<16xf32>,
      tpu.vector_store_idx %arg12[%add3A_1443, %broadcast_in_dim3A_1428], %gather3A_1444 : memref<64x128xf32, #tpu.memory_space<vmem>>[vector<16xi32>, vector<16xi32>], vector<16xf32>,
      %slice3A_1445 = vector.extract_strided_slice %get3A_15 {offsets = [15], sizes = [1], strides = [1]} : vector<16xi32> to vector<1xi32>
      %squeeze3A_1446 = vector.extract %slice3A_1445[0] : i32 from vector<1xi32>
      %jit3A_1447 = arith.constant 128 : i32
      %eq3A_1448 = arith.constant 0 : i32
      %eq3A_1449 = arith.cmpi eq, %jit3A_1447, %eq3A_1448 : i32
      %jit3A_1450 = arith.constant 1 : i32
      %select_n3A_1451 = arith.select %eq3A_1449, %jit3A_1450, %jit3A_1447 : i32
      %rem3A_1452 = arith.remsi %squeeze3A_1446, %select_n3A_1451 : i32
      %ne3A_1453 = arith.constant 0 : i32
      %ne3A_1454 = arith.cmpi ne, %rem3A_1452, %ne3A_1453 : i32
      %lt3A_1455 = arith.constant 0 : i32
      %lt3A_1456 = arith.cmpi slt, %rem3A_1452, %lt3A_1455 : i32
      %lt3A_1457 = arith.constant 0 : i32
      %lt3A_1458 = arith.cmpi slt, %select_n3A_1451, %lt3A_1457 : i32
      %ne3A_1459 = arith.xori %lt3A_1456, %lt3A_1458 : i1
      %and3A_1460 = arith.andi %ne3A_1459, %ne3A_1454 : i1
      %add3A_1461 = arith.addi %rem3A_1452, %select_n3A_1451 : i32
      %select_n3A_1462 = arith.select %and3A_1460, %add3A_1461, %rem3A_1452 : i32
      %add3A_1463 = arith.constant 896 : i32
      %add3A_1464 = arith.addi %add3A_1463, %select_n3A_1462 : i32
      %broadcast_in_dim3A_1465 = vector.broadcast %add3A_1464 : i32 to vector<16xi32>
      %mul3A_1466 = arith.constant 16 : i32
      %mul3A_1467 = arith.muli %scan3A_12, %mul3A_1466 : i32
      %add3A_1468 = arith.constant 8 : i32
      %add3A_1469 = arith.addi %mul3A_1467, %add3A_1468 : i32
      %add3A_1470 = arith.constant 7 : i32
      %add3A_1471 = arith.addi %add3A_1469, %add3A_1470 : i32
      %broadcast_in_dim3A_1472 = vector.broadcast %add3A_1471 : i32 to vector<16xi32>
      %add3A_1473 = arith.constant 0 : i32
      %add3A_1474 = vector.broadcast %add3A_1473 : i32 to vector<16xi32>
      %add3A_1475 = arith.addi %iota3A, %add3A_1474 : vector<16xi32>
      %gather3A_1476 = tpu.vector_load_idx %arg11[%add3A_1475, %broadcast_in_dim3A_1465] : memref<64x1024xf32, #tpu.memory_space<vmem>>[vector<16xi32>, vector<16xi32>], vector<16xf32>,
      tpu.vector_store_idx %arg12[%add3A_1475, %broadcast_in_dim3A_1472], %gather3A_1476 : memref<64x128xf32, #tpu.memory_space<vmem>>[vector<16xi32>, vector<16xi32>], vector<16xf32>,
      %add3A_1477 = arith.constant 16 : i32
      %add3A_1478 = vector.broadcast %add3A_1477 : i32 to vector<16xi32>
      %add3A_1479 = arith.addi %iota3A, %add3A_1478 : vector<16xi32>
      %gather3A_1480 = tpu.vector_load_idx %arg11[%add3A_1479, %broadcast_in_dim3A_1465] : memref<64x1024xf32, #tpu.memory_space<vmem>>[vector<16xi32>, vector<16xi32>], vector<16xf32>,
      tpu.vector_store_idx %arg12[%add3A_1479, %broadcast_in_dim3A_1472], %gather3A_1480 : memref<64x128xf32, #tpu.memory_space<vmem>>[vector<16xi32>, vector<16xi32>], vector<16xf32>,
      %add3A_1481 = arith.constant 32 : i32
      %add3A_1482 = vector.broadcast %add3A_1481 : i32 to vector<16xi32>
      %add3A_1483 = arith.addi %iota3A, %add3A_1482 : vector<16xi32>
      %gather3A_1484 = tpu.vector_load_idx %arg11[%add3A_1483, %broadcast_in_dim3A_1465] : memref<64x1024xf32, #tpu.memory_space<vmem>>[vector<16xi32>, vector<16xi32>], vector<16xf32>,
      tpu.vector_store_idx %arg12[%add3A_1483, %broadcast_in_dim3A_1472], %gather3A_1484 : memref<64x128xf32, #tpu.memory_space<vmem>>[vector<16xi32>, vector<16xi32>], vector<16xf32>,
      %add3A_1485 = arith.constant 48 : i32
      %add3A_1486 = vector.broadcast %add3A_1485 : i32 to vector<16xi32>
      %add3A_1487 = arith.addi %iota3A, %add3A_1486 : vector<16xi32>
      %gather3A_1488 = tpu.vector_load_idx %arg11[%add3A_1487, %broadcast_in_dim3A_1465] : memref<64x1024xf32, #tpu.memory_space<vmem>>[vector<16xi32>, vector<16xi32>], vector<16xf32>,
      tpu.vector_store_idx %arg12[%add3A_1487, %broadcast_in_dim3A_1472], %gather3A_1488 : memref<64x128xf32, #tpu.memory_space<vmem>>[vector<16xi32>, vector<16xi32>], vector<16xf32>,
    }
    %scan3A_9 = arith.constant 8 : i32
    "tpu.region"() ({
      %run_scoped3A = tpu.sem_alloc : memref<!tpu.dma_semaphore, #tpu.memory_space<semaphore_mem>>
      %dma_start3A_12 = arith.constant 0 : i32
      %dma_start3A_13 = tpu.memref_slice %arg7[%dma_start3A_12, %mul3A_2] : memref<64x4096xf32, #tpu.memory_space<hbm>> -> memref<64x128xf32, #tpu.memory_space<hbm>>
      %dma_start3A_14 = arith.constant 0 : i32
      %dma_start3A_15 = tpu.memref_slice %arg7[%dma_start3A_14, %mul3A_2] : memref<64x4096xf32, #tpu.memory_space<hbm>> -> memref<64x128xf32, #tpu.memory_space<hbm>>
      tpu.enqueue_dma source(%arg12 : memref<64x128xf32, #tpu.memory_space<vmem>>) target(%dma_start3A_15 : memref<64x128xf32, #tpu.memory_space<hbm>>) target_semaphore(%run_scoped3A : memref<!tpu.dma_semaphore, #tpu.memory_space<semaphore_mem>>)
      %dma_wait3A_16 = arith.constant 0 : i32
      %dma_wait3A_17 = tpu.memref_slice %arg7[%dma_wait3A_16, %mul3A_2] : memref<64x4096xf32, #tpu.memory_space<hbm>> -> memref<64x128xf32, #tpu.memory_space<hbm>>
      %dma_wait3A_18 = arith.constant 0 : i32
      %dma_wait3A_19 = tpu.memref_slice %arg7[%dma_wait3A_18, %mul3A_2] : memref<64x4096xf32, #tpu.memory_space<hbm>> -> memref<64x128xf32, #tpu.memory_space<hbm>>
      tpu.wait_dma2 semaphore(%run_scoped3A : memref<!tpu.dma_semaphore, #tpu.memory_space<semaphore_mem>>) src(%arg12 : memref<64x128xf32, #tpu.memory_space<vmem>>) dst(%dma_wait3A_19 : memref<64x128xf32, #tpu.memory_space<hbm>>)
      tpu.yield
    }) : () -> ()
    %dma_wait3A = arith.constant 0 : i32
    %dma_wait3A_10 = arith.constant 0 : i32
    %dma_wait3A_11 = tpu.memref_slice %arg4[%dma_wait3A, %dma_wait3A_10] : memref<100000x128xf32, #tpu.memory_space<hbm>> -> memref<100000x128xf32, #tpu.memory_space<hbm>>
    tpu.wait_indirect_dma semaphore(%arg13 : memref<!tpu.dma_semaphore, #tpu.memory_space<semaphore_mem>>) src(%dma_wait3A_11 : memref<100000x128xf32, #tpu.memory_space<hbm>>) dst(%arg9 : memref<128x128xf32, #tpu.memory_space<vmem>>)
    "tpu.region"() ({
      %run_scoped3A = tpu.sem_alloc : memref<!tpu.dma_semaphore, #tpu.memory_space<semaphore_mem>>
      %dma_start3A_12 = arith.constant 0 : i32
      %dma_start3A_13 = tpu.memref_slice %arg6[%mul3A_2, %dma_start3A_12] : memref<4096x128xf32, #tpu.memory_space<hbm>> -> memref<128x128xf32, #tpu.memory_space<hbm>>
      %dma_start3A_14 = arith.constant 0 : i32
      %dma_start3A_15 = tpu.memref_slice %arg6[%mul3A_2, %dma_start3A_14] : memref<4096x128xf32, #tpu.memory_space<hbm>> -> memref<128x128xf32, #tpu.memory_space<hbm>>
      tpu.enqueue_dma source(%arg9 : memref<128x128xf32, #tpu.memory_space<vmem>>) target(%dma_start3A_15 : memref<128x128xf32, #tpu.memory_space<hbm>>) target_semaphore(%run_scoped3A : memref<!tpu.dma_semaphore, #tpu.memory_space<semaphore_mem>>)
      %dma_wait3A_16 = arith.constant 0 : i32
      %dma_wait3A_17 = tpu.memref_slice %arg6[%mul3A_2, %dma_wait3A_16] : memref<4096x128xf32, #tpu.memory_space<hbm>> -> memref<128x128xf32, #tpu.memory_space<hbm>>
      %dma_wait3A_18 = arith.constant 0 : i32
      %dma_wait3A_19 = tpu.memref_slice %arg6[%mul3A_2, %dma_wait3A_18] : memref<4096x128xf32, #tpu.memory_space<hbm>> -> memref<128x128xf32, #tpu.memory_space<hbm>>
      tpu.wait_dma2 semaphore(%run_scoped3A : memref<!tpu.dma_semaphore, #tpu.memory_space<semaphore_mem>>) src(%arg9 : memref<128x128xf32, #tpu.memory_space<vmem>>) dst(%dma_wait3A_19 : memref<128x128xf32, #tpu.memory_space<hbm>>)
      tpu.yield
    }) : () -> ()
    return
  }
}

</mosaic_0001>

<sc_bundles>
// kernel: kernel.3.cloned.1.call-start
scs
__scs_entry_jumppad:
0x0: {  	(pc) =	sbr.rel $0x88, $3  }
0x1: {  	(tag) =	ssettag $0x0;
	lr =	simm.s32 $0x1  }
0x2: {  	[smem:$0x3F9D] =	sst lr;
	_ =	strace $0xD0000000  }
0x3: {  	_ = 	snop  }
0x4: {  	_ = 	snop  }
0x5: {  	_ = 	snop  }
0x6: {  	_ = 	snop  }
0x7: {  	_ = 	snop  }
__scs_overlays_trampoline_lowered:
0x8: {  	[smem:$0x3FAC] =	sst s0  }
0x9: {  	[smem:$0x3FAD] =	sst s1  }
0xa: {  	[smem:$0x3FAE] =	sst s2  }
0xb: {  	[smem:$0x3FAF] =	sst s3  }
0xc: {  	[smem:$0x3FB0] =	sst s4  }
0xd: {  	[smem:$0x3FB1] =	sst s5  }
0xe: {  	[smem:$0x3FB2] =	sst s6  }
0xf: {  	[smem:$0x3FB3] =	sst s7  }
0x10: {  	[smem:$0x3FB4] =	sst s8  }
0x11: {  	[smem:$0x3FB5] =	sst s9;
	s0 =	simm.s32 @!p0 $0x0  }
0x12: {  	s1 =	sld [smem:$0x3F9B];
	s0 =	simm.s32 @p0 $0x1  }
0x13: {  	[smem:$0x3FB6] =	sst s0;
	s0 =	simm.s32 @!p1 $0x0  }
0x14: {  	s2 =	sld [smem:$0x3F9A];
	s0 =	simm.s32 @p1 $0x1  }
0x15: {  	[smem:$0x3FB7] =	sst s0;
	s0 =	simm.s32 @!p2 $0x0  }
0x16: {  	s3 =	sld [smem:$0x3FDB];
	s0 =	simm.s32 @p2 $0x1  }
0x17: {  	s4 =	simm.s32 $0x1BF5;
	[smem:$0x3FB9] =	sst s0  }
0x18: {  	s0 =	sld [smem:$0x3F9C];
	_ =	swait.ge [sflag:s4], $0x0  }
0x19: {  	s7 =	sld [smem:$0x3F9D]  }
0x1a: {  	s8 =	sadd.s32 $0xFFFFE003, lr  }
0x1b: {  	s9 =	sadd.s32 $0xFFFFFEF7, lr;
	s5 =	simm.s32 $0xFFFFFFFF;
	p2 =	slt.u32 s8, $0xFFFFF086  }
0x1c: {  	p1 =	slt.u32 s9, $0xF7A;
	s5 =	simm.s32 @!p2 $0x0  }
0x1d: {  	s5 =	simm.s32 @p1 $0x1;
	p0 =	seq.s32 s7, s2  }
0x1e: {  	s7 =	smul.u32 @!p0 $0xF7A, s2;
	p2 =	seq.s32 @!p0 s5, $0x0  }
0x1f: {  	s9 =	smul.u32 $0xF7A, s1;
	s8 =	simm.s32 @!p0 $0x1BF5;
	p2 =	por !p2, p0  }
0x20: {  	[sflag:s8] =	ssyncset.s32 @!p0 $0xFFFFF086;
	s6 =	sadd.s32 @!p0 s3, s7;
	s7 =	simm.s32 @!p0 $0x108  }
0x21: {  	s3 =	sadd.s32 s3, s9;
	s6 =	sadd.s32 @!p0 $0x88, s6;
	s7 =	simm.s32 @p2 $0x1082  }
0x22: {  	[simem:s7], [sflag:s8] =	dma.local @!p0 [hbm:s6], $0xF7A  }
0x23: {  	s9 =	sor.u32 $0xD0000000, s2;
	s6 =	simm.s32 $0x108;
	_ =	swait.ge @!p0 [sflag:s8], $0x0  }
0x24: {  	s3 =	sadd.s32 $0x88, s3;
	s6 =	simm.s32 @!p1 $0x1082;
	[sflag:s4] =	ssyncset.s32 $0xFFFFF086  }
0x25: {  	[simem:s6], [sflag:s4] =	dma.local [hbm:s3], $0xF7A  }
0x26: {  	[smem:$0x3F9D] =	sst s1;
	(tag) =	ssettag s2;
	_ =	strace s9  }
0x27: {  	s1 =	sld [smem:$0x3FAD]  }
0x28: {  	s2 =	sld [smem:$0x3FAE]  }
0x29: {  	s4 =	sld [smem:$0x3FB0]  }
0x2a: {  	p0 =	seq.s32 s5, $0x0;
	s5 =	sld [smem:$0x3FB1]  }
0x2b: {  	s6 =	sld [smem:$0x3FB2]  }
0x2c: {  	s7 =	sld [smem:$0x3FB3]  }
0x2d: {  	s3 =	simm.s32 $0x108;
	s8 =	sld [smem:$0x3FB4]  }
0x2e: {  	s3 =	simm.s32 @!p0 $0x1082;
	s9 =	sld [smem:$0x3FB5]  }
0x2f: {  	lr =	sadd.s32 s0, s3;
	s0 =	sld [smem:$0x3FAC]  }
0x30: {  	s3 =	sld [smem:$0x3FAF]  }
0x31: {  	[smem:$0x3FB8] =	sst s10  }
0x32: {  	s10 =	sld [smem:$0x3FB6];
	_ =	sdelay $0x3  }
0x33: {  	p0 =	seq.s32 s10, $0x1;
	s10 =	sld [smem:$0x3FB8];
	_ =	sdelay $0x3  }
0x34: {  	[smem:$0x3FB8] =	sst s10  }
0x35: {  	s10 =	sld [smem:$0x3FB7];
	_ =	sdelay $0x3  }
0x36: {  	p1 =	seq.s32 s10, $0x1;
	s10 =	sld [smem:$0x3FB8];
	_ =	sdelay $0x3  }
0x37: {  	[smem:$0x3FB8] =	sst s10  }
0x38: {  	s10 =	sld [smem:$0x3FB9]  }
0x39: {  	_ = 	snop;
	(pc) =	sbr.ind lr, $3  }
0x3a: {  	_ = 	snop  }
0x3b: {  	_ = 	snop  }
0x3c: {  	p2 =	seq.s32 s10, $0x1;
	s10 =	sld [smem:$0x3FB8]  }
0x3d: {  	_ =	shalt  }
0x3e: {  	_ =	shalt  }
0x3f: {  	_ =	shalt  }
0x40: {  	_ =	shalt  }
0x41: {  	_ =	shalt  }
0x42: {  	_ =	shalt  }
0x43: {  	_ =	shalt  }
0x44: {  	_ =	shalt  }
0x45: {  	_ =	shalt  }
0x46: {  	_ =	shalt  }
0x47: {  	_ =	shalt  }
0x48: {  	_ =	shalt  }
0x49: {  	_ =	shalt  }
0x4a: {  	_ =	shalt  }
0x4b: {  	_ =	shalt  }
0x4c: {  	_ =	shalt  }
0x4d: {  	_ =	shalt  }
0x4e: {  	_ =	shalt  }
0x4f: {  	_ =	shalt  }
0x50: {  	_ =	shalt  }
0x51: {  	_ =	shalt  }
0x52: {  	_ =	shalt  }
0x53: {  	_ =	shalt  }
0x54: {  	_ =	shalt  }
0x55: {  	_ =	shalt  }
0x56: {  	_ =	shalt  }
0x57: {  	_ =	shalt  }
0x58: {  	_ =	shalt  }
0x59: {  	_ =	shalt  }
0x5a: {  	_ =	shalt  }
0x5b: {  	_ =	shalt  }
0x5c: {  	_ =	shalt  }
0x5d: {  	_ =	shalt  }
0x5e: {  	_ =	shalt  }
0x5f: {  	_ =	shalt  }
0x60: {  	_ =	shalt  }
0x61: {  	_ =	shalt  }
0x62: {  	_ =	shalt  }
0x63: {  	_ =	shalt  }
0x64: {  	_ =	shalt  }
0x65: {  	_ =	shalt  }
0x66: {  	_ =	shalt  }
0x67: {  	_ =	shalt  }
0x68: {  	_ =	shalt  }
0x69: {  	_ =	shalt  }
0x6a: {  	_ =	shalt  }
0x6b: {  	_ =	shalt  }
0x6c: {  	_ =	shalt  }
0x6d: {  	_ =	shalt  }
0x6e: {  	_ =	shalt  }
0x6f: {  	_ =	shalt  }
0x70: {  	_ =	shalt  }
0x71: {  	_ =	shalt  }
0x72: {  	_ =	shalt  }
0x73: {  	_ =	shalt  }
0x74: {  	_ =	shalt  }
0x75: {  	_ =	shalt  }
0x76: {  	_ =	shalt  }
0x77: {  	_ =	shalt  }
0x78: {  	_ =	shalt  }
0x79: {  	_ =	shalt  }
0x7a: {  	_ =	shalt  }
0x7b: {  	_ =	shalt  }
0x7c: {  	_ =	shalt  }
0x7d: {  	_ =	shalt  }
0x7e: {  	_ =	shalt  }
0x7f: {  	_ =	shalt  }
0x80: {  	_ =	shalt  }
0x81: {  	_ =	shalt  }
0x82: {  	_ =	shalt  }
0x83: {  	_ =	shalt  }
0x84: {  	_ =	shalt  }
0x85: {  	_ =	shalt  }
0x86: {  	_ =	shalt  }
0x87: {  	_ =	shalt  }
.Lfunc_end0:
.L_simem_size_0:
called_computation_lowered:
.L_overlay_start_0:
0x88: {  	s2 =	sld [smem:$0x3FD9]  }
0x89: {  	s3 =	sld [smem:$0x3FFE];
	_ =	sdelay $0x1  }
0x8a: {  	s1 =	srdreg.scid  }
0x8b: {  	s0 =	sand.u32 $0x1, s1  }
0x8c: {  	s15 =	sshll.u32 s0, $0xA;
	s2 =	sadd.s32 s3, s2  }
0x8d: {  	s2 =	sadd.s32 s2, s15  }
0x8e: {  	[smem:$0x3FC4] =	sst s2  }
0x8f: {  	_ = 	snop  }
0x90: {  	s2 =	sld [smem:$0x3FC9]  }
0x91: {  	s16 =	sld [smem:$0x3FD0]  }
0x92: {  	s4 =	sld [smem:$0x3FC8]  }
0x93: {  	s5 =	sld [smem:$0x3FC7]  }
0x94: {  	s7 =	simm.s32 $0xA;
	s8 =	simm.s32 $0x10;
	s6 =	sld [smem:$0x3FC6]  }
0x95: {  	[smem:s8], [sflag:s7] =	dma.local [hbm:s16], $0x1  }
0x96: {  	_ =	swait.eq [sflag:s7], $0x1  }
0x97: {  	[sflag:s7] =	ssyncset.done $0x0  }
0x98: {  	s17 =	sld [smem:$0x10];
	[sflag:s7] =	ssyncadd.s32 $0xFFFFFFFF  }
0x99: {  	s18 =	sld [smem:$0x11];
	(tm) =	ssettm $0x1  }
0x9a: {  	s19 =	sld [smem:$0x3FFB];
	_ =	sdelay $0x3  }
0x9b: {  	_ =	strace s19  }
0x9c: {  	s8 =	sld [smem:$0x3FFC];
	_ =	sdelay $0x3  }
0x9d: {  	_ =	strace s8  }
0x9e: {  	s8 =	sld [smem:$0x3FFD];
	_ =	sdelay $0x3  }
0x9f: {  	_ =	strace s8  }
0xa0: {  	_ =	strace $0x8FFFFFFF  }
0xa1: {  	s20 =	sld [smem:$0x3FDB];
	_ =	sdelay $0x1  }
0xa2: {  	s9 =	simm.s32 $_scs_section_size  }
0xa3: {  	s10 =	simm.s32 $_size__tile_overlayer_lowered;
	s11 =	simm.s32 $_tile_overlayer_lowered  }
0xa4: {  	s23 =	simm.s32 $0x1BFF;
	s22 =	sshll.u32 s11, $0x1;
	s8 =	sadd.s32 s9, s20  }
0xa5: {  	s12 =	simm.s32 $0x0;
	s21 =	sshll.u32 s10, $0x1;
	s10 =	sadd.s32 s22, s8  }
0xa6: {  	[timem:s12], [sflag:s23] =	dma.local [hbm:s10], s21  }
0xa7: {  	_ =	swait.ge [sflag:s23], s21  }
0xa8: {  	s9 =	ssub.s32 $0x0, s21;
	[sflag:s23] =	ssyncset.done $0x0  }
0xa9: {  	[sflag:s23] =	ssyncadd.s32 s9;
	_ =	sdelay $0x1  }
0xaa: {  	s24 =	simm.s32 $0x1B8B  }
0xab: {  	_ =	swait.ge [sflag:s24], $0x1  }
0xac: {  	[sflag:s24] =	ssyncset.done $0x0  }
0xad: {  	s25 =	simm.s32 $0x1B8E;
	[sflag:s24] =	ssyncadd.s32 $0xFFFFFFFF  }
0xae: {  	s26 =	simm.s32 $execute0_lowered;
	[smem:$0x3FD2] =	sst s25  }
0xaf: {  	s9 =	sshll.u32 s26, $0x1;
	_ =	strace $0x80000046;
	[dreg:$0x1] =	wrdreg $0xFFFFFFFF  }
0xb0: {  	s28 =	simm.s32 $_size_execute0_lowered;
	s8 =	sadd.s32 s8, s9;
	[dreg:$0x0] =	wrdreg $0x0  }
0xb1: {  	s9 =	sshll.u32 s28, $0x1;
	[dreg:$0x2] =	wrdreg s8  }
0xb2: {  	[dreg:$0x3] =	wrdreg s9  }
0xb3: {  	[dreg:$0x4] =	wrdreg $0xC0  }
0xb4: {  	_ =	task [dreg:s12], $0x5FFFF  }
0xb5: {  	[dreg:$0x1] =	wrdreg $0xFFFFFFFF  }
0xb6: {  	[dreg:$0x0] =	wrdreg $0x60  }
0xb7: {  	[dreg:$0x2] =	wrdreg s2  }
0xb8: {  	[dreg:$0x3] =	wrdreg s4  }
0xb9: {  	[dreg:$0x4] =	wrdreg s5  }
0xba: {  	[dreg:$0x5] =	wrdreg s6  }
0xbb: {  	[dreg:$0x6] =	wrdreg s17  }
0xbc: {  	[dreg:$0x7] =	wrdreg s18  }
0xbd: {  	[dreg:$0x8] =	wrdreg $0x9  }
0xbe: {  	_ =	task.clear_ibuf [dreg:s12], $0x9FFFF;
	_ =	strace $0x90000046  }
0xbf: {  	s29 =	simm.s32 $0x9;
	_ =	strace $0x80000048  }
0xc0: {  	_ =	swait.ge [sflag:s29], $0x1  }
0xc1: {  	[sflag:s29] =	ssyncadd.s32 $0xFFFFFFFF  }
0xc2: {  	_ =	strace $0x90000048  }
0xc3: {  	_ =	sfence  }
0xc4: {  	s30 =	sld [smem:$0x0];
	_ =	sdelay $0x2  }
0xc5: {  	s31 =	sshll.u32 s1, $0xD;
	s1 =	sshrl.u32 s1, $0x2  }
0xc6: {  	s3 =	sand.u32 $0x4000, s31;
	s1 =	sadd.s32 s1, s30  }
0xc7: {  	s0 =	sor.u32 s3, s0;
	s1 =	sshll.u32 s1, $0x11  }
0xc8: {  	s0 =	sor.u32 s1, s0  }
0xc9: {  	s0 =	sadd.s32 $0x8F2B, s0  }
0xca: {  	[sflag:s0] =	ssyncadd.remote.s32 $0x1  }
0xcb: {  	_ =	sfence.sel $0xFFFF  }
0xcc: {  	[dreg:$0x0] =	wrdreg $0xFFFFFFFF;
	(pc) =	sbr.abs _section_cstart, $3  }
0xcd: {  	[dreg:$0x1] =	wrdreg $0xFFFFFFFF  }
0xce: {  	_ =	task.clear_ibuf [dreg:s12], $0x2FFFF;
	_ =	strace $0x9FFFFFFF  }
0xcf: {  	(tm) =	ssettm $0x7FFFFFFF  }
tec
execute0_lowered:
.L_overlay_start_1:
0x0: {  	(tag) =	ssettag $0x1  }
0x1: {  	v0 =	vimm.s32 $0x2380  }
0x2: {  	vm14 =	vcmask $0x300;
	vm13 =	vcmask $0x704;
	vm12 =	vcmask $0xB08  }
0x3: {  	v1 =	vimm.s32 $0x6380;
	vm11 =	vcmask $0xF0C;
	vm10 =	vcmask $0x1310  }
0x4: {  	vm9 =	vcmask $0x1714;
	vm8 =	vcmask $0x1B18;
	vm7 =	vcmask $0x1F1C  }
0x5: {  	vm6 =	vcmask $0x2320;
	vm5 =	vcmask $0x2724;
	vm4 =	vcmask $0x2B28  }
0x6: {  	vm3 =	vcmask $0x2F2C;
	vm2 =	vcmask $0x3330;
	vm1 =	vcmask $0x3734  }
0x7: {  	vm0 =	vcmask $0x3B38;
	v4 =	vimm.s32 $0xA380;
	v5 =	vimm.s32 $0xE380  }
0x8: {  	v6 =	vimm.s32 $0x2780;
	v9 =	vimm.s32 $0x6780;
	v10 =	vimm.s32 $0xA780  }
0x9: {  	v11 =	vimm.s32 $0xE780;
	v12 =	vimm.s32 $0x2B80;
	v13 =	vimm.s32 $0x6B80  }
0xa: {  	v14 =	vimm.s32 $0xAB80;
	v15 =	vimm.s32 $0xEB80;
	v16 =	vimm.s32 $0x2F80  }
0xb: {  	v17 =	vimm.s32 $0x6F80;
	v18 =	vimm.s32 $0xAF80;
	v19 =	vimm.s32 $0xEF80  }
0xc: {  	v20 =	vimm.s32 $0x3380;
	v21 =	vimm.s32 $0x7380;
	v22 =	vimm.s32 $0xB380  }
0xd: {  	v23 =	vimm.s32 $0xF380;
	v24 =	vimm.s32 $0x3780;
	v25 =	vimm.s32 $0x7780  }
0xe: {  	v26 =	vimm.s32 $0xB780;
	v27 =	vimm.s32 $0xF780;
	v28 =	vimm.s32 $0x3B80  }
0xf: {  	v29 =	vimm.s32 $0x7B80;
	v30 =	vimm.s32 $0xBB80;
	v31 =	vimm.s32 $0xFB80  }
0x10: {  	v32 =	vimm.s32 $0x3F80;
	v33 =	vimm.s32 $0x7F80;
	v34 =	vimm.s32 $0xBF80  }
0x11: {  	v35 =	vimm.s32 $0xFF80;
	v0 =	vsel vm14, $0x0, v0;
	v1 =	vsel vm14, $0x4000, v1  }
0x12: {  	v4 =	vsel vm14, $0x8000, v4;
	v5 =	vsel vm14, $0xC000, v5;
	v6 =	vsel vm14, $0x400, v6  }
0x13: {  	v9 =	vsel vm14, $0x4400, v9;
	v10 =	vsel vm14, $0x8400, v10;
	v11 =	vsel vm14, $0xC400, v11  }
0x14: {  	v12 =	vsel vm14, $0x800, v12;
	v13 =	vsel vm14, $0x4800, v13;
	v14 =	vsel vm14, $0x8800, v14  }
0x15: {  	v15 =	vsel vm14, $0xC800, v15;
	v16 =	vsel vm14, $0xC00, v16;
	v17 =	vsel vm14, $0x4C00, v17  }
0x16: {  	v18 =	vsel vm14, $0x8C00, v18;
	v19 =	vsel vm14, $0xCC00, v19;
	v20 =	vsel vm14, $0x1000, v20  }
0x17: {  	v21 =	vsel vm14, $0x5000, v21;
	v22 =	vsel vm14, $0x9000, v22;
	v23 =	vsel vm14, $0xD000, v23  }
0x18: {  	v24 =	vsel vm14, $0x1400, v24;
	v25 =	vsel vm14, $0x5400, v25;
	v26 =	vsel vm14, $0x9400, v26  }
0x19: {  	v27 =	vsel vm14, $0xD400, v27;
	v28 =	vsel vm14, $0x1800, v28;
	v29 =	vsel vm14, $0x5800, v29  }
0x1a: {  	v30 =	vsel vm14, $0x9800, v30;
	v31 =	vsel vm14, $0xD800, v31;
	v32 =	vsel vm14, $0x1C00, v32  }
0x1b: {  	v33 =	vsel vm14, $0x5C00, v33;
	v34 =	vsel vm14, $0x9C00, v34;
	v35 =	vsel vm14, $0xDC00, v35  }
0x1c: {  	v0 =	vsel vm13, $0x80, v0;
	v1 =	vsel vm13, $0x4080, v1;
	v4 =	vsel vm13, $0x8080, v4  }
0x1d: {  	v5 =	vsel vm13, $0xC080, v5;
	v6 =	vsel vm13, $0x480, v6;
	v9 =	vsel vm13, $0x4480, v9  }
0x1e: {  	v10 =	vsel vm13, $0x8480, v10;
	v11 =	vsel vm13, $0xC480, v11;
	v12 =	vsel vm13, $0x880, v12  }
0x1f: {  	v13 =	vsel vm13, $0x4880, v13;
	v14 =	vsel vm13, $0x8880, v14;
	v15 =	vsel vm13, $0xC880, v15  }
0x20: {  	v16 =	vsel vm13, $0xC80, v16;
	v17 =	vsel vm13, $0x4C80, v17;
	v18 =	vsel vm13, $0x8C80, v18  }
0x21: {  	v19 =	vsel vm13, $0xCC80, v19;
	v20 =	vsel vm13, $0x1080, v20;
	v21 =	vsel vm13, $0x5080, v21  }
0x22: {  	v22 =	vsel vm13, $0x9080, v22;
	v23 =	vsel vm13, $0xD080, v23;
	v24 =	vsel vm13, $0x1480, v24  }
0x23: {  	v25 =	vsel vm13, $0x5480, v25;
	v26 =	vsel vm13, $0x9480, v26;
	v27 =	vsel vm13, $0xD480, v27  }
0x24: {  	v28 =	vsel vm13, $0x1880, v28;
	v29 =	vsel vm13, $0x5880, v29;
	v30 =	vsel vm13, $0x9880, v30  }
0x25: {  	v31 =	vsel vm13, $0xD880, v31;
	v32 =	vsel vm13, $0x1C80, v32;
	v33 =	vsel vm13, $0x5C80, v33  }
0x26: {  	v34 =	vsel vm13, $0x9C80, v34;
	v35 =	vsel vm13, $0xDC80, v35;
	v0 =	vsel vm12, $0x100, v0  }
0x27: {  	v1 =	vsel vm12, $0x4100, v1;
	v4 =	vsel vm12, $0x8100, v4;
	v5 =	vsel vm12, $0xC100, v5  }
0x28: {  	v6 =	vsel vm12, $0x500, v6;
	v9 =	vsel vm12, $0x4500, v9;
	v10 =	vsel vm12, $0x8500, v10  }
0x29: {  	v11 =	vsel vm12, $0xC500, v11;
	v12 =	vsel vm12, $0x900, v12;
	v13 =	vsel vm12, $0x4900, v13  }
0x2a: {  	v14 =	vsel vm12, $0x8900, v14;
	v15 =	vsel vm12, $0xC900, v15;
	v16 =	vsel vm12, $0xD00, v16  }
0x2b: {  	v17 =	vsel vm12, $0x4D00, v17;
	v18 =	vsel vm12, $0x8D00, v18;
	v19 =	vsel vm12, $0xCD00, v19  }
0x2c: {  	v20 =	vsel vm12, $0x1100, v20;
	v21 =	vsel vm12, $0x5100, v21;
	v22 =	vsel vm12, $0x9100, v22  }
0x2d: {  	v23 =	vsel vm12, $0xD100, v23;
	v24 =	vsel vm12, $0x1500, v24;
	v25 =	vsel vm12, $0x5500, v25  }
0x2e: {  	v26 =	vsel vm12, $0x9500, v26;
	v27 =	vsel vm12, $0xD500, v27;
	v28 =	vsel vm12, $0x1900, v28  }
0x2f: {  	v29 =	vsel vm12, $0x5900, v29;
	v30 =	vsel vm12, $0x9900, v30;
	v31 =	vsel vm12, $0xD900, v31  }
0x30: {  	v32 =	vsel vm12, $0x1D00, v32;
	v33 =	vsel vm12, $0x5D00, v33;
	v34 =	vsel vm12, $0x9D00, v34  }
0x31: {  	v35 =	vsel vm12, $0xDD00, v35;
	v0 =	vsel vm11, $0x180, v0;
	v1 =	vsel vm11, $0x4180, v1  }
0x32: {  	v4 =	vsel vm11, $0x8180, v4;
	v5 =	vsel vm11, $0xC180, v5;
	v6 =	vsel vm11, $0x580, v6  }
0x33: {  	v9 =	vsel vm11, $0x4580, v9;
	v10 =	vsel vm11, $0x8580, v10;
	v11 =	vsel vm11, $0xC580, v11  }
0x34: {  	v12 =	vsel vm11, $0x980, v12;
	v13 =	vsel vm11, $0x4980, v13;
	v14 =	vsel vm11, $0x8980, v14  }
0x35: {  	v15 =	vsel vm11, $0xC980, v15;
	v16 =	vsel vm11, $0xD80, v16;
	v17 =	vsel vm11, $0x4D80, v17  }
0x36: {  	v18 =	vsel vm11, $0x8D80, v18;
	v19 =	vsel vm11, $0xCD80, v19;
	v20 =	vsel vm11, $0x1180, v20  }
0x37: {  	v21 =	vsel vm11, $0x5180, v21;
	v22 =	vsel vm11, $0x9180, v22;
	v23 =	vsel vm11, $0xD180, v23  }
0x38: {  	v24 =	vsel vm11, $0x1580, v24;
	v25 =	vsel vm11, $0x5580, v25;
	v26 =	vsel vm11, $0x9580, v26  }
0x39: {  	v27 =	vsel vm11, $0xD580, v27;
	v28 =	vsel vm11, $0x1980, v28;
	v29 =	vsel vm11, $0x5980, v29  }
0x3a: {  	v30 =	vsel vm11, $0x9980, v30;
	v31 =	vsel vm11, $0xD980, v31;
	v32 =	vsel vm11, $0x1D80, v32  }
0x3b: {  	v33 =	vsel vm11, $0x5D80, v33;
	v34 =	vsel vm11, $0x9D80, v34;
	v35 =	vsel vm11, $0xDD80, v35  }
0x3c: {  	v0 =	vsel vm10, $0x200, v0;
	v1 =	vsel vm10, $0x4200, v1;
	v4 =	vsel vm10, $0x8200, v4  }
0x3d: {  	v5 =	vsel vm10, $0xC200, v5;
	v6 =	vsel vm10, $0x600, v6;
	v9 =	vsel vm10, $0x4600, v9  }
0x3e: {  	v10 =	vsel vm10, $0x8600, v10;
	v11 =	vsel vm10, $0xC600, v11;
	v12 =	vsel vm10, $0xA00, v12  }
0x3f: {  	v13 =	vsel vm10, $0x4A00, v13;
	v14 =	vsel vm10, $0x8A00, v14;
	v15 =	vsel vm10, $0xCA00, v15  }
0x40: {  	v16 =	vsel vm10, $0xE00, v16;
	v17 =	vsel vm10, $0x4E00, v17;
	v18 =	vsel vm10, $0x8E00, v18  }
0x41: {  	v19 =	vsel vm10, $0xCE00, v19;
	v20 =	vsel vm10, $0x1200, v20;
	v21 =	vsel vm10, $0x5200, v21  }
0x42: {  	v22 =	vsel vm10, $0x9200, v22;
	v23 =	vsel vm10, $0xD200, v23;
	v24 =	vsel vm10, $0x1600, v24  }
0x43: {  	v25 =	vsel vm10, $0x5600, v25;
	v26 =	vsel vm10, $0x9600, v26;
	v27 =	vsel vm10, $0xD600, v27  }
0x44: {  	v28 =	vsel vm10, $0x1A00, v28;
	v29 =	vsel vm10, $0x5A00, v29;
	v30 =	vsel vm10, $0x9A00, v30  }
0x45: {  	v31 =	vsel vm10, $0xDA00, v31;
	v32 =	vsel vm10, $0x1E00, v32;
	v33 =	vsel vm10, $0x5E00, v33  }
0x46: {  	v34 =	vsel vm10, $0x9E00, v34;
	v35 =	vsel vm10, $0xDE00, v35;
	v0 =	vsel vm9, $0x280, v0  }
0x47: {  	v1 =	vsel vm9, $0x4280, v1;
	v4 =	vsel vm9, $0x8280, v4;
	v5 =	vsel vm9, $0xC280, v5  }
0x48: {  	v6 =	vsel vm9, $0x680, v6;
	v9 =	vsel vm9, $0x4680, v9;
	v10 =	vsel vm9, $0x8680, v10  }
0x49: {  	v11 =	vsel vm9, $0xC680, v11;
	v12 =	vsel vm9, $0xA80, v12;
	v13 =	vsel vm9, $0x4A80, v13  }
0x4a: {  	v14 =	vsel vm9, $0x8A80, v14;
	v15 =	vsel vm9, $0xCA80, v15;
	v16 =	vsel vm9, $0xE80, v16  }
0x4b: {  	v17 =	vsel vm9, $0x4E80, v17;
	v18 =	vsel vm9, $0x8E80, v18;
	v19 =	vsel vm9, $0xCE80, v19  }
0x4c: {  	v20 =	vsel vm9, $0x1280, v20;
	v21 =	vsel vm9, $0x5280, v21;
	v22 =	vsel vm9, $0x9280, v22  }
0x4d: {  	v23 =	vsel vm9, $0xD280, v23;
	v24 =	vsel vm9, $0x1680, v24;
	v25 =	vsel vm9, $0x5680, v25  }
0x4e: {  	v26 =	vsel vm9, $0x9680, v26;
	v27 =	vsel vm9, $0xD680, v27;
	v28 =	vsel vm9, $0x1A80, v28  }
0x4f: {  	v29 =	vsel vm9, $0x5A80, v29;
	v30 =	vsel vm9, $0x9A80, v30;
	v31 =	vsel vm9, $0xDA80, v31  }
0x50: {  	v32 =	vsel vm9, $0x1E80, v32;
	v33 =	vsel vm9, $0x5E80, v33;
	v34 =	vsel vm9, $0x9E80, v34  }
0x51: {  	v35 =	vsel vm9, $0xDE80, v35;
	v0 =	vsel vm8, $0x300, v0;
	v1 =	vsel vm8, $0x4300, v1  }
0x52: {  	v4 =	vsel vm8, $0x8300, v4;
	v5 =	vsel vm8, $0xC300, v5;
	v6 =	vsel vm8, $0x700, v6  }
0x53: {  	v9 =	vsel vm8, $0x4700, v9;
	v10 =	vsel vm8, $0x8700, v10;
	v11 =	vsel vm8, $0xC700, v11  }
0x54: {  	v12 =	vsel vm8, $0xB00, v12;
	v13 =	vsel vm8, $0x4B00, v13;
	v14 =	vsel vm8, $0x8B00, v14  }
0x55: {  	v15 =	vsel vm8, $0xCB00, v15;
	v16 =	vsel vm8, $0xF00, v16;
	v17 =	vsel vm8, $0x4F00, v17  }
0x56: {  	v18 =	vsel vm8, $0x8F00, v18;
	v19 =	vsel vm8, $0xCF00, v19;
	v20 =	vsel vm8, $0x1300, v20  }
0x57: {  	v21 =	vsel vm8, $0x5300, v21;
	v22 =	vsel vm8, $0x9300, v22;
	v23 =	vsel vm8, $0xD300, v23  }
0x58: {  	v24 =	vsel vm8, $0x1700, v24;
	v25 =	vsel vm8, $0x5700, v25;
	v26 =	vsel vm8, $0x9700, v26  }
0x59: {  	v27 =	vsel vm8, $0xD700, v27;
	v28 =	vsel vm8, $0x1B00, v28;
	v29 =	vsel vm8, $0x5B00, v29  }
0x5a: {  	v30 =	vsel vm8, $0x9B00, v30;
	v31 =	vsel vm8, $0xDB00, v31;
	v32 =	vsel vm8, $0x1F00, v32  }
0x5b: {  	v33 =	vsel vm8, $0x5F00, v33;
	v34 =	vsel vm8, $0x9F00, v34;
	v35 =	vsel vm8, $0xDF00, v35  }
0x5c: {  	v0 =	vsel vm7, $0x380, v0;
	v1 =	vsel vm7, $0x4380, v1;
	v4 =	vsel vm7, $0x8380, v4  }
0x5d: {  	v5 =	vsel vm7, $0xC380, v5;
	v6 =	vsel vm7, $0x780, v6;
	v9 =	vsel vm7, $0x4780, v9  }
0x5e: {  	v10 =	vsel vm7, $0x8780, v10;
	v11 =	vsel vm7, $0xC780, v11;
	v12 =	vsel vm7, $0xB80, v12  }
0x5f: {  	v13 =	vsel vm7, $0x4B80, v13;
	v14 =	vsel vm7, $0x8B80, v14;
	v15 =	vsel vm7, $0xCB80, v15  }
0x60: {  	v16 =	vsel vm7, $0xF80, v16;
	v17 =	vsel vm7, $0x4F80, v17;
	v18 =	vsel vm7, $0x8F80, v18  }
0x61: {  	v19 =	vsel vm7, $0xCF80, v19;
	v20 =	vsel vm7, $0x1380, v20;
	v21 =	vsel vm7, $0x5380, v21  }
0x62: {  	v22 =	vsel vm7, $0x9380, v22;
	v23 =	vsel vm7, $0xD380, v23;
	v24 =	vsel vm7, $0x1780, v24  }
0x63: {  	v25 =	vsel vm7, $0x5780, v25;
	v26 =	vsel vm7, $0x9780, v26;
	v27 =	vsel vm7, $0xD780, v27  }
0x64: {  	v28 =	vsel vm7, $0x1B80, v28;
	v29 =	vsel vm7, $0x5B80, v29;
	v30 =	vsel vm7, $0x9B80, v30  }
0x65: {  	v31 =	vsel vm7, $0xDB80, v31;
	v32 =	vsel vm7, $0x1F80, v32;
	v33 =	vsel vm7, $0x5F80, v33  }
0x66: {  	v34 =	vsel vm7, $0x9F80, v34;
	v35 =	vsel vm7, $0xDF80, v35;
	v0 =	vsel vm6, $0x2000, v0  }
0x67: {  	v1 =	vsel vm6, $0x6000, v1;
	v4 =	vsel vm6, $0xA000, v4;
	v5 =	vsel vm6, $0xE000, v5  }
0x68: {  	v6 =	vsel vm6, $0x2400, v6;
	v9 =	vsel vm6, $0x6400, v9;
	v10 =	vsel vm6, $0xA400, v10  }
0x69: {  	v11 =	vsel vm6, $0xE400, v11;
	v12 =	vsel vm6, $0x2800, v12;
	v13 =	vsel vm6, $0x6800, v13  }
0x6a: {  	v14 =	vsel vm6, $0xA800, v14;
	v15 =	vsel vm6, $0xE800, v15;
	v16 =	vsel vm6, $0x2C00, v16  }
0x6b: {  	v17 =	vsel vm6, $0x6C00, v17;
	v18 =	vsel vm6, $0xAC00, v18;
	v19 =	vsel vm6, $0xEC00, v19  }
0x6c: {  	v20 =	vsel vm6, $0x3000, v20;
	v21 =	vsel vm6, $0x7000, v21;
	v22 =	vsel vm6, $0xB000, v22  }
0x6d: {  	v23 =	vsel vm6, $0xF000, v23;
	v24 =	vsel vm6, $0x3400, v24;
	v25 =	vsel vm6, $0x7400, v25  }
0x6e: {  	v26 =	vsel vm6, $0xB400, v26;
	v27 =	vsel vm6, $0xF400, v27;
	v28 =	vsel vm6, $0x3800, v28  }
0x6f: {  	v29 =	vsel vm6, $0x7800, v29;
	v30 =	vsel vm6, $0xB800, v30;
	v31 =	vsel vm6, $0xF800, v31  }
0x70: {  	v32 =	vsel vm6, $0x3C00, v32;
	v33 =	vsel vm6, $0x7C00, v33;
	v34 =	vsel vm6, $0xBC00, v34  }
0x71: {  	v35 =	vsel vm6, $0xFC00, v35;
	v0 =	vsel vm5, $0x2080, v0;
	v1 =	vsel vm5, $0x6080, v1  }
0x72: {  	v4 =	vsel vm5, $0xA080, v4;
	v5 =	vsel vm5, $0xE080, v5;
	v6 =	vsel vm5, $0x2480, v6  }
0x73: {  	v9 =	vsel vm5, $0x6480, v9;
	v10 =	vsel vm5, $0xA480, v10;
	v11 =	vsel vm5, $0xE480, v11  }
0x74: {  	v12 =	vsel vm5, $0x2880, v12;
	v13 =	vsel vm5, $0x6880, v13;
	v14 =	vsel vm5, $0xA880, v14  }
0x75: {  	v15 =	vsel vm5, $0xE880, v15;
	v16 =	vsel vm5, $0x2C80, v16;
	v17 =	vsel vm5, $0x6C80, v17  }
0x76: {  	v18 =	vsel vm5, $0xAC80, v18;
	v19 =	vsel vm5, $0xEC80, v19;
	v20 =	vsel vm5, $0x3080, v20  }
0x77: {  	v21 =	vsel vm5, $0x7080, v21;
	v22 =	vsel vm5, $0xB080, v22;
	v23 =	vsel vm5, $0xF080, v23  }
0x78: {  	v24 =	vsel vm5, $0x3480, v24;
	v25 =	vsel vm5, $0x7480, v25;
	v26 =	vsel vm5, $0xB480, v26  }
0x79: {  	v27 =	vsel vm5, $0xF480, v27;
	v28 =	vsel vm5, $0x3880, v28;
	v29 =	vsel vm5, $0x7880, v29  }
0x7a: {  	v30 =	vsel vm5, $0xB880, v30;
	v31 =	vsel vm5, $0xF880, v31;
	v32 =	vsel vm5, $0x3C80, v32  }
0x7b: {  	v33 =	vsel vm5, $0x7C80, v33;
	v34 =	vsel vm5, $0xBC80, v34;
	v35 =	vsel vm5, $0xFC80, v35  }
0x7c: {  	v0 =	vsel vm4, $0x2100, v0;
	v1 =	vsel vm4, $0x6100, v1;
	v4 =	vsel vm4, $0xA100, v4  }
0x7d: {  	v5 =	vsel vm4, $0xE100, v5;
	v6 =	vsel vm4, $0x2500, v6;
	v9 =	vsel vm4, $0x6500, v9  }
0x7e: {  	v10 =	vsel vm4, $0xA500, v10;
	v11 =	vsel vm4, $0xE500, v11;
	v12 =	vsel vm4, $0x2900, v12  }
0x7f: {  	v13 =	vsel vm4, $0x6900, v13;
	v14 =	vsel vm4, $0xA900, v14;
	v15 =	vsel vm4, $0xE900, v15  }
0x80: {  	v16 =	vsel vm4, $0x2D00, v16;
	v17 =	vsel vm4, $0x6D00, v17;
	v18 =	vsel vm4, $0xAD00, v18  }
0x81: {  	v19 =	vsel vm4, $0xED00, v19;
	v20 =	vsel vm4, $0x3100, v20;
	v21 =	vsel vm4, $0x7100, v21  }
0x82: {  	v22 =	vsel vm4, $0xB100, v22;
	v23 =	vsel vm4, $0xF100, v23;
	v24 =	vsel vm4, $0x3500, v24  }
0x83: {  	v25 =	vsel vm4, $0x7500, v25;
	v26 =	vsel vm4, $0xB500, v26;
	v27 =	vsel vm4, $0xF500, v27  }
0x84: {  	v28 =	vsel vm4, $0x3900, v28;
	v29 =	vsel vm4, $0x7900, v29;
	v30 =	vsel vm4, $0xB900, v30  }
0x85: {  	v31 =	vsel vm4, $0xF900, v31;
	v32 =	vsel vm4, $0x3D00, v32;
	v33 =	vsel vm4, $0x7D00, v33  }
0x86: {  	v34 =	vsel vm4, $0xBD00, v34;
	v35 =	vsel vm4, $0xFD00, v35;
	v0 =	vsel vm3, $0x2180, v0  }
0x87: {  	v1 =	vsel vm3, $0x6180, v1;
	v4 =	vsel vm3, $0xA180, v4;
	v5 =	vsel vm3, $0xE180, v5  }
0x88: {  	v6 =	vsel vm3, $0x2580, v6;
	v9 =	vsel vm3, $0x6580, v9;
	v10 =	vsel vm3, $0xA580, v10  }
0x89: {  	v11 =	vsel vm3, $0xE580, v11;
	v12 =	vsel vm3, $0x2980, v12;
	v13 =	vsel vm3, $0x6980, v13  }
0x8a: {  	v14 =	vsel vm3, $0xA980, v14;
	v15 =	vsel vm3, $0xE980, v15;
	v16 =	vsel vm3, $0x2D80, v16  }
0x8b: {  	v17 =	vsel vm3, $0x6D80, v17;
	v18 =	vsel vm3, $0xAD80, v18;
	v19 =	vsel vm3, $0xED80, v19  }
0x8c: {  	v20 =	vsel vm3, $0x3180, v20;
	v21 =	vsel vm3, $0x7180, v21;
	v22 =	vsel vm3, $0xB180, v22  }
0x8d: {  	v23 =	vsel vm3, $0xF180, v23;
	v24 =	vsel vm3, $0x3580, v24;
	v25 =	vsel vm3, $0x7580, v25  }
0x8e: {  	v26 =	vsel vm3, $0xB580, v26;
	v27 =	vsel vm3, $0xF580, v27;
	v28 =	vsel vm3, $0x3980, v28  }
0x8f: {  	v29 =	vsel vm3, $0x7980, v29;
	v30 =	vsel vm3, $0xB980, v30;
	v31 =	vsel vm3, $0xF980, v31  }
0x90: {  	v32 =	vsel vm3, $0x3D80, v32;
	v33 =	vsel vm3, $0x7D80, v33;
	v34 =	vsel vm3, $0xBD80, v34  }
0x91: {  	v35 =	vsel vm3, $0xFD80, v35;
	v0 =	vsel vm2, $0x2200, v0;
	v3 =	vsel vm2, $0x6200, v1  }
0x92: {  	v4 =	vsel vm2, $0xA200, v4;
	v7 =	vsel vm2, $0xE200, v5;
	v6 =	vsel vm2, $0x2600, v6  }
0x93: {  	v9 =	vsel vm2, $0x6600, v9;
	v10 =	vsel vm2, $0xA600, v10;
	v11 =	vsel vm2, $0xE600, v11  }
0x94: {  	v12 =	vsel vm2, $0x2A00, v12;
	v13 =	vsel vm2, $0x6A00, v13;
	v14 =	vsel vm2, $0xAA00, v14  }
0x95: {  	v15 =	vsel vm2, $0xEA00, v15;
	v16 =	vsel vm2, $0x2E00, v16;
	v17 =	vsel vm2, $0x6E00, v17  }
0x96: {  	v18 =	vsel vm2, $0xAE00, v18;
	v19 =	vsel vm2, $0xEE00, v19;
	v20 =	vsel vm2, $0x3200, v20  }
0x97: {  	v21 =	vsel vm2, $0x7200, v21;
	v22 =	vsel vm2, $0xB200, v22;
	v23 =	vsel vm2, $0xF200, v23  }
0x98: {  	v24 =	vsel vm2, $0x3600, v24;
	v25 =	vsel vm2, $0x7600, v25;
	v26 =	vsel vm2, $0xB600, v26  }
0x99: {  	v27 =	vsel vm2, $0xF600, v27;
	v28 =	vsel vm2, $0x3A00, v28;
	v29 =	vsel vm2, $0x7A00, v29  }
0x9a: {  	v30 =	vsel vm2, $0xBA00, v30;
	v31 =	vsel vm2, $0xFA00, v31;
	v32 =	vsel vm2, $0x3E00, v32  }
0x9b: {  	v33 =	vsel vm2, $0x7E00, v33;
	v34 =	vsel vm2, $0xBE00, v34;
	v35 =	vsel vm2, $0xFE00, v35  }
0x9c: {  	v2 =	vsel vm1, $0x2280, v0;
	v0 =	vlaneseq.u32;
	v4 =	vsel vm1, $0xA280, v4  }
0x9d: {  	v7 =	vsel vm1, $0xE280, v7;
	v8 =	vsel vm1, $0x2680, v6;
	v9 =	vsel vm1, $0x6680, v9  }
0x9e: {  	v10 =	vsel vm1, $0xA680, v10;
	v11 =	vsel vm1, $0xE680, v11;
	v12 =	vsel vm1, $0x2A80, v12  }
0x9f: {  	s0 =	rddreg [dreg:$0x0];
	v13 =	vsel vm1, $0x6A80, v13;
	v14 =	vsel vm1, $0xAA80, v14;
	v15 =	vsel vm1, $0xEA80, v15  }
0xa0: {  	s2 =	rddreg [dreg:$0x1];
	v16 =	vsel vm1, $0x2E80, v16;
	v17 =	vsel vm1, $0x6E80, v17;
	v18 =	vsel vm1, $0xAE80, v18  }
0xa1: {  	s1 =	rddreg [dreg:$0x3];
	v19 =	vsel vm1, $0xEE80, v19;
	v20 =	vsel vm1, $0x3280, v20;
	v21 =	vsel vm1, $0x7280, v21  }
0xa2: {  	s3 =	rddreg [dreg:$0x4];
	v22 =	vsel vm1, $0xB280, v22;
	v23 =	vsel vm1, $0xF280, v23;
	v24 =	vsel vm1, $0x3680, v24  }
0xa3: {  	s5 =	rddreg [dreg:$0x5];
	s6 =	srdreg.scid;
	v25 =	vsel vm1, $0x7680, v25;
	v26 =	vsel vm1, $0xB680, v26;
	v27 =	vsel vm1, $0xF680, v27  }
0xa4: {  	s4 =	simm.s32 $0x0;
	s8 =	stileid.u32;
	s13 =	simm.s32 $0x4100;
	v28 =	vsel vm1, $0x3A80, v28;
	v29 =	vsel vm1, $0x7A80, v29;
	v30 =	vsel vm1, $0xBA80, v30  }
0xa5: {  	s14 =	simm.s32 $0x8100;
	s15 =	simm.s32 $0xC100;
	s16 =	simm.s32 $0x10100;
	v31 =	vsel vm1, $0xFA80, v31;
	v32 =	vsel vm1, $0x3E80, v32;
	v33 =	vsel vm1, $0x7E80, v33  }
0xa6: {  	s17 =	simm.s32 $0x4500;
	s18 =	simm.s32 $0x8500;
	s10 =	simm.s32 $0xA500;
	v34 =	vsel vm1, $0xBE80, v34;
	v35 =	vsel vm1, $0xFE80, v35;
	v0 =	vmul.u32 $0x80, v0  }
0xa7: {  	s19 =	simm.s32 $0xC500;
	s11 =	simm.s32 $0xE500;
	s20 =	simm.s32 $0x10500;
	v1 =	vsel vm0, $0x2300, v2;
	v2 =	vsel vm1, $0x6280, v3;
	v4 =	vsel vm0, $0xA300, v4  }
0xa8: {  	s12 =	simm.s32 $0x12500;
	s31 =	simm.s32 $0x4900;
	s21 =	simm.s32 $0x2;
	v6 =	vsel vm0, $0xE300, v7;
	v8 =	vsel vm0, $0x2700, v8;
	v9 =	vsel vm0, $0x6700, v9  }
0xa9: {  	s22 =	simm.s32 $0x14100;
	s23 =	simm.s32 $0x0;
	s6 =	sand.u32 $0x1, s6;
	v10 =	vsel vm0, $0xA700, v10;
	v11 =	vsel vm0, $0xE700, v11;
	v12 =	vsel vm0, $0x2B00, v12  }
0xaa: {  	s8 =	sshll.u32 s8, $0x8;
	s7 =	ssub.s32 $0x2, s6;
	s6 =	sshll.u32 s6, $0x7;
	v13 =	vsel vm0, $0x6B00, v13;
	v14 =	vsel vm0, $0xAB00, v14;
	v15 =	vsel vm0, $0xEB00, v15  }
0xab: {  	[smem:$0x7FF] =	sst s4;
	s9 =	sshrl.u32 s7, $0x1;
	s6 =	sor.u32 s6, s8;
	v16 =	vsel vm0, $0x2F00, v16;
	v17 =	vsel vm0, $0x6F00, v17;
	v18 =	vsel vm0, $0xAF00, v18  }
0xac: {  	_ =	strace $0x80000047;
	s7 =	ssub.s32 s7, s9;
	s8 =	sshrl.u32 s6, $0x3;
	v19 =	vsel vm0, $0xEF00, v19;
	v20 =	vsel vm0, $0x3300, v20;
	v21 =	vsel vm0, $0x7300, v21  }
0xad: {  	s28 =	sshll.u32 s6, $0x4;
	s29 =	sadd.s32 s5, s6;
	s5 =	simm.s32 $0x6100;
	v22 =	vsel vm0, $0xB300, v22;
	v23 =	vsel vm0, $0xF300, v23;
	v24 =	vsel vm0, $0x3700, v24  }
0xae: {  	s6 =	simm.s32 $0xA100;
	s0 =	sadd.s32 s0, s8;
	[dreg:$0x9] =	wrdreg s29;
	v25 =	vsel vm0, $0x7700, v25;
	v26 =	vsel vm0, $0xB700, v26;
	v27 =	vsel vm0, $0xF700, v27  }
0xaf: {  	s9 =	simm.s32 $0x6500;
	s26 =	sadd.s32 s2, s8;
	[dreg:$0x7] =	wrdreg s0;
	v28 =	vsel vm0, $0x3B00, v28;
	v29 =	vsel vm0, $0x7B00, v29;
	v30 =	vsel vm0, $0xBB00, v30  }
0xb0: {  	s30 =	smax.u32 s7, $0x1;
	s2 =	simm.s32 $0x3;
	[dreg:$0x8] =	wrdreg s26;
	v31 =	vsel vm0, $0xFB00, v31;
	v32 =	vsel vm0, $0x3F00, v32;
	v33 =	vsel vm0, $0x7F00, v33  }
0xb1: {  	s7 =	simm.s32 $0xE100;
	s0 =	sadd.s32 s3, s28;
	[dreg:$0xb] =	wrdreg s30;
	v34 =	vsel vm0, $0xBF00, v34;
	v35 =	vsel vm0, $0xFF00, v35;
	v2 =	vsel vm0, $0x6300, v2  }
0xb2: {  	s8 =	simm.s32 $0x12100;
	s3 =	simm.s32 $0x80;
	[dreg:$0xa] =	wrdreg s0;
	v3 =	vor.u32 $0x800, v0;
	v5 =	vor.u32 $0x1000, v0;
	v7 =	vor.u32 $0x1800, v0  }
.LBB2_1:
0xb3: {  	[dreg:$0xc] =	wrdreg s23  }
0xb4: {  	s0 =	rddreg [dreg:$0x7]  }
0xb5: {  	[tilespmem:s4], [sflag:$0x3] =	stream.linear.gather [hbm4b:s0+s4], $0x80, $0x38;
	[tilespmem:$0x16100] =	vst v63  }
0xb6: {  	_ =	swait.ge [sflag:s2], $0x80  }
0xb7: {  	[sflag:s2] =	ssyncset.done $0x0  }
0xb8: {  	[sflag:s2] =	ssyncadd.s32 $0xFFFFFF80  }
0xb9: {  	s29 =	rddreg [dreg:$0x2]  }
0xba: {  	[tilespmem:s3], [sflag:$0x1] =	stream.indirect.gather [hbm4b:s29+s3], $0x80, s4, s3, $0xb8;
	[tilespmem:$0x16100] =	vst v63  }
0xbb: {  	s30 =	rddreg [dreg:$0x8];
	s3 =	simm.s32 $0x4080  }
0xbc: {  	[tilespmem:s3], [sflag:$0x3] =	stream.linear.gather [hbm4b:s30+s4], $0x80, $0x38;
	[tilespmem:$0x16100] =	vst v63  }
0xbd: {  	_ =	swait.ge [sflag:s2], $0x80  }
0xbe: {  	[sflag:s2] =	ssyncset.done $0x0  }
0xbf: {  	s24 =	simm.s32 $0xF;
	[sflag:s2] =	ssyncadd.s32 $0xFFFFFF80  }
.LBB2_2:
0xc0: {  	v36 =	vld [tilespmem:s3+$0x0];
	_ =	sdelay $0x4  }
0xc1: {  	(v2sf) =	vpush v36, $0x0;
	_ =	sdelay $0xe  }
0xc2: {  	s25 =	spop (v2sf)  }
0xc3: {  	s0 =	sshra.s32 s25, $0x1F  }
0xc4: {  	s0 =	sshrl.u32 s0, $0x19  }
0xc5: {  	s0 =	sadd.s32 s0, s25  }
0xc6: {  	s2 =	sand.u32 $0xFFFFFF80, s0  }
0xc7: {  	p0 =	slt.s32 s25, $0x1;
	p1 =	sne.s32 s25, s2  }
0xc8: {  	p0 =	por !p0, !p1  }
0xc9: {  	s2 =	simm.s32 $0x1;
	p0 =	por !p0, !p0  }
0xca: {  	s0 =	sshrl.u32 s0, $0x7;
	s2 =	simm.s32 @!p0 $0x0  }
0xcb: {  	(v2sf) =	vpush v36, $0x1;
	s0 =	ssub.s32 s0, s2  }
0xcc: {  	s0 =	sshll.u32 s0, $0x7  }
0xcd: {  	s0 =	sand.u32 $0x1FFFFF80, s0  }
0xce: {  	s0 =	sadd.s32 s1, s0  }
0xcf: {  	[tilespmem:s13], [sflag:$0x2] =	stream.linear.gather [hbm4b:s0+s4], $0x400, $0x38;
	[tilespmem:$0x16100] =	vst v63  }
0xd0: {  	s29 =	sadd.s32 $0xF4280, s0  }
0xd1: {  	[tilespmem:s5], [sflag:$0x2] =	stream.linear.gather [hbm4b:s29+s4], $0x400, $0x38;
	[tilespmem:$0x16100] =	vst v63  }
0xd2: {  	s30 =	sadd.s32 $0x1E8500, s0  }
0xd3: {  	[tilespmem:s14], [sflag:$0x2] =	stream.linear.gather [hbm4b:s30+s4], $0x400, $0x38;
	[tilespmem:$0x16100] =	vst v63  }
0xd4: {  	[dreg:$0xd] =	wrdreg s3;
	s3 =	sadd.s32 $0x2DC780, s0  }
0xd5: {  	[tilespmem:s6], [sflag:$0x2] =	stream.linear.gather [hbm4b:s3+s4], $0x400, $0x38;
	[tilespmem:$0x16100] =	vst v63  }
0xd6: {  	s5 =	sadd.s32 $0x3D0A00, s0  }
0xd7: {  	[tilespmem:s15], [sflag:$0x2] =	stream.linear.gather [hbm4b:s5+s4], $0x400, $0x38;
	[tilespmem:$0x16100] =	vst v63  }
0xd8: {  	s6 =	sadd.s32 $0x4C4C80, s0  }
0xd9: {  	[tilespmem:s7], [sflag:$0x2] =	stream.linear.gather [hbm4b:s6+s4], $0x400, $0x38;
	[tilespmem:$0x16100] =	vst v63  }
0xda: {  	s26 =	spop (v2sf);
	s14 =	sadd.s32 $0x5B8F00, s0  }
0xdb: {  	[tilespmem:s16], [sflag:$0x2] =	stream.linear.gather [hbm4b:s14+s4], $0x400, $0x38;
	[tilespmem:$0x16100] =	vst v63  }
0xdc: {  	s0 =	sadd.s32 $0x6AD180, s0;
	s15 =	sshra.s32 s26, $0x1F  }
0xdd: {  	[tilespmem:s8], [sflag:$0x2] =	stream.linear.gather [hbm4b:s0+s4], $0x400, $0x38;
	[tilespmem:$0x16100] =	vst v63  }
0xde: {  	s0 =	sshrl.u32 s15, $0x19  }
0xdf: {  	s0 =	sadd.s32 s0, s26  }
0xe0: {  	s28 =	sand.u32 $0xFFFFFF80, s0  }
0xe1: {  	p1 =	slt.s32 s26, $0x1;
	p2 =	sne.s32 s26, s28  }
0xe2: {  	p0 =	por !p1, !p2  }
0xe3: {  	s2 =	simm.s32 $0x1;
	p0 =	por !p0, !p0  }
0xe4: {  	s0 =	sshrl.u32 s0, $0x7;
	s2 =	simm.s32 @!p0 $0x0  }
0xe5: {  	(v2sf) =	vpush v36, $0x2;
	s0 =	ssub.s32 s0, s2  }
0xe6: {  	s0 =	sshll.u32 s0, $0x7  }
0xe7: {  	s0 =	sand.u32 $0x1FFFFF80, s0  }
0xe8: {  	s0 =	sadd.s32 s1, s0  }
0xe9: {  	[tilespmem:s17], [sflag:$0x2] =	stream.linear.gather [hbm4b:s0+s4], $0x400, $0x38;
	[tilespmem:$0x16100] =	vst v63  }
0xea: {  	s16 =	sadd.s32 $0xF4280, s0  }
0xeb: {  	[tilespmem:s9], [sflag:$0x2] =	stream.linear.gather [hbm4b:s16+s4], $0x400, $0x38;
	[tilespmem:$0x16100] =	vst v63  }
0xec: {  	s17 =	sadd.s32 $0x1E8500, s0  }
0xed: {  	[tilespmem:s18], [sflag:$0x2] =	stream.linear.gather [hbm4b:s17+s4], $0x400, $0x38;
	[tilespmem:$0x16100] =	vst v63  }
0xee: {  	s23 =	sadd.s32 $0x2DC780, s0  }
0xef: {  	[tilespmem:s10], [sflag:$0x2] =	stream.linear.gather [hbm4b:s23+s4], $0x400, $0x38;
	[tilespmem:$0x16100] =	vst v63  }
0xf0: {  	s29 =	sadd.s32 $0x3D0A00, s0  }
0xf1: {  	[tilespmem:s19], [sflag:$0x2] =	stream.linear.gather [hbm4b:s29+s4], $0x400, $0x38;
	[tilespmem:$0x16100] =	vst v63  }
0xf2: {  	s30 =	sadd.s32 $0x4C4C80, s0  }
0xf3: {  	[tilespmem:s11], [sflag:$0x2] =	stream.linear.gather [hbm4b:s30+s4], $0x400, $0x38;
	[tilespmem:$0x16100] =	vst v63  }
0xf4: {  	s3 =	sadd.s32 $0x5B8F00, s0;
	s29 =	spop (v2sf)  }
0xf5: {  	[tilespmem:s20], [sflag:$0x2] =	stream.linear.gather [hbm4b:s3+s4], $0x400, $0x38;
	[tilespmem:$0x16100] =	vst v63  }
0xf6: {  	s0 =	sadd.s32 $0x6AD180, s0;
	s5 =	sshra.s32 s29, $0x1F  }
0xf7: {  	[tilespmem:s12], [sflag:$0x2] =	stream.linear.gather [hbm4b:s0+s4], $0x400, $0x38;
	[tilespmem:$0x16100] =	vst v63  }
0xf8: {  	s0 =	sshrl.u32 s5, $0x19  }
0xf9: {  	s0 =	sadd.s32 s0, s29  }
0xfa: {  	s30 =	sand.u32 $0xFFFFFF80, s0  }
0xfb: {  	p3 =	slt.s32 s29, $0x1;
	p4 =	sne.s32 s29, s30  }
0xfc: {  	p0 =	por !p3, !p4  }
0xfd: {  	s2 =	simm.s32 $0x1;
	p0 =	por !p0, !p0  }
0xfe: {  	s0 =	sshrl.u32 s0, $0x7;
	s2 =	simm.s32 @!p0 $0x0  }
0xff: {  	(v2sf) =	vpush v36, $0x3;
	s0 =	ssub.s32 s0, s2  }
0x100: {  	s0 =	sshll.u32 s0, $0x7  }
0x101: {  	s0 =	sand.u32 $0x1FFFFF80, s0  }
0x102: {  	s0 =	sadd.s32 s1, s0  }
0x103: {  	[tilespmem:s31], [sflag:$0x2] =	stream.linear.gather [hbm4b:s0+s4], $0x400, $0x38;
	[tilespmem:$0x16100] =	vst v63  }
0x104: {  	s7 =	simm.s32 $0x6900;
	s6 =	sadd.s32 $0xF4280, s0  }
0x105: {  	[tilespmem:s7], [sflag:$0x2] =	stream.linear.gather [hbm4b:s6+s4], $0x400, $0x38;
	[tilespmem:$0x16100] =	vst v63  }
0x106: {  	s9 =	simm.s32 $0x8900;
	s8 =	sadd.s32 $0x1E8500, s0  }
0x107: {  	[tilespmem:s9], [sflag:$0x2] =	stream.linear.gather [hbm4b:s8+s4], $0x400, $0x38;
	[tilespmem:$0x16100] =	vst v63  }
0x108: {  	s11 =	simm.s32 $0xA900;
	s10 =	sadd.s32 $0x2DC780, s0  }
0x109: {  	[tilespmem:s11], [sflag:$0x2] =	stream.linear.gather [hbm4b:s10+s4], $0x400, $0x38;
	[tilespmem:$0x16100] =	vst v63  }
0x10a: {  	s14 =	simm.s32 $0xC900;
	s12 =	sadd.s32 $0x3D0A00, s0  }
0x10b: {  	[tilespmem:s14], [sflag:$0x2] =	stream.linear.gather [hbm4b:s12+s4], $0x400, $0x38;
	[tilespmem:$0x16100] =	vst v63  }
0x10c: {  	s16 =	simm.s32 $0xE900;
	s15 =	sadd.s32 $0x4C4C80, s0  }
0x10d: {  	[tilespmem:s16], [sflag:$0x2] =	stream.linear.gather [hbm4b:s15+s4], $0x400, $0x38;
	[tilespmem:$0x16100] =	vst v63  }
0x10e: {  	s18 =	simm.s32 $0x10900;
	s17 =	sadd.s32 $0x5B8F00, s0;
	s31 =	spop (v2sf)  }
0x10f: {  	[tilespmem:s18], [sflag:$0x2] =	stream.linear.gather [hbm4b:s17+s4], $0x400, $0x38;
	[tilespmem:$0x16100] =	vst v63  }
0x110: {  	s19 =	simm.s32 $0x12900;
	s0 =	sadd.s32 $0x6AD180, s0;
	s20 =	sshra.s32 s31, $0x1F  }
0x111: {  	[tilespmem:s19], [sflag:$0x2] =	stream.linear.gather [hbm4b:s0+s4], $0x400, $0x38;
	[tilespmem:$0x16100] =	vst v63  }
0x112: {  	s0 =	sshrl.u32 s20, $0x19  }
0x113: {  	s0 =	sadd.s32 s0, s31  }
0x114: {  	s2 =	sand.u32 $0xFFFFFF80, s0  }
0x115: {  	p5 =	slt.s32 s31, $0x1;
	p6 =	sne.s32 s31, s2  }
0x116: {  	p0 =	por !p5, !p6  }
0x117: {  	s3 =	simm.s32 $0x1;
	p0 =	por !p0, !p0  }
0x118: {  	s0 =	sshrl.u32 s0, $0x7;
	s3 =	simm.s32 @!p0 $0x0  }
0x119: {  	(v2sf) =	vpush v36, $0x4;
	s0 =	ssub.s32 s0, s3  }
0x11a: {  	s0 =	sshll.u32 s0, $0x7  }
0x11b: {  	s0 =	sand.u32 $0x1FFFFF80, s0  }
0x11c: {  	s23 =	simm.s32 $0x4D00;
	s0 =	sadd.s32 s1, s0  }
0x11d: {  	[tilespmem:s23], [sflag:$0x2] =	stream.linear.gather [hbm4b:s0+s4], $0x400, $0x38;
	[tilespmem:$0x16100] =	vst v63  }
0x11e: {  	s6 =	simm.s32 $0x6D00;
	s5 =	sadd.s32 $0xF4280, s0  }
0x11f: {  	[tilespmem:s6], [sflag:$0x2] =	stream.linear.gather [hbm4b:s5+s4], $0x400, $0x38;
	[tilespmem:$0x16100] =	vst v63  }
0x120: {  	s8 =	simm.s32 $0x8D00;
	s7 =	sadd.s32 $0x1E8500, s0  }
0x121: {  	[tilespmem:s8], [sflag:$0x2] =	stream.linear.gather [hbm4b:s7+s4], $0x400, $0x38;
	[tilespmem:$0x16100] =	vst v63  }
0x122: {  	s10 =	simm.s32 $0xAD00;
	s9 =	sadd.s32 $0x2DC780, s0  }
0x123: {  	[tilespmem:s10], [sflag:$0x2] =	stream.linear.gather [hbm4b:s9+s4], $0x400, $0x38;
	[tilespmem:$0x16100] =	vst v63  }
0x124: {  	s12 =	simm.s32 $0xCD00;
	s11 =	sadd.s32 $0x3D0A00, s0  }
0x125: {  	[tilespmem:s12], [sflag:$0x2] =	stream.linear.gather [hbm4b:s11+s4], $0x400, $0x38;
	[tilespmem:$0x16100] =	vst v63  }
0x126: {  	s15 =	simm.s32 $0xED00;
	s14 =	sadd.s32 $0x4C4C80, s0  }
0x127: {  	[tilespmem:s15], [sflag:$0x2] =	stream.linear.gather [hbm4b:s14+s4], $0x400, $0x38;
	[tilespmem:$0x16100] =	vst v63  }
0x128: {  	s17 =	simm.s32 $0x10D00;
	s3 =	spop (v2sf);
	s16 =	sadd.s32 $0x5B8F00, s0  }
0x129: {  	[tilespmem:s17], [sflag:$0x2] =	stream.linear.gather [hbm4b:s16+s4], $0x400, $0x38;
	[tilespmem:$0x16100] =	vst v63  }
0x12a: {  	s18 =	simm.s32 $0x12D00;
	s19 =	sshra.s32 s3, $0x1F;
	s0 =	sadd.s32 $0x6AD180, s0  }
0x12b: {  	[tilespmem:s18], [sflag:$0x2] =	stream.linear.gather [hbm4b:s0+s4], $0x400, $0x38;
	[tilespmem:$0x16100] =	vst v63  }
0x12c: {  	s0 =	sshrl.u32 s19, $0x19  }
0x12d: {  	s20 =	sadd.s32 s0, s3  }
0x12e: {  	s0 =	sand.u32 $0xFFFFFF80, s20  }
0x12f: {  	p1 =	slt.s32 s3, $0x1;
	p2 =	sne.s32 s3, s0  }
0x130: {  	p0 =	por !p1, !p2  }
0x131: {  	s6 =	simm.s32 $0x1;
	p0 =	por !p0, !p0  }
0x132: {  	s5 =	sshrl.u32 s20, $0x7;
	s6 =	simm.s32 @!p0 $0x0  }
0x133: {  	(v2sf) =	vpush v36, $0x5;
	s5 =	ssub.s32 s5, s6  }
0x134: {  	s5 =	sshll.u32 s5, $0x7  }
0x135: {  	s5 =	sand.u32 $0x1FFFFF80, s5  }
0x136: {  	s23 =	simm.s32 $0x5100;
	s5 =	sadd.s32 s1, s5  }
0x137: {  	[tilespmem:s23], [sflag:$0x2] =	stream.linear.gather [hbm4b:s5+s4], $0x400, $0x38;
	[tilespmem:$0x16100] =	vst v63  }
0x138: {  	s8 =	simm.s32 $0x7100;
	s7 =	sadd.s32 $0xF4280, s5  }
0x139: {  	[tilespmem:s8], [sflag:$0x2] =	stream.linear.gather [hbm4b:s7+s4], $0x400, $0x38;
	[tilespmem:$0x16100] =	vst v63  }
0x13a: {  	s10 =	simm.s32 $0x9100;
	s9 =	sadd.s32 $0x1E8500, s5  }
0x13b: {  	[tilespmem:s10], [sflag:$0x2] =	stream.linear.gather [hbm4b:s9+s4], $0x400, $0x38;
	[tilespmem:$0x16100] =	vst v63  }
0x13c: {  	s12 =	simm.s32 $0xB100;
	s11 =	sadd.s32 $0x2DC780, s5  }
0x13d: {  	[tilespmem:s12], [sflag:$0x2] =	stream.linear.gather [hbm4b:s11+s4], $0x400, $0x38;
	[tilespmem:$0x16100] =	vst v63  }
0x13e: {  	s17 =	simm.s32 $0xD100;
	s16 =	sadd.s32 $0x3D0A00, s5  }
0x13f: {  	[tilespmem:s17], [sflag:$0x2] =	stream.linear.gather [hbm4b:s16+s4], $0x400, $0x38;
	[tilespmem:$0x16100] =	vst v63  }
0x140: {  	s19 =	simm.s32 $0xF100;
	s18 =	sadd.s32 $0x4C4C80, s5  }
0x141: {  	[tilespmem:s19], [sflag:$0x2] =	stream.linear.gather [hbm4b:s18+s4], $0x400, $0x38;
	[tilespmem:$0x16100] =	vst v63  }
0x142: {  	s20 =	sadd.s32 $0x5B8F00, s5;
	s23 =	simm.s32 $0x11100;
	s11 =	spop (v2sf)  }
0x143: {  	[tilespmem:s23], [sflag:$0x2] =	stream.linear.gather [hbm4b:s20+s4], $0x400, $0x38;
	[tilespmem:$0x16100] =	vst v63  }
0x144: {  	s5 =	sadd.s32 $0x6AD180, s5;
	s7 =	simm.s32 $0x13100;
	s8 =	sshra.s32 s11, $0x1F  }
0x145: {  	[tilespmem:s7], [sflag:$0x2] =	stream.linear.gather [hbm4b:s5+s4], $0x400, $0x38;
	[tilespmem:$0x16100] =	vst v63  }
0x146: {  	s5 =	sshrl.u32 s8, $0x19  }
0x147: {  	s9 =	sadd.s32 s5, s11  }
0x148: {  	s5 =	sand.u32 $0xFFFFFF80, s9  }
0x149: {  	p3 =	slt.s32 s11, $0x1;
	p4 =	sne.s32 s11, s5  }
0x14a: {  	p0 =	por !p3, !p4  }
0x14b: {  	s7 =	simm.s32 $0x1;
	p0 =	por !p0, !p0  }
0x14c: {  	s6 =	sshrl.u32 s9, $0x7;
	s7 =	simm.s32 @!p0 $0x0  }
0x14d: {  	s6 =	ssub.s32 s6, s7  }
0x14e: {  	s6 =	sshll.u32 s6, $0x7  }
0x14f: {  	s6 =	sand.u32 $0x1FFFFF80, s6  }
0x150: {  	s10 =	simm.s32 $0x5500;
	s6 =	sadd.s32 s1, s6  }
0x151: {  	(v2sf) =	vpush v36, $0x6;
	[tilespmem:s10], [sflag:$0x2] =	stream.linear.gather [hbm4b:s6+s4], $0x400, $0x38;
	[tilespmem:$0x16100] =	vst v63  }
0x152: {  	s17 =	simm.s32 $0x7500;
	s12 =	sadd.s32 $0xF4280, s6  }
0x153: {  	[tilespmem:s17], [sflag:$0x2] =	stream.linear.gather [hbm4b:s12+s4], $0x400, $0x38;
	[tilespmem:$0x16100] =	vst v63  }
0x154: {  	s19 =	simm.s32 $0x9500;
	s18 =	sadd.s32 $0x1E8500, s6  }
0x155: {  	[tilespmem:s19], [sflag:$0x2] =	stream.linear.gather [hbm4b:s18+s4], $0x400, $0x38;
	[tilespmem:$0x16100] =	vst v63  }
0x156: {  	s23 =	simm.s32 $0xB500;
	s20 =	sadd.s32 $0x2DC780, s6  }
0x157: {  	[tilespmem:s23], [sflag:$0x2] =	stream.linear.gather [hbm4b:s20+s4], $0x400, $0x38;
	[tilespmem:$0x16100] =	vst v63  }
0x158: {  	s9 =	simm.s32 $0xD500;
	s8 =	sadd.s32 $0x3D0A00, s6  }
0x159: {  	[tilespmem:s9], [sflag:$0x2] =	stream.linear.gather [hbm4b:s8+s4], $0x400, $0x38;
	[tilespmem:$0x16100] =	vst v63  }
0x15a: {  	s10 =	sadd.s32 $0x4C4C80, s6;
	s12 =	simm.s32 $0xF500  }
0x15b: {  	[tilespmem:s12], [sflag:$0x2] =	stream.linear.gather [hbm4b:s10+s4], $0x400, $0x38;
	[tilespmem:$0x16100] =	vst v63  }
0x15c: {  	s17 =	sadd.s32 $0x5B8F00, s6;
	s18 =	simm.s32 $0x11500  }
0x15d: {  	[tilespmem:s18], [sflag:$0x2] =	stream.linear.gather [hbm4b:s17+s4], $0x400, $0x38;
	[tilespmem:$0x16100] =	vst v63  }
0x15e: {  	s6 =	sadd.s32 $0x6AD180, s6;
	s19 =	simm.s32 $0x13500  }
0x15f: {  	[tilespmem:s19], [sflag:$0x2] =	stream.linear.gather [hbm4b:s6+s4], $0x400, $0x38;
	[tilespmem:$0x16100] =	vst v63  }
0x160: {  	s6 =	spop (v2sf)  }
0x161: {  	s20 =	sshra.s32 s6, $0x1F  }
0x162: {  	s7 =	sshrl.u32 s20, $0x19  }
0x163: {  	s23 =	sadd.s32 s7, s6  }
0x164: {  	s7 =	sand.u32 $0xFFFFFF80, s23  }
0x165: {  	p5 =	slt.s32 s6, $0x1;
	p6 =	sne.s32 s6, s7  }
0x166: {  	p0 =	por !p5, !p6  }
0x167: {  	s9 =	simm.s32 $0x1;
	p0 =	por !p0, !p0  }
0x168: {  	s8 =	sshrl.u32 s23, $0x7;
	s9 =	simm.s32 @!p0 $0x0  }
0x169: {  	s8 =	ssub.s32 s8, s9  }
0x16a: {  	s8 =	sshll.u32 s8, $0x7  }
0x16b: {  	s8 =	sand.u32 $0x1FFFFF80, s8  }
0x16c: {  	s10 =	simm.s32 $0x5900;
	s8 =	sadd.s32 s1, s8  }
0x16d: {  	(v2sf) =	vpush v36, $0x7;
	[tilespmem:s10], [sflag:$0x2] =	stream.linear.gather [hbm4b:s8+s4], $0x400, $0x38;
	[tilespmem:$0x16100] =	vst v63  }
0x16e: {  	s19 =	simm.s32 $0x7900;
	s12 =	sadd.s32 $0xF4280, s8  }
0x16f: {  	[tilespmem:s19], [sflag:$0x2] =	stream.linear.gather [hbm4b:s12+s4], $0x400, $0x38;
	[tilespmem:$0x16100] =	vst v63  }
0x170: {  	s23 =	simm.s32 $0x9900;
	s20 =	sadd.s32 $0x1E8500, s8  }
0x171: {  	[tilespmem:s23], [sflag:$0x2] =	stream.linear.gather [hbm4b:s20+s4], $0x400, $0x38;
	[tilespmem:$0x16100] =	vst v63  }
0x172: {  	s12 =	sadd.s32 $0x2DC780, s8;
	s19 =	simm.s32 $0xB900  }
0x173: {  	[tilespmem:s19], [sflag:$0x2] =	stream.linear.gather [hbm4b:s12+s4], $0x400, $0x38;
	[tilespmem:$0x16100] =	vst v63  }
0x174: {  	s20 =	sadd.s32 $0x3D0A00, s8;
	s23 =	simm.s32 $0xD900  }
0x175: {  	[tilespmem:s23], [sflag:$0x2] =	stream.linear.gather [hbm4b:s20+s4], $0x400, $0x38;
	[tilespmem:$0x16100] =	vst v63  }
0x176: {  	s12 =	sadd.s32 $0x4C4C80, s8;
	s19 =	simm.s32 $0xF900  }
0x177: {  	[tilespmem:s19], [sflag:$0x2] =	stream.linear.gather [hbm4b:s12+s4], $0x400, $0x38;
	[tilespmem:$0x16100] =	vst v63  }
0x178: {  	s20 =	sadd.s32 $0x5B8F00, s8;
	s23 =	simm.s32 $0x11900  }
0x179: {  	[tilespmem:s23], [sflag:$0x2] =	stream.linear.gather [hbm4b:s20+s4], $0x400, $0x38;
	[tilespmem:$0x16100] =	vst v63  }
0x17a: {  	s8 =	sadd.s32 $0x6AD180, s8;
	s12 =	simm.s32 $0x13900  }
0x17b: {  	[tilespmem:s12], [sflag:$0x2] =	stream.linear.gather [hbm4b:s8+s4], $0x400, $0x38;
	[tilespmem:$0x16100] =	vst v63  }
0x17c: {  	s8 =	spop (v2sf)  }
0x17d: {  	s19 =	sshra.s32 s8, $0x1F  }
0x17e: {  	s9 =	sshrl.u32 s19, $0x19  }
0x17f: {  	s20 =	sadd.s32 s9, s8  }
0x180: {  	s9 =	sand.u32 $0xFFFFFF80, s20  }
0x181: {  	p1 =	slt.s32 s8, $0x1;
	p2 =	sne.s32 s8, s9  }
0x182: {  	p0 =	por !p1, !p2  }
0x183: {  	s10 =	simm.s32 $0x1;
	p0 =	por !p0, !p0  }
0x184: {  	s12 =	sshrl.u32 s20, $0x7;
	s10 =	simm.s32 @!p0 $0x0  }
0x185: {  	s10 =	ssub.s32 s12, s10  }
0x186: {  	s10 =	sshll.u32 s10, $0x7  }
0x187: {  	s10 =	sand.u32 $0x1FFFFF80, s10  }
0x188: {  	s23 =	simm.s32 $0x5D00;
	s10 =	sadd.s32 s1, s10  }
0x189: {  	[tilespmem:s23], [sflag:$0x2] =	stream.linear.gather [hbm4b:s10+s4], $0x400, $0x38;
	[tilespmem:$0x16100] =	vst v63  }
0x18a: {  	s20 =	sadd.s32 $0xF4280, s10;
	s23 =	simm.s32 $0x7D00  }
0x18b: {  	[tilespmem:s23], [sflag:$0x2] =	stream.linear.gather [hbm4b:s20+s4], $0x400, $0x38;
	[tilespmem:$0x16100] =	vst v63  }
0x18c: {  	s20 =	sadd.s32 $0x1E8500, s10;
	s23 =	simm.s32 $0x9D00  }
0x18d: {  	[tilespmem:s23], [sflag:$0x2] =	stream.linear.gather [hbm4b:s20+s4], $0x400, $0x38;
	[tilespmem:$0x16100] =	vst v63  }
0x18e: {  	s20 =	sadd.s32 $0x2DC780, s10;
	s23 =	simm.s32 $0xBD00  }
0x18f: {  	[tilespmem:s23], [sflag:$0x2] =	stream.linear.gather [hbm4b:s20+s4], $0x400, $0x38;
	[tilespmem:$0x16100] =	vst v63  }
0x190: {  	s20 =	sadd.s32 $0x3D0A00, s10;
	s23 =	simm.s32 $0xDD00  }
0x191: {  	[tilespmem:s23], [sflag:$0x2] =	stream.linear.gather [hbm4b:s20+s4], $0x400, $0x38;
	[tilespmem:$0x16100] =	vst v63  }
0x192: {  	s20 =	sadd.s32 $0x4C4C80, s10;
	s23 =	simm.s32 $0xFD00  }
0x193: {  	[tilespmem:s23], [sflag:$0x2] =	stream.linear.gather [hbm4b:s20+s4], $0x400, $0x38;
	[tilespmem:$0x16100] =	vst v63  }
0x194: {  	s20 =	sadd.s32 $0x5B8F00, s10;
	s23 =	simm.s32 $0x11D00  }
0x195: {  	[tilespmem:s23], [sflag:$0x2] =	stream.linear.gather [hbm4b:s20+s4], $0x400, $0x38;
	[tilespmem:$0x16100] =	vst v63  }
0x196: {  	s10 =	sadd.s32 $0x6AD180, s10;
	s20 =	simm.s32 $0x13D00  }
0x197: {  	[tilespmem:s20], [sflag:$0x2] =	stream.linear.gather [hbm4b:s10+s4], $0x400, $0x38;
	[tilespmem:$0x16100] =	vst v63  }
0x198: {  	_ =	swait.ge [sflag:s21], $0x2000  }
0x199: {  	[sflag:s21] =	ssyncset.done $0x0  }
0x19a: {  	[sflag:s21] =	ssyncadd.s32 $0xFFFFE000  }
0x19b: {  	_ =	swait.ge [sflag:s21], $0x2000  }
0x19c: {  	[sflag:s21] =	ssyncset.done $0x0  }
0x19d: {  	[sflag:s21] =	ssyncadd.s32 $0xFFFFE000  }
0x19e: {  	_ =	swait.ge [sflag:s21], $0x2000  }
0x19f: {  	[sflag:s21] =	ssyncset.done $0x0  }
0x1a0: {  	[sflag:s21] =	ssyncadd.s32 $0xFFFFE000  }
0x1a1: {  	_ =	swait.ge [sflag:s21], $0x2000  }
0x1a2: {  	[sflag:s21] =	ssyncset.done $0x0  }
0x1a3: {  	[sflag:s21] =	ssyncadd.s32 $0xFFFFE000  }
0x1a4: {  	_ =	swait.ge [sflag:s21], $0x2000  }
0x1a5: {  	[sflag:s21] =	ssyncset.done $0x0  }
0x1a6: {  	[sflag:s21] =	ssyncadd.s32 $0xFFFFE000  }
0x1a7: {  	_ =	swait.ge [sflag:s21], $0x2000  }
0x1a8: {  	[sflag:s21] =	ssyncset.done $0x0  }
0x1a9: {  	[sflag:s21] =	ssyncadd.s32 $0xFFFFE000  }
0x1aa: {  	s23 =	sand.u32 $0x7F, s25;
	_ =	swait.ge [sflag:s21], $0x2000  }
0x1ab: {  	s25 =	sadd.s32 $0xFFFFFFF1, s24;
	v37 =	vor.u32 s23, v1;
	[sflag:s21] =	ssyncset.done $0x0  }
0x1ac: {  	v38 =	vmov s25;
	[sflag:s21] =	ssyncadd.s32 $0xFFFFE000  }
0x1ad: {  	v38 =	vand.u32 $0x70, v38;
	_ =	swait.ge [sflag:s21], $0x2000  }
0x1ae: {  	v38 =	vbroadcast v38, $0x0;
	[sflag:s21] =	ssyncset.done $0x0  }
0x1af: {  	[sflag:s21] =	ssyncadd.s32 $0xFFFFE000  }
0x1b0: {  	v39 =	vor.u32 v0, v38;
	v37 =	vld.idx.msk [tilespmem:v37+s13+$0x0], $0xffff  }
0x1b1: {  	v40 =	vor.u32 s23, v2;
	_ =	sdelay $0x3  }
0x1b2: {  	[tilespmem:v39+s22+$0x0] =	vst.idx.msk $0xffff, v37  }
0x1b3: {  	v47 =	vor.u32 v3, v38;
	v37 =	vld.idx.msk [tilespmem:v40+s13+$0x0], $0xffff  }
0x1b4: {  	v48 =	vor.u32 s23, v4;
	_ =	sdelay $0x3  }
0x1b5: {  	[tilespmem:v47+s22+$0x0] =	vst.idx.msk $0xffff, v37  }
0x1b6: {  	v49 =	vor.u32 v5, v38;
	v37 =	vld.idx.msk [tilespmem:v48+s13+$0x0], $0xffff  }
0x1b7: {  	v50 =	vor.u32 s23, v6  }
0x1b8: {  	s20 =	ssub.s32 s26, s28  }
0x1b9: {  	v41 =	vmov s20  }
0x1ba: {  	v41 =	vand.u32 $0x7F, v41  }
0x1bb: {  	v51 =	vbroadcast v41, $0x0;
	[tilespmem:v49+s22+$0x0] =	vst.idx.msk $0xffff, v37  }
0x1bc: {  	v38 =	vor.u32 v7, v38;
	v39 =	vld.idx.msk [tilespmem:v50+s13+$0x0], $0xffff  }
0x1bd: {  	s23 =	sadd.s32 $0xFFFFFFF2, s24;
	v52 =	vor.u32 v8, v51  }
0x1be: {  	v53 =	vmov s23  }
0x1bf: {  	v41 =	vand.u32 $0x71, v53  }
0x1c0: {  	v41 =	vbroadcast v41, $0x0  }
0x1c1: {  	[tilespmem:v38+s22+$0x0] =	vst.idx.msk $0xffff, v39  }
0x1c2: {  	v54 =	vor.u32 v0, v41;
	v38 =	vld.idx.msk [tilespmem:v52+s13+$0x0], $0xffff  }
0x1c3: {  	v55 =	vor.u32 v9, v51;
	_ =	sdelay $0x3  }
0x1c4: {  	[tilespmem:v54+s22+$0x0] =	vst.idx.msk $0xffff, v38  }
0x1c5: {  	v56 =	vor.u32 v3, v41;
	v38 =	vld.idx.msk [tilespmem:v55+s13+$0x0], $0xffff  }
0x1c6: {  	v57 =	vor.u32 v10, v51;
	_ =	sdelay $0x3  }
0x1c7: {  	[tilespmem:v56+s22+$0x0] =	vst.idx.msk $0xffff, v38  }
0x1c8: {  	v58 =	vor.u32 v5, v41;
	v38 =	vld.idx.msk [tilespmem:v57+s13+$0x0], $0xffff  }
0x1c9: {  	v37 =	vor.u32 v11, v51  }
0x1ca: {  	s25 =	ssub.s32 s29, s30  }
0x1cb: {  	v59 =	vmov s25  }
0x1cc: {  	v40 =	vand.u32 $0x7F, v59  }
0x1cd: {  	v60 =	vbroadcast v40, $0x0;
	[tilespmem:v58+s22+$0x0] =	vst.idx.msk $0xffff, v38  }
0x1ce: {  	v61 =	vor.u32 v7, v41;
	v37 =	vld.idx.msk [tilespmem:v37+s13+$0x0], $0xffff  }
0x1cf: {  	s26 =	sadd.s32 $0xFFFFFFF3, s24;
	v40 =	vor.u32 v12, v60  }
0x1d0: {  	v62 =	vmov s26  }
0x1d1: {  	v41 =	vand.u32 $0x72, v62  }
0x1d2: {  	v41 =	vbroadcast v41, $0x0  }
0x1d3: {  	[tilespmem:v61+s22+$0x0] =	vst.idx.msk $0xffff, v37  }
0x1d4: {  	v63 =	vor.u32 v0, v41;
	v37 =	vld.idx.msk [tilespmem:v40+s13+$0x0], $0xffff  }
0x1d5: {  	v44 =	vor.u32 v13, v60;
	_ =	sdelay $0x3  }
0x1d6: {  	[tilespmem:v63+s22+$0x0] =	vst.idx.msk $0xffff, v37  }
0x1d7: {  	v45 =	vor.u32 v3, v41;
	v37 =	vld.idx.msk [tilespmem:v44+s13+$0x0], $0xffff  }
0x1d8: {  	v46 =	vor.u32 v14, v60;
	_ =	sdelay $0x3  }
0x1d9: {  	[tilespmem:v45+s22+$0x0] =	vst.idx.msk $0xffff, v37  }
0x1da: {  	v47 =	vor.u32 v5, v41;
	v37 =	vld.idx.msk [tilespmem:v46+s13+$0x0], $0xffff  }
0x1db: {  	v38 =	vor.u32 v15, v60  }
0x1dc: {  	s2 =	ssub.s32 s31, s2  }
0x1dd: {  	v48 =	vmov s2  }
0x1de: {  	v40 =	vand.u32 $0x7F, v48  }
0x1df: {  	v49 =	vbroadcast v40, $0x0;
	[tilespmem:v47+s22+$0x0] =	vst.idx.msk $0xffff, v37  }
0x1e0: {  	v50 =	vor.u32 v7, v41;
	v38 =	vld.idx.msk [tilespmem:v38+s13+$0x0], $0xffff  }
0x1e1: {  	s28 =	sadd.s32 $0xFFFFFFF4, s24;
	v40 =	vor.u32 v16, v49  }
0x1e2: {  	v51 =	vmov s28  }
0x1e3: {  	v41 =	vand.u32 $0x73, v51  }
0x1e4: {  	v41 =	vbroadcast v41, $0x0  }
0x1e5: {  	[tilespmem:v50+s22+$0x0] =	vst.idx.msk $0xffff, v38  }
0x1e6: {  	v52 =	vor.u32 v0, v41;
	v38 =	vld.idx.msk [tilespmem:v40+s13+$0x0], $0xffff  }
0x1e7: {  	v53 =	vor.u32 v17, v49;
	_ =	sdelay $0x3  }
0x1e8: {  	[tilespmem:v52+s22+$0x0] =	vst.idx.msk $0xffff, v38  }
0x1e9: {  	v54 =	vor.u32 v3, v41;
	v38 =	vld.idx.msk [tilespmem:v53+s13+$0x0], $0xffff  }
0x1ea: {  	v55 =	vor.u32 v18, v49;
	_ =	sdelay $0x3  }
0x1eb: {  	[tilespmem:v54+s22+$0x0] =	vst.idx.msk $0xffff, v38  }
0x1ec: {  	v56 =	vor.u32 v5, v41;
	v38 =	vld.idx.msk [tilespmem:v55+s13+$0x0], $0xffff  }
0x1ed: {  	v37 =	vor.u32 v19, v49  }
0x1ee: {  	s0 =	ssub.s32 s3, s0  }
0x1ef: {  	v57 =	vmov s0  }
0x1f0: {  	v40 =	vand.u32 $0x7F, v57  }
0x1f1: {  	v58 =	vbroadcast v40, $0x0;
	[tilespmem:v56+s22+$0x0] =	vst.idx.msk $0xffff, v38  }
0x1f2: {  	v59 =	vor.u32 v7, v41;
	v37 =	vld.idx.msk [tilespmem:v37+s13+$0x0], $0xffff  }
0x1f3: {  	s29 =	sadd.s32 $0xFFFFFFF5, s24;
	v40 =	vor.u32 v20, v58  }
0x1f4: {  	v60 =	vmov s29  }
0x1f5: {  	v41 =	vand.u32 $0x74, v60  }
0x1f6: {  	v41 =	vbroadcast v41, $0x0  }
0x1f7: {  	[tilespmem:v59+s22+$0x0] =	vst.idx.msk $0xffff, v37  }
0x1f8: {  	v61 =	vor.u32 v0, v41;
	v37 =	vld.idx.msk [tilespmem:v40+s13+$0x0], $0xffff  }
0x1f9: {  	v62 =	vor.u32 v21, v58;
	_ =	sdelay $0x3  }
0x1fa: {  	[tilespmem:v61+s22+$0x0] =	vst.idx.msk $0xffff, v37  }
0x1fb: {  	v63 =	vor.u32 v3, v41;
	v37 =	vld.idx.msk [tilespmem:v62+s13+$0x0], $0xffff  }
0x1fc: {  	v44 =	vor.u32 v22, v58;
	_ =	sdelay $0x3  }
0x1fd: {  	[tilespmem:v63+s22+$0x0] =	vst.idx.msk $0xffff, v37  }
0x1fe: {  	v45 =	vor.u32 v5, v41;
	v37 =	vld.idx.msk [tilespmem:v44+s13+$0x0], $0xffff  }
0x1ff: {  	v38 =	vor.u32 v23, v58  }
0x200: {  	s30 =	ssub.s32 s11, s5  }
0x201: {  	v46 =	vmov s30  }
0x202: {  	v40 =	vand.u32 $0x7F, v46  }
0x203: {  	v47 =	vbroadcast v40, $0x0;
	[tilespmem:v45+s22+$0x0] =	vst.idx.msk $0xffff, v37  }
0x204: {  	v48 =	vor.u32 v7, v41;
	v38 =	vld.idx.msk [tilespmem:v38+s13+$0x0], $0xffff  }
0x205: {  	s2 =	sadd.s32 $0xFFFFFFF6, s24;
	v40 =	vor.u32 v24, v47  }
0x206: {  	v49 =	vmov s2  }
0x207: {  	v41 =	vand.u32 $0x75, v49  }
0x208: {  	v41 =	vbroadcast v41, $0x0  }
0x209: {  	[tilespmem:v48+s22+$0x0] =	vst.idx.msk $0xffff, v38  }
0x20a: {  	v50 =	vor.u32 v0, v41;
	v38 =	vld.idx.msk [tilespmem:v40+s13+$0x0], $0xffff  }
0x20b: {  	v51 =	vor.u32 v25, v47;
	_ =	sdelay $0x3  }
0x20c: {  	[tilespmem:v50+s22+$0x0] =	vst.idx.msk $0xffff, v38  }
0x20d: {  	v52 =	vor.u32 v3, v41;
	v38 =	vld.idx.msk [tilespmem:v51+s13+$0x0], $0xffff  }
0x20e: {  	v53 =	vor.u32 v26, v47;
	_ =	sdelay $0x3  }
0x20f: {  	[tilespmem:v52+s22+$0x0] =	vst.idx.msk $0xffff, v38  }
0x210: {  	v54 =	vor.u32 v5, v41;
	v38 =	vld.idx.msk [tilespmem:v53+s13+$0x0], $0xffff  }
0x211: {  	v37 =	vor.u32 v27, v47  }
0x212: {  	s3 =	ssub.s32 s6, s7  }
0x213: {  	v55 =	vmov s3  }
0x214: {  	v40 =	vand.u32 $0x7F, v55  }
0x215: {  	v56 =	vbroadcast v40, $0x0;
	[tilespmem:v54+s22+$0x0] =	vst.idx.msk $0xffff, v38  }
0x216: {  	v57 =	vor.u32 v7, v41;
	v37 =	vld.idx.msk [tilespmem:v37+s13+$0x0], $0xffff  }
0x217: {  	s5 =	sadd.s32 $0xFFFFFFF7, s24;
	v40 =	vor.u32 v28, v56  }
0x218: {  	v58 =	vmov s5  }
0x219: {  	v41 =	vand.u32 $0x76, v58  }
0x21a: {  	v41 =	vbroadcast v41, $0x0  }
0x21b: {  	[tilespmem:v57+s22+$0x0] =	vst.idx.msk $0xffff, v37  }
0x21c: {  	v59 =	vor.u32 v0, v41;
	v37 =	vld.idx.msk [tilespmem:v40+s13+$0x0], $0xffff  }
0x21d: {  	v60 =	vor.u32 v29, v56;
	_ =	sdelay $0x3  }
0x21e: {  	[tilespmem:v59+s22+$0x0] =	vst.idx.msk $0xffff, v37  }
0x21f: {  	v61 =	vor.u32 v3, v41;
	v37 =	vld.idx.msk [tilespmem:v60+s13+$0x0], $0xffff  }
0x220: {  	v62 =	vor.u32 v30, v56;
	_ =	sdelay $0x3  }
0x221: {  	[tilespmem:v61+s22+$0x0] =	vst.idx.msk $0xffff, v37  }
0x222: {  	v63 =	vor.u32 v5, v41;
	v37 =	vld.idx.msk [tilespmem:v62+s13+$0x0], $0xffff  }
0x223: {  	v38 =	vor.u32 v31, v56  }
0x224: {  	s6 =	ssub.s32 s8, s9  }
0x225: {  	v44 =	vmov s6  }
0x226: {  	v40 =	vand.u32 $0x7F, v44  }
0x227: {  	v45 =	vbroadcast v40, $0x0;
	[tilespmem:v63+s22+$0x0] =	vst.idx.msk $0xffff, v37  }
0x228: {  	v46 =	vor.u32 v7, v41;
	v38 =	vld.idx.msk [tilespmem:v38+s13+$0x0], $0xffff  }
0x229: {  	s7 =	sadd.s32 $0xFFFFFFF8, s24;
	v40 =	vor.u32 v32, v45  }
0x22a: {  	(v2sf) =	vpush v36, $0x8;
	v47 =	vmov s7  }
0x22b: {  	v41 =	vand.u32 $0x77, v47  }
0x22c: {  	v41 =	vbroadcast v41, $0x0  }
0x22d: {  	[tilespmem:v46+s22+$0x0] =	vst.idx.msk $0xffff, v38  }
0x22e: {  	v48 =	vor.u32 v0, v41;
	v38 =	vld.idx.msk [tilespmem:v40+s13+$0x0], $0xffff  }
0x22f: {  	v49 =	vor.u32 v33, v45;
	_ =	sdelay $0x3  }
0x230: {  	[tilespmem:v48+s22+$0x0] =	vst.idx.msk $0xffff, v38  }
0x231: {  	v50 =	vor.u32 v3, v41;
	v38 =	vld.idx.msk [tilespmem:v49+s13+$0x0], $0xffff  }
0x232: {  	v51 =	vor.u32 v34, v45;
	_ =	sdelay $0x3  }
0x233: {  	s25 =	spop (v2sf);
	[tilespmem:v50+s22+$0x0] =	vst.idx.msk $0xffff, v38  }
0x234: {  	s8 =	sshra.s32 s25, $0x1F;
	v52 =	vor.u32 v5, v41;
	v38 =	vld.idx.msk [tilespmem:v51+s13+$0x0], $0xffff  }
0x235: {  	s0 =	sshrl.u32 s8, $0x19;
	v37 =	vor.u32 v35, v45  }
0x236: {  	s0 =	sadd.s32 s0, s25  }
0x237: {  	s9 =	sand.u32 $0xFFFFFF80, s0  }
0x238: {  	p3 =	slt.s32 s25, $0x1;
	p4 =	sne.s32 s25, s9  }
0x239: {  	p0 =	por !p3, !p4;
	[tilespmem:v52+s22+$0x0] =	vst.idx.msk $0xffff, v38  }
0x23a: {  	p0 =	por !p0, !p0;
	s2 =	simm.s32 $0x1;
	v53 =	vor.u32 v7, v41;
	v37 =	vld.idx.msk [tilespmem:v37+s13+$0x0], $0xffff  }
0x23b: {  	s0 =	sshrl.u32 s0, $0x7;
	s2 =	simm.s32 @!p0 $0x0  }
0x23c: {  	s0 =	ssub.s32 s0, s2  }
0x23d: {  	s0 =	sshll.u32 s0, $0x7  }
0x23e: {  	(v2sf) =	vpush v36, $0x9;
	s0 =	sand.u32 $0x1FFFFF80, s0  }
0x23f: {  	s0 =	sadd.s32 s1, s0;
	[tilespmem:v53+s22+$0x0] =	vst.idx.msk $0xffff, v37  }
0x240: {  	[tilespmem:s13], [sflag:$0x2] =	stream.linear.gather [hbm4b:s0+s4], $0x400, $0x38;
	[tilespmem:$0x16100] =	vst v63  }
0x241: {  	s14 =	simm.s32 $0x6100;
	s10 =	sadd.s32 $0xF4280, s0  }
0x242: {  	[tilespmem:s14], [sflag:$0x2] =	stream.linear.gather [hbm4b:s10+s4], $0x400, $0x38;
	[tilespmem:$0x16100] =	vst v63  }
0x243: {  	s11 =	sadd.s32 $0x1E8500, s0;
	s14 =	simm.s32 $0x8100  }
0x244: {  	[tilespmem:s14], [sflag:$0x2] =	stream.linear.gather [hbm4b:s11+s4], $0x400, $0x38;
	[tilespmem:$0x16100] =	vst v63  }
0x245: {  	s15 =	simm.s32 $0xA100;
	s12 =	sadd.s32 $0x2DC780, s0  }
0x246: {  	[tilespmem:s15], [sflag:$0x2] =	stream.linear.gather [hbm4b:s12+s4], $0x400, $0x38;
	[tilespmem:$0x16100] =	vst v63  }
0x247: {  	s20 =	sadd.s32 $0x3D0A00, s0;
	s15 =	simm.s32 $0xC100  }
0x248: {  	[tilespmem:s15], [sflag:$0x2] =	stream.linear.gather [hbm4b:s20+s4], $0x400, $0x38;
	[tilespmem:$0x16100] =	vst v63  }
0x249: {  	s16 =	simm.s32 $0xE100;
	s23 =	sadd.s32 $0x4C4C80, s0  }
0x24a: {  	[tilespmem:s16], [sflag:$0x2] =	stream.linear.gather [hbm4b:s23+s4], $0x400, $0x38;
	[tilespmem:$0x16100] =	vst v63  }
0x24b: {  	s26 =	sadd.s32 $0x5B8F00, s0;
	s16 =	simm.s32 $0x10100  }
0x24c: {  	[tilespmem:s16], [sflag:$0x2] =	stream.linear.gather [hbm4b:s26+s4], $0x400, $0x38;
	[tilespmem:$0x16100] =	vst v63  }
0x24d: {  	s26 =	spop (v2sf)  }
0x24e: {  	s17 =	simm.s32 $0x12100;
	s0 =	sadd.s32 $0x6AD180, s0;
	s28 =	sshra.s32 s26, $0x1F  }
0x24f: {  	[tilespmem:s17], [sflag:$0x2] =	stream.linear.gather [hbm4b:s0+s4], $0x400, $0x38;
	[tilespmem:$0x16100] =	vst v63  }
0x250: {  	s0 =	sshrl.u32 s28, $0x19  }
0x251: {  	s0 =	sadd.s32 s0, s26  }
0x252: {  	s28 =	sand.u32 $0xFFFFFF80, s0  }
0x253: {  	p5 =	slt.s32 s26, $0x1;
	p6 =	sne.s32 s26, s28  }
0x254: {  	p0 =	por !p5, !p6  }
0x255: {  	s2 =	simm.s32 $0x1;
	p0 =	por !p0, !p0  }
0x256: {  	s0 =	sshrl.u32 s0, $0x7;
	s2 =	simm.s32 @!p0 $0x0  }
0x257: {  	(v2sf) =	vpush v36, $0xA;
	s0 =	ssub.s32 s0, s2  }
0x258: {  	s0 =	sshll.u32 s0, $0x7  }
0x259: {  	s0 =	sand.u32 $0x1FFFFF80, s0  }
0x25a: {  	s17 =	simm.s32 $0x4500;
	s0 =	sadd.s32 s1, s0  }
0x25b: {  	[tilespmem:s17], [sflag:$0x2] =	stream.linear.gather [hbm4b:s0+s4], $0x400, $0x38;
	[tilespmem:$0x16100] =	vst v63  }
0x25c: {  	s18 =	simm.s32 $0x6500;
	s29 =	sadd.s32 $0xF4280, s0  }
0x25d: {  	[tilespmem:s18], [sflag:$0x2] =	stream.linear.gather [hbm4b:s29+s4], $0x400, $0x38;
	[tilespmem:$0x16100] =	vst v63  }
0x25e: {  	s30 =	sadd.s32 $0x1E8500, s0;
	s18 =	simm.s32 $0x8500  }
0x25f: {  	[tilespmem:s18], [sflag:$0x2] =	stream.linear.gather [hbm4b:s30+s4], $0x400, $0x38;
	[tilespmem:$0x16100] =	vst v63  }
0x260: {  	s19 =	simm.s32 $0xA500;
	s3 =	sadd.s32 $0x2DC780, s0  }
0x261: {  	[tilespmem:s19], [sflag:$0x2] =	stream.linear.gather [hbm4b:s3+s4], $0x400, $0x38;
	[tilespmem:$0x16100] =	vst v63  }
0x262: {  	s5 =	sadd.s32 $0x3D0A00, s0;
	s19 =	simm.s32 $0xC500  }
0x263: {  	[tilespmem:s19], [sflag:$0x2] =	stream.linear.gather [hbm4b:s5+s4], $0x400, $0x38;
	[tilespmem:$0x16100] =	vst v63  }
0x264: {  	s7 =	simm.s32 $0xE500;
	s6 =	sadd.s32 $0x4C4C80, s0  }
0x265: {  	[tilespmem:s7], [sflag:$0x2] =	stream.linear.gather [hbm4b:s6+s4], $0x400, $0x38;
	[tilespmem:$0x16100] =	vst v63  }
0x266: {  	s20 =	simm.s32 $0x10500;
	s8 =	sadd.s32 $0x5B8F00, s0;
	s29 =	spop (v2sf)  }
0x267: {  	[tilespmem:s20], [sflag:$0x2] =	stream.linear.gather [hbm4b:s8+s4], $0x400, $0x38;
	[tilespmem:$0x16100] =	vst v63  }
0x268: {  	s9 =	simm.s32 $0x12500;
	s0 =	sadd.s32 $0x6AD180, s0;
	s10 =	sshra.s32 s29, $0x1F  }
0x269: {  	[tilespmem:s9], [sflag:$0x2] =	stream.linear.gather [hbm4b:s0+s4], $0x400, $0x38;
	[tilespmem:$0x16100] =	vst v63  }
0x26a: {  	s0 =	sshrl.u32 s10, $0x19  }
0x26b: {  	s0 =	sadd.s32 s0, s29  }
0x26c: {  	s30 =	sand.u32 $0xFFFFFF80, s0  }
0x26d: {  	p1 =	slt.s32 s29, $0x1;
	p2 =	sne.s32 s29, s30  }
0x26e: {  	p0 =	por !p1, !p2  }
0x26f: {  	s2 =	simm.s32 $0x1;
	p0 =	por !p0, !p0  }
0x270: {  	s0 =	sshrl.u32 s0, $0x7;
	s2 =	simm.s32 @!p0 $0x0  }
0x271: {  	(v2sf) =	vpush v36, $0xB;
	s0 =	ssub.s32 s0, s2  }
0x272: {  	s0 =	sshll.u32 s0, $0x7  }
0x273: {  	s0 =	sand.u32 $0x1FFFFF80, s0  }
0x274: {  	s11 =	simm.s32 $0x4900;
	s0 =	sadd.s32 s1, s0  }
0x275: {  	[tilespmem:s11], [sflag:$0x2] =	stream.linear.gather [hbm4b:s0+s4], $0x400, $0x38;
	[tilespmem:$0x16100] =	vst v63  }
0x276: {  	s23 =	simm.s32 $0x6900;
	s12 =	sadd.s32 $0xF4280, s0  }
0x277: {  	[tilespmem:s23], [sflag:$0x2] =	stream.linear.gather [hbm4b:s12+s4], $0x400, $0x38;
	[tilespmem:$0x16100] =	vst v63  }
0x278: {  	s5 =	simm.s32 $0x8900;
	s3 =	sadd.s32 $0x1E8500, s0  }
0x279: {  	[tilespmem:s5], [sflag:$0x2] =	stream.linear.gather [hbm4b:s3+s4], $0x400, $0x38;
	[tilespmem:$0x16100] =	vst v63  }
0x27a: {  	s7 =	simm.s32 $0xA900;
	s6 =	sadd.s32 $0x2DC780, s0  }
0x27b: {  	[tilespmem:s7], [sflag:$0x2] =	stream.linear.gather [hbm4b:s6+s4], $0x400, $0x38;
	[tilespmem:$0x16100] =	vst v63  }
0x27c: {  	s9 =	simm.s32 $0xC900;
	s8 =	sadd.s32 $0x3D0A00, s0  }
0x27d: {  	[tilespmem:s9], [sflag:$0x2] =	stream.linear.gather [hbm4b:s8+s4], $0x400, $0x38;
	[tilespmem:$0x16100] =	vst v63  }
0x27e: {  	s10 =	sadd.s32 $0x4C4C80, s0;
	s11 =	simm.s32 $0xE900  }
0x27f: {  	[tilespmem:s11], [sflag:$0x2] =	stream.linear.gather [hbm4b:s10+s4], $0x400, $0x38;
	[tilespmem:$0x16100] =	vst v63  }
0x280: {  	s31 =	spop (v2sf);
	s12 =	sadd.s32 $0x5B8F00, s0;
	s23 =	simm.s32 $0x10900  }
0x281: {  	[tilespmem:s23], [sflag:$0x2] =	stream.linear.gather [hbm4b:s12+s4], $0x400, $0x38;
	[tilespmem:$0x16100] =	vst v63  }
0x282: {  	s0 =	sadd.s32 $0x6AD180, s0;
	s5 =	simm.s32 $0x12900;
	s6 =	sshra.s32 s31, $0x1F  }
0x283: {  	[tilespmem:s5], [sflag:$0x2] =	stream.linear.gather [hbm4b:s0+s4], $0x400, $0x38;
	[tilespmem:$0x16100] =	vst v63  }
0x284: {  	s0 =	sshrl.u32 s6, $0x19  }
0x285: {  	s0 =	sadd.s32 s0, s31  }
0x286: {  	s2 =	sand.u32 $0xFFFFFF80, s0  }
0x287: {  	p3 =	slt.s32 s31, $0x1;
	p4 =	sne.s32 s31, s2  }
0x288: {  	p0 =	por !p3, !p4  }
0x289: {  	s3 =	simm.s32 $0x1;
	p0 =	por !p0, !p0  }
0x28a: {  	s0 =	sshrl.u32 s0, $0x7;
	s3 =	simm.s32 @!p0 $0x0  }
0x28b: {  	(v2sf) =	vpush v36, $0xC;
	s0 =	ssub.s32 s0, s3  }
0x28c: {  	s0 =	sshll.u32 s0, $0x7  }
0x28d: {  	s0 =	sand.u32 $0x1FFFFF80, s0  }
0x28e: {  	s7 =	simm.s32 $0x4D00;
	s0 =	sadd.s32 s1, s0  }
0x28f: {  	[tilespmem:s7], [sflag:$0x2] =	stream.linear.gather [hbm4b:s0+s4], $0x400, $0x38;
	[tilespmem:$0x16100] =	vst v63  }
0x290: {  	s9 =	simm.s32 $0x6D00;
	s8 =	sadd.s32 $0xF4280, s0  }
0x291: {  	[tilespmem:s9], [sflag:$0x2] =	stream.linear.gather [hbm4b:s8+s4], $0x400, $0x38;
	[tilespmem:$0x16100] =	vst v63  }
0x292: {  	s11 =	simm.s32 $0x8D00;
	s10 =	sadd.s32 $0x1E8500, s0  }
0x293: {  	[tilespmem:s11], [sflag:$0x2] =	stream.linear.gather [hbm4b:s10+s4], $0x400, $0x38;
	[tilespmem:$0x16100] =	vst v63  }
0x294: {  	s23 =	simm.s32 $0xAD00;
	s12 =	sadd.s32 $0x2DC780, s0  }
0x295: {  	[tilespmem:s23], [sflag:$0x2] =	stream.linear.gather [hbm4b:s12+s4], $0x400, $0x38;
	[tilespmem:$0x16100] =	vst v63  }
0x296: {  	s6 =	simm.s32 $0xCD00;
	s5 =	sadd.s32 $0x3D0A00, s0  }
0x297: {  	[tilespmem:s6], [sflag:$0x2] =	stream.linear.gather [hbm4b:s5+s4], $0x400, $0x38;
	[tilespmem:$0x16100] =	vst v63  }
0x298: {  	s7 =	sadd.s32 $0x4C4C80, s0;
	s8 =	simm.s32 $0xED00  }
0x299: {  	[tilespmem:s8], [sflag:$0x2] =	stream.linear.gather [hbm4b:s7+s4], $0x400, $0x38;
	[tilespmem:$0x16100] =	vst v63  }
0x29a: {  	s3 =	spop (v2sf);
	s9 =	sadd.s32 $0x5B8F00, s0;
	s10 =	simm.s32 $0x10D00  }
0x29b: {  	[tilespmem:s10], [sflag:$0x2] =	stream.linear.gather [hbm4b:s9+s4], $0x400, $0x38;
	[tilespmem:$0x16100] =	vst v63  }
0x29c: {  	s0 =	sadd.s32 $0x6AD180, s0;
	s11 =	simm.s32 $0x12D00;
	s12 =	sshra.s32 s3, $0x1F  }
0x29d: {  	[tilespmem:s11], [sflag:$0x2] =	stream.linear.gather [hbm4b:s0+s4], $0x400, $0x38;
	[tilespmem:$0x16100] =	vst v63  }
0x29e: {  	s0 =	sshrl.u32 s12, $0x19  }
0x29f: {  	s23 =	sadd.s32 s0, s3  }
0x2a0: {  	s0 =	sand.u32 $0xFFFFFF80, s23  }
0x2a1: {  	p5 =	slt.s32 s3, $0x1;
	p6 =	sne.s32 s3, s0  }
0x2a2: {  	p0 =	por !p5, !p6  }
0x2a3: {  	s6 =	simm.s32 $0x1;
	p0 =	por !p0, !p0  }
0x2a4: {  	s5 =	sshrl.u32 s23, $0x7;
	s6 =	simm.s32 @!p0 $0x0  }
0x2a5: {  	(v2sf) =	vpush v36, $0xD;
	s5 =	ssub.s32 s5, s6  }
0x2a6: {  	s5 =	sshll.u32 s5, $0x7  }
0x2a7: {  	s5 =	sand.u32 $0x1FFFFF80, s5  }
0x2a8: {  	s7 =	simm.s32 $0x5100;
	s5 =	sadd.s32 s1, s5  }
0x2a9: {  	[tilespmem:s7], [sflag:$0x2] =	stream.linear.gather [hbm4b:s5+s4], $0x400, $0x38;
	[tilespmem:$0x16100] =	vst v63  }
0x2aa: {  	s9 =	simm.s32 $0x7100;
	s8 =	sadd.s32 $0xF4280, s5  }
0x2ab: {  	[tilespmem:s9], [sflag:$0x2] =	stream.linear.gather [hbm4b:s8+s4], $0x400, $0x38;
	[tilespmem:$0x16100] =	vst v63  }
0x2ac: {  	s11 =	simm.s32 $0x9100;
	s10 =	sadd.s32 $0x1E8500, s5  }
0x2ad: {  	[tilespmem:s11], [sflag:$0x2] =	stream.linear.gather [hbm4b:s10+s4], $0x400, $0x38;
	[tilespmem:$0x16100] =	vst v63  }
0x2ae: {  	s23 =	simm.s32 $0xB100;
	s12 =	sadd.s32 $0x2DC780, s5  }
0x2af: {  	[tilespmem:s23], [sflag:$0x2] =	stream.linear.gather [hbm4b:s12+s4], $0x400, $0x38;
	[tilespmem:$0x16100] =	vst v63  }
0x2b0: {  	s8 =	sadd.s32 $0x3D0A00, s5;
	s9 =	simm.s32 $0xD100  }
0x2b1: {  	[tilespmem:s9], [sflag:$0x2] =	stream.linear.gather [hbm4b:s8+s4], $0x400, $0x38;
	[tilespmem:$0x16100] =	vst v63  }
0x2b2: {  	s10 =	sadd.s32 $0x4C4C80, s5;
	s11 =	simm.s32 $0xF100  }
0x2b3: {  	[tilespmem:s11], [sflag:$0x2] =	stream.linear.gather [hbm4b:s10+s4], $0x400, $0x38;
	[tilespmem:$0x16100] =	vst v63  }
0x2b4: {  	s12 =	sadd.s32 $0x5B8F00, s5;
	s23 =	simm.s32 $0x11100;
	s11 =	spop (v2sf)  }
0x2b5: {  	[tilespmem:s23], [sflag:$0x2] =	stream.linear.gather [hbm4b:s12+s4], $0x400, $0x38;
	[tilespmem:$0x16100] =	vst v63  }
0x2b6: {  	s7 =	simm.s32 $0x13100;
	s5 =	sadd.s32 $0x6AD180, s5;
	s8 =	sshra.s32 s11, $0x1F  }
0x2b7: {  	[tilespmem:s7], [sflag:$0x2] =	stream.linear.gather [hbm4b:s5+s4], $0x400, $0x38;
	[tilespmem:$0x16100] =	vst v63  }
0x2b8: {  	s5 =	sshrl.u32 s8, $0x19  }
0x2b9: {  	s9 =	sadd.s32 s5, s11  }
0x2ba: {  	s5 =	sand.u32 $0xFFFFFF80, s9  }
0x2bb: {  	p1 =	slt.s32 s11, $0x1;
	p2 =	sne.s32 s11, s5  }
0x2bc: {  	p0 =	por !p1, !p2  }
0x2bd: {  	s7 =	simm.s32 $0x1;
	p0 =	por !p0, !p0  }
0x2be: {  	s6 =	sshrl.u32 s9, $0x7;
	s7 =	simm.s32 @!p0 $0x0  }
0x2bf: {  	s6 =	ssub.s32 s6, s7  }
0x2c0: {  	s6 =	sshll.u32 s6, $0x7  }
0x2c1: {  	s6 =	sand.u32 $0x1FFFFF80, s6  }
0x2c2: {  	s10 =	simm.s32 $0x5500;
	s6 =	sadd.s32 s1, s6  }
0x2c3: {  	(v2sf) =	vpush v36, $0xE;
	[tilespmem:s10], [sflag:$0x2] =	stream.linear.gather [hbm4b:s6+s4], $0x400, $0x38;
	[tilespmem:$0x16100] =	vst v63  }
0x2c4: {  	s23 =	simm.s32 $0x7500;
	s12 =	sadd.s32 $0xF4280, s6  }
0x2c5: {  	[tilespmem:s23], [sflag:$0x2] =	stream.linear.gather [hbm4b:s12+s4], $0x400, $0x38;
	[tilespmem:$0x16100] =	vst v63  }
0x2c6: {  	s9 =	sadd.s32 $0x1E8500, s6;
	s10 =	simm.s32 $0x9500  }
0x2c7: {  	[tilespmem:s10], [sflag:$0x2] =	stream.linear.gather [hbm4b:s9+s4], $0x400, $0x38;
	[tilespmem:$0x16100] =	vst v63  }
0x2c8: {  	s12 =	sadd.s32 $0x2DC780, s6;
	s23 =	simm.s32 $0xB500  }
0x2c9: {  	[tilespmem:s23], [sflag:$0x2] =	stream.linear.gather [hbm4b:s12+s4], $0x400, $0x38;
	[tilespmem:$0x16100] =	vst v63  }
0x2ca: {  	s9 =	sadd.s32 $0x3D0A00, s6;
	s10 =	simm.s32 $0xD500  }
0x2cb: {  	[tilespmem:s10], [sflag:$0x2] =	stream.linear.gather [hbm4b:s9+s4], $0x400, $0x38;
	[tilespmem:$0x16100] =	vst v63  }
0x2cc: {  	s12 =	sadd.s32 $0x4C4C80, s6;
	s23 =	simm.s32 $0xF500  }
0x2cd: {  	[tilespmem:s23], [sflag:$0x2] =	stream.linear.gather [hbm4b:s12+s4], $0x400, $0x38;
	[tilespmem:$0x16100] =	vst v63  }
0x2ce: {  	s8 =	sadd.s32 $0x5B8F00, s6;
	s9 =	simm.s32 $0x11500  }
0x2cf: {  	[tilespmem:s9], [sflag:$0x2] =	stream.linear.gather [hbm4b:s8+s4], $0x400, $0x38;
	[tilespmem:$0x16100] =	vst v63  }
0x2d0: {  	s6 =	sadd.s32 $0x6AD180, s6;
	s10 =	simm.s32 $0x13500  }
0x2d1: {  	[tilespmem:s10], [sflag:$0x2] =	stream.linear.gather [hbm4b:s6+s4], $0x400, $0x38;
	[tilespmem:$0x16100] =	vst v63  }
0x2d2: {  	s6 =	spop (v2sf)  }
0x2d3: {  	s12 =	sshra.s32 s6, $0x1F  }
0x2d4: {  	s7 =	sshrl.u32 s12, $0x19  }
0x2d5: {  	s23 =	sadd.s32 s7, s6  }
0x2d6: {  	s7 =	sand.u32 $0xFFFFFF80, s23  }
0x2d7: {  	p3 =	slt.s32 s6, $0x1;
	p4 =	sne.s32 s6, s7  }
0x2d8: {  	p0 =	por !p3, !p4  }
0x2d9: {  	s9 =	simm.s32 $0x1;
	p0 =	por !p0, !p0  }
0x2da: {  	s8 =	sshrl.u32 s23, $0x7;
	s9 =	simm.s32 @!p0 $0x0  }
0x2db: {  	s8 =	ssub.s32 s8, s9  }
0x2dc: {  	s8 =	sshll.u32 s8, $0x7  }
0x2dd: {  	s8 =	sand.u32 $0x1FFFFF80, s8  }
0x2de: {  	s10 =	simm.s32 $0x5900;
	s8 =	sadd.s32 s1, s8  }
0x2df: {  	(v2sf) =	vpush v36, $0xF;
	[tilespmem:s10], [sflag:$0x2] =	stream.linear.gather [hbm4b:s8+s4], $0x400, $0x38;
	[tilespmem:$0x16100] =	vst v63  }
0x2e0: {  	s23 =	simm.s32 $0x7900;
	s12 =	sadd.s32 $0xF4280, s8  }
0x2e1: {  	[tilespmem:s23], [sflag:$0x2] =	stream.linear.gather [hbm4b:s12+s4], $0x400, $0x38;
	[tilespmem:$0x16100] =	vst v63  }
0x2e2: {  	s12 =	sadd.s32 $0x1E8500, s8;
	s23 =	simm.s32 $0x9900  }
0x2e3: {  	[tilespmem:s23], [sflag:$0x2] =	stream.linear.gather [hbm4b:s12+s4], $0x400, $0x38;
	[tilespmem:$0x16100] =	vst v63  }
0x2e4: {  	s12 =	sadd.s32 $0x2DC780, s8;
	s23 =	simm.s32 $0xB900  }
0x2e5: {  	[tilespmem:s23], [sflag:$0x2] =	stream.linear.gather [hbm4b:s12+s4], $0x400, $0x38;
	[tilespmem:$0x16100] =	vst v63  }
0x2e6: {  	s12 =	sadd.s32 $0x3D0A00, s8;
	s23 =	simm.s32 $0xD900  }
0x2e7: {  	[tilespmem:s23], [sflag:$0x2] =	stream.linear.gather [hbm4b:s12+s4], $0x400, $0x38;
	[tilespmem:$0x16100] =	vst v63  }
0x2e8: {  	s12 =	sadd.s32 $0x4C4C80, s8;
	s23 =	simm.s32 $0xF900  }
0x2e9: {  	[tilespmem:s23], [sflag:$0x2] =	stream.linear.gather [hbm4b:s12+s4], $0x400, $0x38;
	[tilespmem:$0x16100] =	vst v63  }
0x2ea: {  	s12 =	sadd.s32 $0x5B8F00, s8;
	s23 =	simm.s32 $0x11900  }
0x2eb: {  	[tilespmem:s23], [sflag:$0x2] =	stream.linear.gather [hbm4b:s12+s4], $0x400, $0x38;
	[tilespmem:$0x16100] =	vst v63  }
0x2ec: {  	s10 =	simm.s32 $0x13900;
	s8 =	sadd.s32 $0x6AD180, s8  }
0x2ed: {  	[tilespmem:s10], [sflag:$0x2] =	stream.linear.gather [hbm4b:s8+s4], $0x400, $0x38;
	[tilespmem:$0x16100] =	vst v63  }
0x2ee: {  	s8 =	spop (v2sf)  }
0x2ef: {  	s12 =	sshra.s32 s8, $0x1F  }
0x2f0: {  	s9 =	sshrl.u32 s12, $0x19  }
0x2f1: {  	s23 =	sadd.s32 s9, s8  }
0x2f2: {  	s9 =	sand.u32 $0xFFFFFF80, s23  }
0x2f3: {  	p5 =	slt.s32 s8, $0x1;
	p6 =	sne.s32 s8, s9  }
0x2f4: {  	p0 =	por !p5, !p6  }
0x2f5: {  	s12 =	simm.s32 $0x1;
	p0 =	por !p0, !p0  }
0x2f6: {  	s10 =	sshrl.u32 s23, $0x7;
	s12 =	simm.s32 @!p0 $0x0  }
0x2f7: {  	s10 =	ssub.s32 s10, s12  }
0x2f8: {  	s10 =	sshll.u32 s10, $0x7  }
0x2f9: {  	s10 =	sand.u32 $0x1FFFFF80, s10  }
0x2fa: {  	s23 =	simm.s32 $0x5D00;
	s10 =	sadd.s32 s1, s10  }
0x2fb: {  	[tilespmem:s23], [sflag:$0x2] =	stream.linear.gather [hbm4b:s10+s4], $0x400, $0x38;
	[tilespmem:$0x16100] =	vst v63  }
0x2fc: {  	s12 =	sadd.s32 $0xF4280, s10;
	s23 =	smov.u32 s1;
	s1 =	simm.s32 $0x7D00  }
0x2fd: {  	[tilespmem:s1], [sflag:$0x2] =	stream.linear.gather [hbm4b:s12+s4], $0x400, $0x38;
	[tilespmem:$0x16100] =	vst v63  }
0x2fe: {  	s1 =	smov.u32 s23;
	s12 =	sadd.s32 $0x1E8500, s10;
	s23 =	simm.s32 $0x9D00  }
0x2ff: {  	[tilespmem:s23], [sflag:$0x2] =	stream.linear.gather [hbm4b:s12+s4], $0x400, $0x38;
	[tilespmem:$0x16100] =	vst v63  }
0x300: {  	s12 =	sadd.s32 $0x2DC780, s10;
	s23 =	simm.s32 $0xBD00  }
0x301: {  	[tilespmem:s23], [sflag:$0x2] =	stream.linear.gather [hbm4b:s12+s4], $0x400, $0x38;
	[tilespmem:$0x16100] =	vst v63  }
0x302: {  	s12 =	sadd.s32 $0x3D0A00, s10;
	s23 =	simm.s32 $0xDD00  }
0x303: {  	[tilespmem:s23], [sflag:$0x2] =	stream.linear.gather [hbm4b:s12+s4], $0x400, $0x38;
	[tilespmem:$0x16100] =	vst v63  }
0x304: {  	s12 =	sadd.s32 $0x4C4C80, s10;
	s23 =	simm.s32 $0xFD00  }
0x305: {  	[tilespmem:s23], [sflag:$0x2] =	stream.linear.gather [hbm4b:s12+s4], $0x400, $0x38;
	[tilespmem:$0x16100] =	vst v63  }
0x306: {  	s12 =	sadd.s32 $0x5B8F00, s10;
	s23 =	simm.s32 $0x11D00  }
0x307: {  	[tilespmem:s23], [sflag:$0x2] =	stream.linear.gather [hbm4b:s12+s4], $0x400, $0x38;
	[tilespmem:$0x16100] =	vst v63  }
0x308: {  	s10 =	sadd.s32 $0x6AD180, s10;
	s23 =	simm.s32 $0x13D00  }
0x309: {  	[tilespmem:s23], [sflag:$0x2] =	stream.linear.gather [hbm4b:s10+s4], $0x400, $0x38;
	[tilespmem:$0x16100] =	vst v63  }
0x30a: {  	_ =	swait.ge [sflag:s21], $0x2000  }
0x30b: {  	[sflag:s21] =	ssyncset.done $0x0  }
0x30c: {  	[sflag:s21] =	ssyncadd.s32 $0xFFFFE000  }
0x30d: {  	_ =	swait.ge [sflag:s21], $0x2000  }
0x30e: {  	[sflag:s21] =	ssyncset.done $0x0  }
0x30f: {  	[sflag:s21] =	ssyncadd.s32 $0xFFFFE000  }
0x310: {  	_ =	swait.ge [sflag:s21], $0x2000  }
0x311: {  	[sflag:s21] =	ssyncset.done $0x0  }
0x312: {  	[sflag:s21] =	ssyncadd.s32 $0xFFFFE000  }
0x313: {  	_ =	swait.ge [sflag:s21], $0x2000  }
0x314: {  	[sflag:s21] =	ssyncset.done $0x0  }
0x315: {  	[sflag:s21] =	ssyncadd.s32 $0xFFFFE000  }
0x316: {  	_ =	swait.ge [sflag:s21], $0x2000  }
0x317: {  	[sflag:s21] =	ssyncset.done $0x0  }
0x318: {  	[sflag:s21] =	ssyncadd.s32 $0xFFFFE000  }
0x319: {  	_ =	swait.ge [sflag:s21], $0x2000  }
0x31a: {  	[sflag:s21] =	ssyncset.done $0x0  }
0x31b: {  	[sflag:s21] =	ssyncadd.s32 $0xFFFFE000  }
0x31c: {  	s25 =	sand.u32 $0x7F, s25;
	_ =	swait.ge [sflag:s21], $0x2000  }
0x31d: {  	v54 =	vor.u32 s25, v1;
	s23 =	sadd.s32 $0xFFFFFFF9, s24;
	[sflag:s21] =	ssyncset.done $0x0  }
0x31e: {  	v55 =	vmov s23;
	[sflag:s21] =	ssyncadd.s32 $0xFFFFE000  }
0x31f: {  	v37 =	vand.u32 $0x78, v55;
	_ =	swait.ge [sflag:s21], $0x2000  }
0x320: {  	v37 =	vbroadcast v37, $0x0;
	[sflag:s21] =	ssyncset.done $0x0  }
0x321: {  	[sflag:s21] =	ssyncadd.s32 $0xFFFFE000  }
0x322: {  	v56 =	vor.u32 v0, v37;
	v36 =	vld.idx.msk [tilespmem:v54+s13+$0x0], $0xffff  }
0x323: {  	v57 =	vor.u32 s25, v2;
	_ =	sdelay $0x3  }
0x324: {  	[tilespmem:v56+s22+$0x0] =	vst.idx.msk $0xffff, v36  }
0x325: {  	v58 =	vor.u32 v3, v37;
	v36 =	vld.idx.msk [tilespmem:v57+s13+$0x0], $0xffff  }
0x326: {  	v59 =	vor.u32 s25, v4;
	_ =	sdelay $0x3  }
0x327: {  	[tilespmem:v58+s22+$0x0] =	vst.idx.msk $0xffff, v36  }
0x328: {  	v60 =	vor.u32 v5, v37;
	v36 =	vld.idx.msk [tilespmem:v59+s13+$0x0], $0xffff  }
0x329: {  	v61 =	vor.u32 s25, v6  }
0x32a: {  	s25 =	ssub.s32 s26, s28  }
0x32b: {  	v62 =	vmov s25  }
0x32c: {  	v40 =	vand.u32 $0x7F, v62  }
0x32d: {  	v63 =	vbroadcast v40, $0x0;
	[tilespmem:v60+s22+$0x0] =	vst.idx.msk $0xffff, v36  }
0x32e: {  	v37 =	vor.u32 v7, v37;
	v38 =	vld.idx.msk [tilespmem:v61+s13+$0x0], $0xffff  }
0x32f: {  	s26 =	sadd.s32 $0xFFFFFFFA, s24;
	v44 =	vor.u32 v8, v63  }
0x330: {  	v45 =	vmov s26  }
0x331: {  	v40 =	vand.u32 $0x79, v45  }
0x332: {  	v40 =	vbroadcast v40, $0x0  }
0x333: {  	[tilespmem:v37+s22+$0x0] =	vst.idx.msk $0xffff, v38  }
0x334: {  	v46 =	vor.u32 v0, v40;
	v37 =	vld.idx.msk [tilespmem:v44+s13+$0x0], $0xffff  }
0x335: {  	v47 =	vor.u32 v9, v63;
	_ =	sdelay $0x3  }
0x336: {  	[tilespmem:v46+s22+$0x0] =	vst.idx.msk $0xffff, v37  }
0x337: {  	v48 =	vor.u32 v3, v40;
	v37 =	vld.idx.msk [tilespmem:v47+s13+$0x0], $0xffff  }
0x338: {  	v49 =	vor.u32 v10, v63;
	_ =	sdelay $0x3  }
0x339: {  	[tilespmem:v48+s22+$0x0] =	vst.idx.msk $0xffff, v37  }
0x33a: {  	v50 =	vor.u32 v5, v40;
	v37 =	vld.idx.msk [tilespmem:v49+s13+$0x0], $0xffff  }
0x33b: {  	v36 =	vor.u32 v11, v63  }
0x33c: {  	s28 =	ssub.s32 s29, s30  }
0x33d: {  	v51 =	vmov s28  }
0x33e: {  	v39 =	vand.u32 $0x7F, v51  }
0x33f: {  	v52 =	vbroadcast v39, $0x0;
	[tilespmem:v50+s22+$0x0] =	vst.idx.msk $0xffff, v37  }
0x340: {  	v53 =	vor.u32 v7, v40;
	v36 =	vld.idx.msk [tilespmem:v36+s13+$0x0], $0xffff  }
0x341: {  	s29 =	sadd.s32 $0xFFFFFFFB, s24;
	v39 =	vor.u32 v12, v52  }
0x342: {  	v54 =	vmov s29  }
0x343: {  	v40 =	vand.u32 $0x7A, v54  }
0x344: {  	v40 =	vbroadcast v40, $0x0  }
0x345: {  	[tilespmem:v53+s22+$0x0] =	vst.idx.msk $0xffff, v36  }
0x346: {  	v55 =	vor.u32 v0, v40;
	v36 =	vld.idx.msk [tilespmem:v39+s13+$0x0], $0xffff  }
0x347: {  	v56 =	vor.u32 v13, v52;
	_ =	sdelay $0x3  }
0x348: {  	[tilespmem:v55+s22+$0x0] =	vst.idx.msk $0xffff, v36  }
0x349: {  	v57 =	vor.u32 v3, v40;
	v36 =	vld.idx.msk [tilespmem:v56+s13+$0x0], $0xffff  }
0x34a: {  	v58 =	vor.u32 v14, v52;
	_ =	sdelay $0x3  }
0x34b: {  	[tilespmem:v57+s22+$0x0] =	vst.idx.msk $0xffff, v36  }
0x34c: {  	v59 =	vor.u32 v5, v40;
	v36 =	vld.idx.msk [tilespmem:v58+s13+$0x0], $0xffff  }
0x34d: {  	v37 =	vor.u32 v15, v52  }
0x34e: {  	s2 =	ssub.s32 s31, s2  }
0x34f: {  	v60 =	vmov s2  }
0x350: {  	v39 =	vand.u32 $0x7F, v60  }
0x351: {  	v61 =	vbroadcast v39, $0x0;
	[tilespmem:v59+s22+$0x0] =	vst.idx.msk $0xffff, v36  }
0x352: {  	v62 =	vor.u32 v7, v40;
	v37 =	vld.idx.msk [tilespmem:v37+s13+$0x0], $0xffff  }
0x353: {  	s30 =	sadd.s32 $0xFFFFFFFC, s24;
	v39 =	vor.u32 v16, v61  }
0x354: {  	v63 =	vmov s30  }
0x355: {  	v40 =	vand.u32 $0x7B, v63  }
0x356: {  	v40 =	vbroadcast v40, $0x0  }
0x357: {  	[tilespmem:v62+s22+$0x0] =	vst.idx.msk $0xffff, v37  }
0x358: {  	v44 =	vor.u32 v0, v40;
	v37 =	vld.idx.msk [tilespmem:v39+s13+$0x0], $0xffff  }
0x359: {  	v45 =	vor.u32 v17, v61;
	_ =	sdelay $0x3  }
0x35a: {  	[tilespmem:v44+s22+$0x0] =	vst.idx.msk $0xffff, v37  }
0x35b: {  	v46 =	vor.u32 v3, v40;
	v37 =	vld.idx.msk [tilespmem:v45+s13+$0x0], $0xffff  }
0x35c: {  	v47 =	vor.u32 v18, v61;
	_ =	sdelay $0x3  }
0x35d: {  	[tilespmem:v46+s22+$0x0] =	vst.idx.msk $0xffff, v37  }
0x35e: {  	v48 =	vor.u32 v5, v40;
	v37 =	vld.idx.msk [tilespmem:v47+s13+$0x0], $0xffff  }
0x35f: {  	v36 =	vor.u32 v19, v61  }
0x360: {  	s0 =	ssub.s32 s3, s0  }
0x361: {  	v49 =	vmov s0  }
0x362: {  	v39 =	vand.u32 $0x7F, v49  }
0x363: {  	v50 =	vbroadcast v39, $0x0;
	[tilespmem:v48+s22+$0x0] =	vst.idx.msk $0xffff, v37  }
0x364: {  	v51 =	vor.u32 v7, v40;
	v36 =	vld.idx.msk [tilespmem:v36+s13+$0x0], $0xffff  }
0x365: {  	s23 =	sadd.s32 $0xFFFFFFFD, s24;
	v39 =	vor.u32 v20, v50  }
0x366: {  	v52 =	vmov s23  }
0x367: {  	v40 =	vand.u32 $0x7C, v52  }
0x368: {  	v40 =	vbroadcast v40, $0x0  }
0x369: {  	[tilespmem:v51+s22+$0x0] =	vst.idx.msk $0xffff, v36  }
0x36a: {  	v53 =	vor.u32 v0, v40;
	v36 =	vld.idx.msk [tilespmem:v39+s13+$0x0], $0xffff  }
0x36b: {  	v54 =	vor.u32 v21, v50;
	_ =	sdelay $0x3  }
0x36c: {  	[tilespmem:v53+s22+$0x0] =	vst.idx.msk $0xffff, v36  }
0x36d: {  	v55 =	vor.u32 v3, v40;
	v36 =	vld.idx.msk [tilespmem:v54+s13+$0x0], $0xffff  }
0x36e: {  	v56 =	vor.u32 v22, v50;
	_ =	sdelay $0x3  }
0x36f: {  	[tilespmem:v55+s22+$0x0] =	vst.idx.msk $0xffff, v36  }
0x370: {  	v57 =	vor.u32 v5, v40;
	v36 =	vld.idx.msk [tilespmem:v56+s13+$0x0], $0xffff  }
0x371: {  	v37 =	vor.u32 v23, v50  }
0x372: {  	s25 =	ssub.s32 s11, s5  }
0x373: {  	v58 =	vmov s25  }
0x374: {  	v39 =	vand.u32 $0x7F, v58  }
0x375: {  	v59 =	vbroadcast v39, $0x0;
	[tilespmem:v57+s22+$0x0] =	vst.idx.msk $0xffff, v36  }
0x376: {  	v60 =	vor.u32 v7, v40;
	v37 =	vld.idx.msk [tilespmem:v37+s13+$0x0], $0xffff  }
0x377: {  	s26 =	sadd.s32 $0xFFFFFFFE, s24;
	v39 =	vor.u32 v24, v59  }
0x378: {  	v61 =	vmov s26  }
0x379: {  	v40 =	vand.u32 $0x7D, v61  }
0x37a: {  	v40 =	vbroadcast v40, $0x0  }
0x37b: {  	[tilespmem:v60+s22+$0x0] =	vst.idx.msk $0xffff, v37  }
0x37c: {  	v62 =	vor.u32 v0, v40;
	v37 =	vld.idx.msk [tilespmem:v39+s13+$0x0], $0xffff  }
0x37d: {  	v63 =	vor.u32 v25, v59;
	_ =	sdelay $0x3  }
0x37e: {  	[tilespmem:v62+s22+$0x0] =	vst.idx.msk $0xffff, v37  }
0x37f: {  	v42 =	vor.u32 v3, v40;
	v37 =	vld.idx.msk [tilespmem:v63+s13+$0x0], $0xffff  }
0x380: {  	v43 =	vor.u32 v26, v59;
	_ =	sdelay $0x3  }
0x381: {  	[tilespmem:v42+s22+$0x0] =	vst.idx.msk $0xffff, v37  }
0x382: {  	v44 =	vor.u32 v5, v40;
	v37 =	vld.idx.msk [tilespmem:v43+s13+$0x0], $0xffff  }
0x383: {  	v36 =	vor.u32 v27, v59  }
0x384: {  	s28 =	ssub.s32 s6, s7  }
0x385: {  	v45 =	vmov s28  }
0x386: {  	v39 =	vand.u32 $0x7F, v45  }
0x387: {  	v46 =	vbroadcast v39, $0x0;
	[tilespmem:v44+s22+$0x0] =	vst.idx.msk $0xffff, v37  }
0x388: {  	v47 =	vor.u32 v7, v40;
	v36 =	vld.idx.msk [tilespmem:v36+s13+$0x0], $0xffff  }
0x389: {  	s29 =	sadd.s32 $0xFFFFFFFF, s24;
	v39 =	vor.u32 v28, v46  }
0x38a: {  	v48 =	vmov s29  }
0x38b: {  	v40 =	vand.u32 $0x7E, v48  }
0x38c: {  	v40 =	vbroadcast v40, $0x0  }
0x38d: {  	[tilespmem:v47+s22+$0x0] =	vst.idx.msk $0xffff, v36  }
0x38e: {  	v49 =	vor.u32 v0, v40;
	v36 =	vld.idx.msk [tilespmem:v39+s13+$0x0], $0xffff  }
0x38f: {  	v50 =	vor.u32 v29, v46;
	_ =	sdelay $0x3  }
0x390: {  	[tilespmem:v49+s22+$0x0] =	vst.idx.msk $0xffff, v36  }
0x391: {  	v51 =	vor.u32 v3, v40;
	v36 =	vld.idx.msk [tilespmem:v50+s13+$0x0], $0xffff  }
0x392: {  	v52 =	vor.u32 v30, v46;
	_ =	sdelay $0x3  }
0x393: {  	[tilespmem:v51+s22+$0x0] =	vst.idx.msk $0xffff, v36  }
0x394: {  	v53 =	vor.u32 v5, v40;
	v36 =	vld.idx.msk [tilespmem:v52+s13+$0x0], $0xffff  }
0x395: {  	v37 =	vor.u32 v31, v46  }
0x396: {  	s30 =	ssub.s32 s8, s9  }
0x397: {  	v54 =	vmov s30  }
0x398: {  	v39 =	vand.u32 $0x7F, v54  }
0x399: {  	v55 =	vbroadcast v39, $0x0;
	[tilespmem:v53+s22+$0x0] =	vst.idx.msk $0xffff, v36  }
0x39a: {  	v56 =	vor.u32 v7, v40;
	v37 =	vld.idx.msk [tilespmem:v37+s13+$0x0], $0xffff  }
0x39b: {  	v39 =	vor.u32 v32, v55  }
0x39c: {  	v57 =	vmov s24  }
0x39d: {  	v40 =	vand.u32 $0x7F, v57  }
0x39e: {  	v40 =	vbroadcast v40, $0x0  }
0x39f: {  	[tilespmem:v56+s22+$0x0] =	vst.idx.msk $0xffff, v37  }
0x3a0: {  	v58 =	vor.u32 v0, v40;
	v37 =	vld.idx.msk [tilespmem:v39+s13+$0x0], $0xffff  }
0x3a1: {  	v59 =	vor.u32 v33, v55;
	_ =	sdelay $0x3  }
0x3a2: {  	[tilespmem:v58+s22+$0x0] =	vst.idx.msk $0xffff, v37  }
0x3a3: {  	v60 =	vor.u32 v3, v40;
	v37 =	vld.idx.msk [tilespmem:v59+s13+$0x0], $0xffff  }
0x3a4: {  	v61 =	vor.u32 v34, v55;
	_ =	sdelay $0x3  }
0x3a5: {  	[tilespmem:v60+s22+$0x0] =	vst.idx.msk $0xffff, v37  }
0x3a6: {  	v62 =	vor.u32 v5, v40;
	v37 =	vld.idx.msk [tilespmem:v61+s13+$0x0], $0xffff  }
0x3a7: {  	v36 =	vor.u32 v35, v55;
	_ =	sdelay $0x3  }
0x3a8: {  	[tilespmem:v62+s22+$0x0] =	vst.idx.msk $0xffff, v37  }
0x3a9: {  	p0 =	sne.s32 s24, $0x7F;
	v63 =	vor.u32 v7, v40;
	v36 =	vld.idx.msk [tilespmem:v36+s13+$0x0], $0xffff  }
.Ltmp0:
0x3aa: {  	_ = 	snop;
	(pc) =	sbr.rel @p0 .LBB2_2-.Ltmp0, $4  }
0x3ab: {  	s31 =	simm.s32 $0x4900;
	s11 =	simm.s32 $0xE500;
	s5 =	simm.s32 $0x6100  }
0x3ac: {  	s7 =	simm.s32 $0xE100;
	s6 =	simm.s32 $0xA100;
	s12 =	simm.s32 $0x12500  }
0x3ad: {  	s10 =	simm.s32 $0xA500;
	s2 =	rddreg [dreg:$0xd];
	s9 =	simm.s32 $0x6500  }
0x3ae: {  	s8 =	simm.s32 $0x12100;
	s3 =	sadd.s32 $0x10, s2;
	s24 =	sadd.s32 $0x10, s24;
	[tilespmem:v63+s22+$0x0] =	vst.idx.msk $0xffff, v36  }
0x3af: {  	s0 =	rddreg [dreg:$0x9];
	s2 =	simm.s32 $0x400;
	s3 =	simm.s32 $0x8000  }
0x3b0: {  	[hbm4b:s0+s2] =	stream.strided.scatter [tilespmem:s22], [sflag:$0x3], $0x2000, s3, s2, $0x38;
	[tilespmem:$0x16100] =	vst v63  }
0x3b1: {  	s2 =	simm.s32 $0x3  }
0x3b2: {  	_ =	swait.ge [sflag:s2], $0x2000  }
0x3b3: {  	[sflag:s2] =	ssyncset.done $0x0  }
0x3b4: {  	s28 =	simm.s32 $0x1;
	[sflag:s2] =	ssyncadd.s32 $0xFFFFE000  }
0x3b5: {  	_ =	swait.ge [sflag:s28], $0x4000  }
0x3b6: {  	[sflag:s28] =	ssyncset.done $0x0  }
0x3b7: {  	s3 =	simm.s32 $0x80;
	s29 =	rddreg [dreg:$0xa];
	[sflag:s28] =	ssyncadd.s32 $0xFFFFC000  }
0x3b8: {  	[hbm4b:s29+s4] =	stream.linear.scatter [tilespmem:s3], [sflag:$0x3], $0x4000, $0x38;
	[tilespmem:$0x16100] =	vst v63  }
0x3b9: {  	_ =	swait.ge [sflag:s2], $0x4000  }
0x3ba: {  	s23 =	rddreg [dreg:$0xc]  }
0x3bb: {  	s30 =	rddreg [dreg:$0xb];
	s23 =	sadd.s32 $0x1, s23  }
0x3bc: {  	p0 =	sne.s32 s23, s30  }
.Ltmp1:
0x3bd: {  	_ = 	snop;
	(pc) =	sbr.rel @p0 .LBB2_1-.Ltmp1, $3  }
0x3be: {  	_ =	sdelay $0x1  }
0x3bf: {  	[sflag:s2] =	ssyncset.done $0x0  }
0x3c0: {  	[sflag:s2] =	ssyncadd.s32 $0xFFFFC000  }
0x3c1: {  	_ =	sfence.sel $0x180000  }
0x3c2: {  	[bflag:$0x0] =	sbarrier.arrive $0xFFFF  }
0x3c3: {  	_ =	strace $0x90000047  }
0x3c4: {  	s0 =	stileid.u32;
	[bflag:$0x2] =	sbarrier.arrive $0xFFFF  }
0x3c5: {  	p0 =	sne.s32 s0, $0x0;
	s0 =	rddreg [dreg:$0x6]  }
0x3c6: {  	s0 =	sadd.s32 @!p0 $0x100000, s0  }
0x3c7: {  	[sflag:s0] =	ssyncadd.tile.s32 @!p0 $0x1;
	_ =	shalt  }
.Lfunc_end2:
_tile_overlayer_lowered:
.L_overlay_start_2:
0x3c8: {  	(tag) =	ssettag $0x2  }
0x3c9: {  	s0 =	rddreg [dreg:$0x0];
	s2 =	stileid.u32  }
0x3ca: {  	s1 =	rddreg [dreg:$0x1];
	p0 =	sne.s32 s2, $0x0  }
0x3cb: {  	s3 =	rddreg [dreg:$0x2];
	[bflag:$0x3] =	sbarrier.arrive $0xFFFF;
	s2 =	simm.s32 @!p0 $0x1C03  }
0x3cc: {  	[timem:s3], [sflag:s2] =	dma.local @!p0 [hbm:s0], s1  }
0x3cd: {  	s0 =	simm.s32 @!p0 $0x3  }
0x3ce: {  	_ =	swait.ge @!p0 [sflag:s0], s1  }
0x3cf: {  	s1 =	ssub.s32 @!p0 $0x0, s1;
	[sflag:s0] =	ssyncset.done @!p0 $0x0  }
0x3d0: {  	[sflag:s0] =	ssyncadd.s32 @!p0 s1  }
0x3d1: {  	[bflag:$0x3] =	sbarrier.arrive $0xFFFF  }
0x3d2: {  	_ =	shalt  }

</sc_bundles>
